<compile_context>
chip_gen: v7x
topology: tpu7x:2x2x1
jax: 0.10.2.dev20260603
libtpu: 0.0.44.dev20260713+nightly
codegen_flags: <defaults>
</compile_context>

<pallas_src>
import functools

import jax
import jax.numpy as jnp
from jax import lax
from jax.experimental import pallas as pl
from jax.experimental.pallas import tpu as pltpu
from jax.experimental.pallas import tpu_sc as plsc

_NC = 2
_NS = 16
_NW = _NC * _NS
_L = 16
_EPS = 1e-8


def _make_sc_gather(batch, seq, vocab, hidden, s0, s_cnt):
    assert hidden % _L == 0
    assert batch % _NW == 0
    chunk = batch // _NW
    assert chunk % 8 == 0 and chunk <= 128
    n_chunks = s_cnt
    assert n_chunks % 2 == 0

    mesh = plsc.VectorSubcoreMesh(
        core_axis_name="c", subcore_axis_name="s",
        num_cores=_NC, num_subcores=_NS)

    @functools.partial(
        pl.kernel,
        out_type=jax.ShapeDtypeStruct((s_cnt * batch, hidden), jnp.float32),
        mesh=mesh,
        scratch_types=[
            pltpu.VMEM((chunk,), jnp.int32),
            pltpu.VMEM((chunk,), jnp.int32),
            pltpu.VMEM((chunk, hidden), jnp.float32),
            pltpu.VMEM((chunk, hidden), jnp.float32),
            pltpu.SemaphoreType.DMA,
            pltpu.SemaphoreType.DMA,
            pltpu.SemaphoreType.DMA,
            pltpu.SemaphoreType.DMA,
            pltpu.SemaphoreType.DMA,
            pltpu.SemaphoreType.DMA,
        ],
        compiler_params=pltpu.CompilerParams(needs_layout_passes=False),
    )
    def k(tok_hbm, words_hbm, out_hbm,
          idx0_v, idx1_v, in0_v, in1_v,
          sg0, sg1, ss0, ss1, si0, si1):
        wid = lax.axis_index("s") * _NC + lax.axis_index("c")
        obase = wid * chunk

        def tok_slice(s):
            return tok_hbm.at[pl.ds((s0 + s) * batch + obase, chunk)]

        idx_b, in_b = (idx0_v, idx1_v), (in0_v, in1_v)
        sg_b, ss_b = (sg0, sg1), (ss0, ss1)
        si_b = (si0, si1)
        pltpu.sync_copy(tok_slice(0), idx_b[0])
        pltpu.async_copy(words_hbm.at[idx_b[0]], in_b[0], sg_b[0])
        pltpu.async_copy(tok_slice(1), idx_b[1], si_b[1])

        def pair_body(i, carry):
            for b in range(2):
                s = 2 * i + b
                p, q = b, 1 - b

                pltpu.make_async_copy(
                    words_hbm.at[idx_b[p]], in_b[p], sg_b[p]).wait()
                pltpu.async_copy(
                    in_b[p], out_hbm.at[pl.ds(s * batch + obase, chunk)],
                    ss_b[p])

                @pl.when(s + 2 < n_chunks)
                def _():
                    pltpu.async_copy(tok_slice(s + 2), idx_b[p], si_b[p])

                @pl.when(s >= 1)
                def _():
                    pltpu.make_async_copy(
                        in_b[q], out_hbm.at[pl.ds(obase, chunk)],
                        ss_b[q]).wait()

                @pl.when(s + 1 < n_chunks)
                def _():
                    pltpu.make_async_copy(
                        tok_slice(s + 1), idx_b[q], si_b[q]).wait()
                    pltpu.async_copy(words_hbm.at[idx_b[q]], in_b[q], sg_b[q])
            return carry

        lax.fori_loop(0, n_chunks // 2, pair_body, 0)
        pltpu.make_async_copy(
            in_b[1], out_hbm.at[pl.ds(obase, chunk)], ss_b[1]).wait()

    return k


def _make_tc_ln(batch, seq, hidden, blk, s0, s_cnt, first):
    assert blk == batch
    grid = (s_cnt * batch) // blk
    blk0 = (s0 * batch) // blk

    def body(emb_ref, pos_ref, *refs):
        if first:
            gamma_ref, beta_ref, o_ref = refs
        else:
            _, gamma_ref, beta_ref, o_ref = refs
        w = emb_ref[...]
        keep = jnp.any(w != 0.0, axis=-1, keepdims=True).astype(jnp.float32)
        x = w + pos_ref[0]
        mean = jnp.mean(x, axis=-1, keepdims=True)
        xc = x - mean
        var = jnp.mean(xc * xc, axis=-1, keepdims=True)
        r = lax.rsqrt(var + jnp.float32(_EPS))
        o_ref[...] = (xc * r * gamma_ref[0] + beta_ref[0]) * keep

    in_specs = [pl.BlockSpec((blk, hidden), lambda i: (i, 0)),
                pl.BlockSpec((1, 1, hidden), lambda i: (s0 + i, 0, 0))]
    aliases = {}
    if not first:
        in_specs.append(pl.BlockSpec(memory_space=pl.ANY))
        aliases = {2: 0}
    in_specs += [
        pl.BlockSpec((1, 1, hidden), lambda i: (0, 0, 0)),
        pl.BlockSpec((1, 1, hidden), lambda i: (0, 0, 0)),
    ]
    return pl.pallas_call(
        body,
        out_shape=jax.ShapeDtypeStruct((seq * batch, hidden), jnp.float32),
        grid=(grid,),
        in_specs=in_specs,
        out_specs=pl.BlockSpec((blk, hidden), lambda i: (blk0 + i, 0)),
        input_output_aliases=aliases,
    )


def kernel(tokens, words, positions, gamma, beta):
    batch, seq = tokens.shape
    vocab, hidden = words.shape
    tok_flat = tokens.transpose(1, 0).reshape(seq * batch).astype(jnp.int32)
    n_pieces = 5
    assert seq % n_pieces == 0
    s_cnt = seq // n_pieces
    g3 = gamma.reshape(1, 1, hidden)
    b3 = beta.reshape(1, 1, hidden)
    pos3 = positions.reshape(seq, 1, hidden)
    embs = []
    for p in range(n_pieces):
        sc = _make_sc_gather(batch, seq, vocab, hidden, p * s_cnt, s_cnt)
        embs.append(sc(tok_flat, words))
    out = None
    for p in range(n_pieces):
        tc = _make_tc_ln(batch, seq, hidden, batch, p * s_cnt, s_cnt, p == 0)
        if p == 0:
            out = tc(embs[p], pos3, g3, b3)
        else:
            out = tc(embs[p], pos3, out, g3, b3)
    return out.reshape(seq, batch, hidden).transpose(1, 0, 2)

# --- scband reference (transcript-rebuilt; emitter-appended) ---
"""Pipeline reference for scband-word-and-positional-embedding-11304353923416 (READ-ONLY COPY).

The authoritative reference and input builder live on the scoring server;
editing this copy changes nothing except your own understanding.
"""

import jax, jax.numpy as jnp
import numpy as np

VOCAB = 100000
HIDDEN = 128
MAX_LEN = 50
BATCH = 4096
SEQ = 50
PAD_IDX = 0
EPS = 1e-08


def setup_inputs(seed: int = 0) -> dict:
    key = jax.random.key(seed)
    k_tok, k_w, k_p = jax.random.split(key, 3)
    tokens = jax.random.randint(k_tok, (BATCH, SEQ), 0, VOCAB, dtype=jnp.int64 if jax.config.jax_enable_x64 else jnp.int32)
    words = jax.random.normal(k_w, (VOCAB, HIDDEN), dtype=jnp.float32) * 0.02
    # nn.Embedding with padding_idx zeroes that row at init
    words = words.at[PAD_IDX].set(0.0)
    positions = jax.random.normal(k_p, (MAX_LEN, HIDDEN), dtype=jnp.float32) * 0.02
    gamma = jnp.ones((HIDDEN,), dtype=jnp.float32)
    beta = jnp.zeros((HIDDEN,), dtype=jnp.float32)
    return {"tokens": tokens, "words": words, "positions": positions, "gamma": gamma, "beta": beta}


def reference(tokens, words, positions, gamma, beta):
    batch, seq = tokens.shape
    pos_idx = jnp.broadcast_to(jnp.arange(seq, dtype=tokens.dtype)[None, :], (batch, seq))
    word_emb = jnp.take(words, tokens, axis=0)
    pos_emb = jnp.take(positions, pos_idx, axis=0)
    emb = word_emb + pos_emb
    mean = jnp.mean(emb, axis=-1, keepdims=True)
    var = jnp.mean(jnp.square(emb - mean), axis=-1, keepdims=True)
    normed = (emb - mean) / jnp.sqrt(var + EPS)
    normed = normed * gamma + beta
    # dropout is identity in eval mode
    token_mask = (tokens != PAD_IDX)[..., None].astype(normed.dtype)
    return normed * token_mask

if __name__ == "__main__":
    import jax
    _d = setup_inputs()
    print(jax.jit(kernel)(*tuple(_d.values())))

</pallas_src>

<mosaic_0001>
#map = affine_map<(d0, d1) -> (0)>
#map1 = affine_map<(d0, d1) -> (0, 0)>
module attributes {stable_mosaic.version = 14 : i64} {
  func.func @k(%arg0: i32, %arg1: i32, %arg2: memref<204800xi32, #tpu.memory_space<hbm>>, %arg3: memref<100000x128xf32, #tpu.memory_space<hbm>>, %arg4: memref<40960x128xf32, #tpu.memory_space<hbm>>, %arg5: memref<128xi32, #tpu.memory_space<vmem>>, %arg6: memref<128xi32, #tpu.memory_space<vmem>>, %arg7: memref<128x128xf32, #tpu.memory_space<vmem>>, %arg8: memref<128x128xf32, #tpu.memory_space<vmem>>, %arg9: memref<!tpu.dma_semaphore, #tpu.memory_space<semaphore_mem>>, %arg10: memref<!tpu.dma_semaphore, #tpu.memory_space<semaphore_mem>>, %arg11: memref<!tpu.dma_semaphore, #tpu.memory_space<semaphore_mem>>, %arg12: memref<!tpu.dma_semaphore, #tpu.memory_space<semaphore_mem>>, %arg13: memref<!tpu.dma_semaphore, #tpu.memory_space<semaphore_mem>>, %arg14: memref<!tpu.dma_semaphore, #tpu.memory_space<semaphore_mem>>) attributes {dimension_semantics = [#tpu.dimension_semantics<core_parallel>, #tpu.dimension_semantics<subcore_parallel>], iteration_bounds = array<i64: 2, 16>, scalar_prefetch = 0 : i64, scratch_operands = 10 : i64, tpu.core_type = #tpu.core_type<sc_vector_subcore>, window_params = [{transform_indices = #map}, {transform_indices = #map1}, {transform_indices = #map1}]} {
    %mul3A = arith.constant 2 : i32
    %mul3A_0 = arith.muli %arg1, %mul3A : i32
    %add3A = arith.addi %mul3A_0, %arg0 : i32
    %mul3A_1 = arith.constant 128 : i32
    %mul3A_2 = arith.muli %add3A, %mul3A_1 : i32
    %add3A_3 = arith.constant 40960 : i32
    %add3A_4 = arith.addi %add3A_3, %mul3A_2 : i32
    "tpu.region"() ({
      %run_scoped3A = tpu.sem_alloc : memref<!tpu.dma_semaphore, #tpu.memory_space<semaphore_mem>>
      %dma_start3A_19 = tpu.memref_slice %arg2[%add3A_4] : memref<204800xi32, #tpu.memory_space<hbm>> -> memref<128xi32, #tpu.memory_space<hbm>>
      %dma_start3A_20 = tpu.memref_slice %arg2[%add3A_4] : memref<204800xi32, #tpu.memory_space<hbm>> -> memref<128xi32, #tpu.memory_space<hbm>>
      tpu.enqueue_dma source(%dma_start3A_20 : memref<128xi32, #tpu.memory_space<hbm>>) target(%arg5 : memref<128xi32, #tpu.memory_space<vmem>>) target_semaphore(%run_scoped3A : memref<!tpu.dma_semaphore, #tpu.memory_space<semaphore_mem>>)
      %dma_wait3A_21 = tpu.memref_slice %arg2[%add3A_4] : memref<204800xi32, #tpu.memory_space<hbm>> -> memref<128xi32, #tpu.memory_space<hbm>>
      %dma_wait3A_22 = tpu.memref_slice %arg2[%add3A_4] : memref<204800xi32, #tpu.memory_space<hbm>> -> memref<128xi32, #tpu.memory_space<hbm>>
      tpu.wait_dma2 semaphore(%run_scoped3A : memref<!tpu.dma_semaphore, #tpu.memory_space<semaphore_mem>>) src(%dma_wait3A_22 : memref<128xi32, #tpu.memory_space<hbm>>) dst(%arg5 : memref<128xi32, #tpu.memory_space<vmem>>)
      tpu.yield
    }) : () -> ()
    %dma_start3A = arith.constant 0 : i32
    %dma_start3A_5 = arith.constant 0 : i32
    %dma_start3A_6 = tpu.memref_slice %arg3[%dma_start3A, %dma_start3A_5] : memref<100000x128xf32, #tpu.memory_space<hbm>> -> memref<100000x128xf32, #tpu.memory_space<hbm>>
    tpu.enqueue_indirect_dma source(%dma_start3A_6 : memref<100000x128xf32, #tpu.memory_space<hbm>>) target(%arg7 : memref<128x128xf32, #tpu.memory_space<vmem>>) offsets(%arg5 : memref<128xi32, #tpu.memory_space<vmem>>) semaphore(%arg9 : memref<!tpu.dma_semaphore, #tpu.memory_space<semaphore_mem>>)
    %add3A_7 = arith.constant 45056 : i32
    %add3A_8 = arith.addi %add3A_7, %mul3A_2 : i32
    %dma_start3A_9 = tpu.memref_slice %arg2[%add3A_8] : memref<204800xi32, #tpu.memory_space<hbm>> -> memref<128xi32, #tpu.memory_space<hbm>>
    %dma_start3A_10 = tpu.memref_slice %arg2[%add3A_8] : memref<204800xi32, #tpu.memory_space<hbm>> -> memref<128xi32, #tpu.memory_space<hbm>>
    tpu.enqueue_dma source(%dma_start3A_10 : memref<128xi32, #tpu.memory_space<hbm>>) target(%arg6 : memref<128xi32, #tpu.memory_space<vmem>>) target_semaphore(%arg14 : memref<!tpu.dma_semaphore, #tpu.memory_space<semaphore_mem>>)
    %scan3A = arith.constant 0 : i32
    %scan3A_11 = arith.constant 0 : i32
    %scan3A_12 = arith.constant 5 : i32
    %scan3A_13 = arith.addi %scan3A_11, %scan3A_12 : i32
    %scan3A_14 = arith.constant 1 : i32
    scf.for %scan3A_19 = %scan3A_11 to %scan3A_13 step %scan3A_14  : i32 {
      %mul3A_20 = arith.constant 2 : i32
      %mul3A_21 = arith.muli %mul3A_20, %scan3A_19 : i32
      %add3A_22 = arith.constant 0 : i32
      %add3A_23 = arith.addi %mul3A_21, %add3A_22 : i32
      %dma_wait3A_24 = arith.constant 0 : i32
      %dma_wait3A_25 = arith.constant 0 : i32
      %dma_wait3A_26 = tpu.memref_slice %arg3[%dma_wait3A_24, %dma_wait3A_25] : memref<100000x128xf32, #tpu.memory_space<hbm>> -> memref<100000x128xf32, #tpu.memory_space<hbm>>
      tpu.wait_indirect_dma semaphore(%arg9 : memref<!tpu.dma_semaphore, #tpu.memory_space<semaphore_mem>>) src(%dma_wait3A_26 : memref<100000x128xf32, #tpu.memory_space<hbm>>) dst(%arg7 : memref<128x128xf32, #tpu.memory_space<vmem>>)
      %mul3A_27 = arith.constant 4096 : i32
      %mul3A_28 = arith.muli %add3A_23, %mul3A_27 : i32
      %add3A_29 = arith.addi %mul3A_28, %mul3A_2 : i32
      %dma_start3A_30 = arith.constant 0 : i32
      %dma_start3A_31 = tpu.memref_slice %arg4[%add3A_29, %dma_start3A_30] : memref<40960x128xf32, #tpu.memory_space<hbm>> -> memref<128x128xf32, #tpu.memory_space<hbm>>
      %dma_start3A_32 = arith.constant 0 : i32
      %dma_start3A_33 = tpu.memref_slice %arg4[%add3A_29, %dma_start3A_32] : memref<40960x128xf32, #tpu.memory_space<hbm>> -> memref<128x128xf32, #tpu.memory_space<hbm>>
      tpu.enqueue_dma source(%arg7 : memref<128x128xf32, #tpu.memory_space<vmem>>) target(%dma_start3A_33 : memref<128x128xf32, #tpu.memory_space<hbm>>) target_semaphore(%arg11 : memref<!tpu.dma_semaphore, #tpu.memory_space<semaphore_mem>>)
      %add3A_34 = arith.constant 2 : i32
      %add3A_35 = arith.addi %add3A_23, %add3A_34 : i32
      %lt3A = arith.constant 10 : i32
      %lt3A_36 = arith.cmpi slt, %add3A_35, %lt3A : i32
      %convert_element_type3A = arith.extui %lt3A_36 : i1 to i32
      %cond3A = arith.constant 0 : i32
      %cond3A_37 = arith.cmpi ne, %convert_element_type3A, %cond3A : i32
      scf.if %cond3A_37 {
        %add3A_82 = arith.constant 2 : i32
        %add3A_83 = arith.addi %add3A_23, %add3A_82 : i32
        %add3A_84 = arith.constant 10 : i32
        %add3A_85 = arith.addi %add3A_84, %add3A_83 : i32
        %mul3A_86 = arith.constant 4096 : i32
        %mul3A_87 = arith.muli %add3A_85, %mul3A_86 : i32
        %add3A_88 = arith.addi %mul3A_87, %mul3A_2 : i32
        %dma_start3A_89 = tpu.memref_slice %arg2[%add3A_88] : memref<204800xi32, #tpu.memory_space<hbm>> -> memref<128xi32, #tpu.memory_space<hbm>>
        %dma_start3A_90 = tpu.memref_slice %arg2[%add3A_88] : memref<204800xi32, #tpu.memory_space<hbm>> -> memref<128xi32, #tpu.memory_space<hbm>>
        tpu.enqueue_dma source(%dma_start3A_90 : memref<128xi32, #tpu.memory_space<hbm>>) target(%arg5 : memref<128xi32, #tpu.memory_space<vmem>>) target_semaphore(%arg13 : memref<!tpu.dma_semaphore, #tpu.memory_space<semaphore_mem>>)
      } else {
      }
      %ge3A = arith.constant 1 : i32
      %ge3A_38 = arith.cmpi sge, %add3A_23, %ge3A : i32
      %convert_element_type3A_39 = arith.extui %ge3A_38 : i1 to i32
      %cond3A_40 = arith.constant 0 : i32
      %cond3A_41 = arith.cmpi ne, %convert_element_type3A_39, %cond3A_40 : i32
      scf.if %cond3A_41 {
        %dma_wait3A_82 = arith.constant 0 : i32
        %dma_wait3A_83 = tpu.memref_slice %arg4[%mul3A_2, %dma_wait3A_82] : memref<40960x128xf32, #tpu.memory_space<hbm>> -> memref<128x128xf32, #tpu.memory_space<hbm>>
        %dma_wait3A_84 = arith.constant 0 : i32
        %dma_wait3A_85 = tpu.memref_slice %arg4[%mul3A_2, %dma_wait3A_84] : memref<40960x128xf32, #tpu.memory_space<hbm>> -> memref<128x128xf32, #tpu.memory_space<hbm>>
        tpu.wait_dma2 semaphore(%arg12 : memref<!tpu.dma_semaphore, #tpu.memory_space<semaphore_mem>>) src(%arg8 : memref<128x128xf32, #tpu.memory_space<vmem>>) dst(%dma_wait3A_85 : memref<128x128xf32, #tpu.memory_space<hbm>>)
      } else {
      }
      %add3A_42 = arith.constant 1 : i32
      %add3A_43 = arith.addi %add3A_23, %add3A_42 : i32
      %lt3A_44 = arith.constant 10 : i32
      %lt3A_45 = arith.cmpi slt, %add3A_43, %lt3A_44 : i32
      %convert_element_type3A_46 = arith.extui %lt3A_45 : i1 to i32
      %cond3A_47 = arith.constant 0 : i32
      %cond3A_48 = arith.cmpi ne, %convert_element_type3A_46, %cond3A_47 : i32
      scf.if %cond3A_48 {
        %add3A_82 = arith.constant 1 : i32
        %add3A_83 = arith.addi %add3A_23, %add3A_82 : i32
        %add3A_84 = arith.constant 10 : i32
        %add3A_85 = arith.addi %add3A_84, %add3A_83 : i32
        %mul3A_86 = arith.constant 4096 : i32
        %mul3A_87 = arith.muli %add3A_85, %mul3A_86 : i32
        %add3A_88 = arith.addi %mul3A_87, %mul3A_2 : i32
        %dma_wait3A_89 = tpu.memref_slice %arg2[%add3A_88] : memref<204800xi32, #tpu.memory_space<hbm>> -> memref<128xi32, #tpu.memory_space<hbm>>
        %dma_wait3A_90 = tpu.memref_slice %arg2[%add3A_88] : memref<204800xi32, #tpu.memory_space<hbm>> -> memref<128xi32, #tpu.memory_space<hbm>>
        tpu.wait_dma2 semaphore(%arg14 : memref<!tpu.dma_semaphore, #tpu.memory_space<semaphore_mem>>) src(%dma_wait3A_90 : memref<128xi32, #tpu.memory_space<hbm>>) dst(%arg6 : memref<128xi32, #tpu.memory_space<vmem>>)
        %dma_start3A_91 = arith.constant 0 : i32
        %dma_start3A_92 = arith.constant 0 : i32
        %dma_start3A_93 = tpu.memref_slice %arg3[%dma_start3A_91, %dma_start3A_92] : memref<100000x128xf32, #tpu.memory_space<hbm>> -> memref<100000x128xf32, #tpu.memory_space<hbm>>
        tpu.enqueue_indirect_dma source(%dma_start3A_93 : memref<100000x128xf32, #tpu.memory_space<hbm>>) target(%arg8 : memref<128x128xf32, #tpu.memory_space<vmem>>) offsets(%arg6 : memref<128xi32, #tpu.memory_space<vmem>>) semaphore(%arg10 : memref<!tpu.dma_semaphore, #tpu.memory_space<semaphore_mem>>)
      } else {
      }
      %mul3A_49 = arith.constant 2 : i32
      %mul3A_50 = arith.muli %mul3A_49, %scan3A_19 : i32
      %add3A_51 = arith.constant 1 : i32
      %add3A_52 = arith.addi %mul3A_50, %add3A_51 : i32
      %dma_wait3A_53 = arith.constant 0 : i32
      %dma_wait3A_54 = arith.constant 0 : i32
      %dma_wait3A_55 = tpu.memref_slice %arg3[%dma_wait3A_53, %dma_wait3A_54] : memref<100000x128xf32, #tpu.memory_space<hbm>> -> memref<100000x128xf32, #tpu.memory_space<hbm>>
      tpu.wait_indirect_dma semaphore(%arg10 : memref<!tpu.dma_semaphore, #tpu.memory_space<semaphore_mem>>) src(%dma_wait3A_55 : memref<100000x128xf32, #tpu.memory_space<hbm>>) dst(%arg8 : memref<128x128xf32, #tpu.memory_space<vmem>>)
      %mul3A_56 = arith.constant 4096 : i32
      %mul3A_57 = arith.muli %add3A_52, %mul3A_56 : i32
      %add3A_58 = arith.addi %mul3A_57, %mul3A_2 : i32
      %dma_start3A_59 = arith.constant 0 : i32
      %dma_start3A_60 = tpu.memref_slice %arg4[%add3A_58, %dma_start3A_59] : memref<40960x128xf32, #tpu.memory_space<hbm>> -> memref<128x128xf32, #tpu.memory_space<hbm>>
      %dma_start3A_61 = arith.constant 0 : i32
      %dma_start3A_62 = tpu.memref_slice %arg4[%add3A_58, %dma_start3A_61] : memref<40960x128xf32, #tpu.memory_space<hbm>> -> memref<128x128xf32, #tpu.memory_space<hbm>>
      tpu.enqueue_dma source(%arg8 : memref<128x128xf32, #tpu.memory_space<vmem>>) target(%dma_start3A_62 : memref<128x128xf32, #tpu.memory_space<hbm>>) target_semaphore(%arg12 : memref<!tpu.dma_semaphore, #tpu.memory_space<semaphore_mem>>)
      %add3A_63 = arith.constant 2 : i32
      %add3A_64 = arith.addi %add3A_52, %add3A_63 : i32
      %lt3A_65 = arith.constant 10 : i32
      %lt3A_66 = arith.cmpi slt, %add3A_64, %lt3A_65 : i32
      %convert_element_type3A_67 = arith.extui %lt3A_66 : i1 to i32
      %cond3A_68 = arith.constant 0 : i32
      %cond3A_69 = arith.cmpi ne, %convert_element_type3A_67, %cond3A_68 : i32
      scf.if %cond3A_69 {
        %add3A_82 = arith.constant 2 : i32
        %add3A_83 = arith.addi %add3A_52, %add3A_82 : i32
        %add3A_84 = arith.constant 10 : i32
        %add3A_85 = arith.addi %add3A_84, %add3A_83 : i32
        %mul3A_86 = arith.constant 4096 : i32
        %mul3A_87 = arith.muli %add3A_85, %mul3A_86 : i32
        %add3A_88 = arith.addi %mul3A_87, %mul3A_2 : i32
        %dma_start3A_89 = tpu.memref_slice %arg2[%add3A_88] : memref<204800xi32, #tpu.memory_space<hbm>> -> memref<128xi32, #tpu.memory_space<hbm>>
        %dma_start3A_90 = tpu.memref_slice %arg2[%add3A_88] : memref<204800xi32, #tpu.memory_space<hbm>> -> memref<128xi32, #tpu.memory_space<hbm>>
        tpu.enqueue_dma source(%dma_start3A_90 : memref<128xi32, #tpu.memory_space<hbm>>) target(%arg6 : memref<128xi32, #tpu.memory_space<vmem>>) target_semaphore(%arg14 : memref<!tpu.dma_semaphore, #tpu.memory_space<semaphore_mem>>)
      } else {
      }
      %ge3A_70 = arith.constant 1 : i32
      %ge3A_71 = arith.cmpi sge, %add3A_52, %ge3A_70 : i32
      %convert_element_type3A_72 = arith.extui %ge3A_71 : i1 to i32
      %cond3A_73 = arith.constant 0 : i32
      %cond3A_74 = arith.cmpi ne, %convert_element_type3A_72, %cond3A_73 : i32
      scf.if %cond3A_74 {
        %dma_wait3A_82 = arith.constant 0 : i32
        %dma_wait3A_83 = tpu.memref_slice %arg4[%mul3A_2, %dma_wait3A_82] : memref<40960x128xf32, #tpu.memory_space<hbm>> -> memref<128x128xf32, #tpu.memory_space<hbm>>
        %dma_wait3A_84 = arith.constant 0 : i32
        %dma_wait3A_85 = tpu.memref_slice %arg4[%mul3A_2, %dma_wait3A_84] : memref<40960x128xf32, #tpu.memory_space<hbm>> -> memref<128x128xf32, #tpu.memory_space<hbm>>
        tpu.wait_dma2 semaphore(%arg11 : memref<!tpu.dma_semaphore, #tpu.memory_space<semaphore_mem>>) src(%arg7 : memref<128x128xf32, #tpu.memory_space<vmem>>) dst(%dma_wait3A_85 : memref<128x128xf32, #tpu.memory_space<hbm>>)
      } else {
      }
      %add3A_75 = arith.constant 1 : i32
      %add3A_76 = arith.addi %add3A_52, %add3A_75 : i32
      %lt3A_77 = arith.constant 10 : i32
      %lt3A_78 = arith.cmpi slt, %add3A_76, %lt3A_77 : i32
      %convert_element_type3A_79 = arith.extui %lt3A_78 : i1 to i32
      %cond3A_80 = arith.constant 0 : i32
      %cond3A_81 = arith.cmpi ne, %convert_element_type3A_79, %cond3A_80 : i32
      scf.if %cond3A_81 {
        %add3A_82 = arith.constant 1 : i32
        %add3A_83 = arith.addi %add3A_52, %add3A_82 : i32
        %add3A_84 = arith.constant 10 : i32
        %add3A_85 = arith.addi %add3A_84, %add3A_83 : i32
        %mul3A_86 = arith.constant 4096 : i32
        %mul3A_87 = arith.muli %add3A_85, %mul3A_86 : i32
        %add3A_88 = arith.addi %mul3A_87, %mul3A_2 : i32
        %dma_wait3A_89 = tpu.memref_slice %arg2[%add3A_88] : memref<204800xi32, #tpu.memory_space<hbm>> -> memref<128xi32, #tpu.memory_space<hbm>>
        %dma_wait3A_90 = tpu.memref_slice %arg2[%add3A_88] : memref<204800xi32, #tpu.memory_space<hbm>> -> memref<128xi32, #tpu.memory_space<hbm>>
        tpu.wait_dma2 semaphore(%arg13 : memref<!tpu.dma_semaphore, #tpu.memory_space<semaphore_mem>>) src(%dma_wait3A_90 : memref<128xi32, #tpu.memory_space<hbm>>) dst(%arg5 : memref<128xi32, #tpu.memory_space<vmem>>)
        %dma_start3A_91 = arith.constant 0 : i32
        %dma_start3A_92 = arith.constant 0 : i32
        %dma_start3A_93 = tpu.memref_slice %arg3[%dma_start3A_91, %dma_start3A_92] : memref<100000x128xf32, #tpu.memory_space<hbm>> -> memref<100000x128xf32, #tpu.memory_space<hbm>>
        tpu.enqueue_indirect_dma source(%dma_start3A_93 : memref<100000x128xf32, #tpu.memory_space<hbm>>) target(%arg7 : memref<128x128xf32, #tpu.memory_space<vmem>>) offsets(%arg5 : memref<128xi32, #tpu.memory_space<vmem>>) semaphore(%arg9 : memref<!tpu.dma_semaphore, #tpu.memory_space<semaphore_mem>>)
      } else {
      }
    }
    %scan3A_15 = arith.constant 5 : i32
    %dma_wait3A = arith.constant 0 : i32
    %dma_wait3A_16 = tpu.memref_slice %arg4[%mul3A_2, %dma_wait3A] : memref<40960x128xf32, #tpu.memory_space<hbm>> -> memref<128x128xf32, #tpu.memory_space<hbm>>
    %dma_wait3A_17 = arith.constant 0 : i32
    %dma_wait3A_18 = tpu.memref_slice %arg4[%mul3A_2, %dma_wait3A_17] : memref<40960x128xf32, #tpu.memory_space<hbm>> -> memref<128x128xf32, #tpu.memory_space<hbm>>
    tpu.wait_dma2 semaphore(%arg12 : memref<!tpu.dma_semaphore, #tpu.memory_space<semaphore_mem>>) src(%arg8 : memref<128x128xf32, #tpu.memory_space<vmem>>) dst(%dma_wait3A_18 : memref<128x128xf32, #tpu.memory_space<hbm>>)
    return
  }
}

#map = affine_map<(d0, d1) -> (0)>
#map1 = affine_map<(d0, d1) -> (0, 0)>
module attributes {stable_mosaic.version = 14 : i64} {
  func.func @k(%arg0: i32, %arg1: i32, %arg2: memref<204800xi32, #tpu.memory_space<hbm>>, %arg3: memref<100000x128xf32, #tpu.memory_space<hbm>>, %arg4: memref<40960x128xf32, #tpu.memory_space<hbm>>, %arg5: memref<128xi32, #tpu.memory_space<vmem>>, %arg6: memref<128xi32, #tpu.memory_space<vmem>>, %arg7: memref<128x128xf32, #tpu.memory_space<vmem>>, %arg8: memref<128x128xf32, #tpu.memory_space<vmem>>, %arg9: memref<!tpu.dma_semaphore, #tpu.memory_space<semaphore_mem>>, %arg10: memref<!tpu.dma_semaphore, #tpu.memory_space<semaphore_mem>>, %arg11: memref<!tpu.dma_semaphore, #tpu.memory_space<semaphore_mem>>, %arg12: memref<!tpu.dma_semaphore, #tpu.memory_space<semaphore_mem>>, %arg13: memref<!tpu.dma_semaphore, #tpu.memory_space<semaphore_mem>>, %arg14: memref<!tpu.dma_semaphore, #tpu.memory_space<semaphore_mem>>) attributes {dimension_semantics = [#tpu.dimension_semantics<core_parallel>, #tpu.dimension_semantics<subcore_parallel>], iteration_bounds = array<i64: 2, 16>, scalar_prefetch = 0 : i64, scratch_operands = 10 : i64, tpu.core_type = #tpu.core_type<sc_vector_subcore>, window_params = [{transform_indices = #map}, {transform_indices = #map1}, {transform_indices = #map1}]} {
    %mul3A = arith.constant 2 : i32
    %mul3A_0 = arith.muli %arg1, %mul3A : i32
    %add3A = arith.addi %mul3A_0, %arg0 : i32
    %mul3A_1 = arith.constant 128 : i32
    %mul3A_2 = arith.muli %add3A, %mul3A_1 : i32
    %add3A_3 = arith.constant 122880 : i32
    %add3A_4 = arith.addi %add3A_3, %mul3A_2 : i32
    "tpu.region"() ({
      %run_scoped3A = tpu.sem_alloc : memref<!tpu.dma_semaphore, #tpu.memory_space<semaphore_mem>>
      %dma_start3A_19 = tpu.memref_slice %arg2[%add3A_4] : memref<204800xi32, #tpu.memory_space<hbm>> -> memref<128xi32, #tpu.memory_space<hbm>>
      %dma_start3A_20 = tpu.memref_slice %arg2[%add3A_4] : memref<204800xi32, #tpu.memory_space<hbm>> -> memref<128xi32, #tpu.memory_space<hbm>>
      tpu.enqueue_dma source(%dma_start3A_20 : memref<128xi32, #tpu.memory_space<hbm>>) target(%arg5 : memref<128xi32, #tpu.memory_space<vmem>>) target_semaphore(%run_scoped3A : memref<!tpu.dma_semaphore, #tpu.memory_space<semaphore_mem>>)
      %dma_wait3A_21 = tpu.memref_slice %arg2[%add3A_4] : memref<204800xi32, #tpu.memory_space<hbm>> -> memref<128xi32, #tpu.memory_space<hbm>>
      %dma_wait3A_22 = tpu.memref_slice %arg2[%add3A_4] : memref<204800xi32, #tpu.memory_space<hbm>> -> memref<128xi32, #tpu.memory_space<hbm>>
      tpu.wait_dma2 semaphore(%run_scoped3A : memref<!tpu.dma_semaphore, #tpu.memory_space<semaphore_mem>>) src(%dma_wait3A_22 : memref<128xi32, #tpu.memory_space<hbm>>) dst(%arg5 : memref<128xi32, #tpu.memory_space<vmem>>)
      tpu.yield
    }) : () -> ()
    %dma_start3A = arith.constant 0 : i32
    %dma_start3A_5 = arith.constant 0 : i32
    %dma_start3A_6 = tpu.memref_slice %arg3[%dma_start3A, %dma_start3A_5] : memref<100000x128xf32, #tpu.memory_space<hbm>> -> memref<100000x128xf32, #tpu.memory_space<hbm>>
    tpu.enqueue_indirect_dma source(%dma_start3A_6 : memref<100000x128xf32, #tpu.memory_space<hbm>>) target(%arg7 : memref<128x128xf32, #tpu.memory_space<vmem>>) offsets(%arg5 : memref<128xi32, #tpu.memory_space<vmem>>) semaphore(%arg9 : memref<!tpu.dma_semaphore, #tpu.memory_space<semaphore_mem>>)
    %add3A_7 = arith.constant 126976 : i32
    %add3A_8 = arith.addi %add3A_7, %mul3A_2 : i32
    %dma_start3A_9 = tpu.memref_slice %arg2[%add3A_8] : memref<204800xi32, #tpu.memory_space<hbm>> -> memref<128xi32, #tpu.memory_space<hbm>>
    %dma_start3A_10 = tpu.memref_slice %arg2[%add3A_8] : memref<204800xi32, #tpu.memory_space<hbm>> -> memref<128xi32, #tpu.memory_space<hbm>>
    tpu.enqueue_dma source(%dma_start3A_10 : memref<128xi32, #tpu.memory_space<hbm>>) target(%arg6 : memref<128xi32, #tpu.memory_space<vmem>>) target_semaphore(%arg14 : memref<!tpu.dma_semaphore, #tpu.memory_space<semaphore_mem>>)
    %scan3A = arith.constant 0 : i32
    %scan3A_11 = arith.constant 0 : i32
    %scan3A_12 = arith.constant 5 : i32
    %scan3A_13 = arith.addi %scan3A_11, %scan3A_12 : i32
    %scan3A_14 = arith.constant 1 : i32
    scf.for %scan3A_19 = %scan3A_11 to %scan3A_13 step %scan3A_14  : i32 {
      %mul3A_20 = arith.constant 2 : i32
      %mul3A_21 = arith.muli %mul3A_20, %scan3A_19 : i32
      %add3A_22 = arith.constant 0 : i32
      %add3A_23 = arith.addi %mul3A_21, %add3A_22 : i32
      %dma_wait3A_24 = arith.constant 0 : i32
      %dma_wait3A_25 = arith.constant 0 : i32
      %dma_wait3A_26 = tpu.memref_slice %arg3[%dma_wait3A_24, %dma_wait3A_25] : memref<100000x128xf32, #tpu.memory_space<hbm>> -> memref<100000x128xf32, #tpu.memory_space<hbm>>
      tpu.wait_indirect_dma semaphore(%arg9 : memref<!tpu.dma_semaphore, #tpu.memory_space<semaphore_mem>>) src(%dma_wait3A_26 : memref<100000x128xf32, #tpu.memory_space<hbm>>) dst(%arg7 : memref<128x128xf32, #tpu.memory_space<vmem>>)
      %mul3A_27 = arith.constant 4096 : i32
      %mul3A_28 = arith.muli %add3A_23, %mul3A_27 : i32
      %add3A_29 = arith.addi %mul3A_28, %mul3A_2 : i32
      %dma_start3A_30 = arith.constant 0 : i32
      %dma_start3A_31 = tpu.memref_slice %arg4[%add3A_29, %dma_start3A_30] : memref<40960x128xf32, #tpu.memory_space<hbm>> -> memref<128x128xf32, #tpu.memory_space<hbm>>
      %dma_start3A_32 = arith.constant 0 : i32
      %dma_start3A_33 = tpu.memref_slice %arg4[%add3A_29, %dma_start3A_32] : memref<40960x128xf32, #tpu.memory_space<hbm>> -> memref<128x128xf32, #tpu.memory_space<hbm>>
      tpu.enqueue_dma source(%arg7 : memref<128x128xf32, #tpu.memory_space<vmem>>) target(%dma_start3A_33 : memref<128x128xf32, #tpu.memory_space<hbm>>) target_semaphore(%arg11 : memref<!tpu.dma_semaphore, #tpu.memory_space<semaphore_mem>>)
      %add3A_34 = arith.constant 2 : i32
      %add3A_35 = arith.addi %add3A_23, %add3A_34 : i32
      %lt3A = arith.constant 10 : i32
      %lt3A_36 = arith.cmpi slt, %add3A_35, %lt3A : i32
      %convert_element_type3A = arith.extui %lt3A_36 : i1 to i32
      %cond3A = arith.constant 0 : i32
      %cond3A_37 = arith.cmpi ne, %convert_element_type3A, %cond3A : i32
      scf.if %cond3A_37 {
        %add3A_82 = arith.constant 2 : i32
        %add3A_83 = arith.addi %add3A_23, %add3A_82 : i32
        %add3A_84 = arith.constant 30 : i32
        %add3A_85 = arith.addi %add3A_84, %add3A_83 : i32
        %mul3A_86 = arith.constant 4096 : i32
        %mul3A_87 = arith.muli %add3A_85, %mul3A_86 : i32
        %add3A_88 = arith.addi %mul3A_87, %mul3A_2 : i32
        %dma_start3A_89 = tpu.memref_slice %arg2[%add3A_88] : memref<204800xi32, #tpu.memory_space<hbm>> -> memref<128xi32, #tpu.memory_space<hbm>>
        %dma_start3A_90 = tpu.memref_slice %arg2[%add3A_88] : memref<204800xi32, #tpu.memory_space<hbm>> -> memref<128xi32, #tpu.memory_space<hbm>>
        tpu.enqueue_dma source(%dma_start3A_90 : memref<128xi32, #tpu.memory_space<hbm>>) target(%arg5 : memref<128xi32, #tpu.memory_space<vmem>>) target_semaphore(%arg13 : memref<!tpu.dma_semaphore, #tpu.memory_space<semaphore_mem>>)
      } else {
      }
      %ge3A = arith.constant 1 : i32
      %ge3A_38 = arith.cmpi sge, %add3A_23, %ge3A : i32
      %convert_element_type3A_39 = arith.extui %ge3A_38 : i1 to i32
      %cond3A_40 = arith.constant 0 : i32
      %cond3A_41 = arith.cmpi ne, %convert_element_type3A_39, %cond3A_40 : i32
      scf.if %cond3A_41 {
        %dma_wait3A_82 = arith.constant 0 : i32
        %dma_wait3A_83 = tpu.memref_slice %arg4[%mul3A_2, %dma_wait3A_82] : memref<40960x128xf32, #tpu.memory_space<hbm>> -> memref<128x128xf32, #tpu.memory_space<hbm>>
        %dma_wait3A_84 = arith.constant 0 : i32
        %dma_wait3A_85 = tpu.memref_slice %arg4[%mul3A_2, %dma_wait3A_84] : memref<40960x128xf32, #tpu.memory_space<hbm>> -> memref<128x128xf32, #tpu.memory_space<hbm>>
        tpu.wait_dma2 semaphore(%arg12 : memref<!tpu.dma_semaphore, #tpu.memory_space<semaphore_mem>>) src(%arg8 : memref<128x128xf32, #tpu.memory_space<vmem>>) dst(%dma_wait3A_85 : memref<128x128xf32, #tpu.memory_space<hbm>>)
      } else {
      }
      %add3A_42 = arith.constant 1 : i32
      %add3A_43 = arith.addi %add3A_23, %add3A_42 : i32
      %lt3A_44 = arith.constant 10 : i32
      %lt3A_45 = arith.cmpi slt, %add3A_43, %lt3A_44 : i32
      %convert_element_type3A_46 = arith.extui %lt3A_45 : i1 to i32
      %cond3A_47 = arith.constant 0 : i32
      %cond3A_48 = arith.cmpi ne, %convert_element_type3A_46, %cond3A_47 : i32
      scf.if %cond3A_48 {
        %add3A_82 = arith.constant 1 : i32
        %add3A_83 = arith.addi %add3A_23, %add3A_82 : i32
        %add3A_84 = arith.constant 30 : i32
        %add3A_85 = arith.addi %add3A_84, %add3A_83 : i32
        %mul3A_86 = arith.constant 4096 : i32
        %mul3A_87 = arith.muli %add3A_85, %mul3A_86 : i32
        %add3A_88 = arith.addi %mul3A_87, %mul3A_2 : i32
        %dma_wait3A_89 = tpu.memref_slice %arg2[%add3A_88] : memref<204800xi32, #tpu.memory_space<hbm>> -> memref<128xi32, #tpu.memory_space<hbm>>
        %dma_wait3A_90 = tpu.memref_slice %arg2[%add3A_88] : memref<204800xi32, #tpu.memory_space<hbm>> -> memref<128xi32, #tpu.memory_space<hbm>>
        tpu.wait_dma2 semaphore(%arg14 : memref<!tpu.dma_semaphore, #tpu.memory_space<semaphore_mem>>) src(%dma_wait3A_90 : memref<128xi32, #tpu.memory_space<hbm>>) dst(%arg6 : memref<128xi32, #tpu.memory_space<vmem>>)
        %dma_start3A_91 = arith.constant 0 : i32
        %dma_start3A_92 = arith.constant 0 : i32
        %dma_start3A_93 = tpu.memref_slice %arg3[%dma_start3A_91, %dma_start3A_92] : memref<100000x128xf32, #tpu.memory_space<hbm>> -> memref<100000x128xf32, #tpu.memory_space<hbm>>
        tpu.enqueue_indirect_dma source(%dma_start3A_93 : memref<100000x128xf32, #tpu.memory_space<hbm>>) target(%arg8 : memref<128x128xf32, #tpu.memory_space<vmem>>) offsets(%arg6 : memref<128xi32, #tpu.memory_space<vmem>>) semaphore(%arg10 : memref<!tpu.dma_semaphore, #tpu.memory_space<semaphore_mem>>)
      } else {
      }
      %mul3A_49 = arith.constant 2 : i32
      %mul3A_50 = arith.muli %mul3A_49, %scan3A_19 : i32
      %add3A_51 = arith.constant 1 : i32
      %add3A_52 = arith.addi %mul3A_50, %add3A_51 : i32
      %dma_wait3A_53 = arith.constant 0 : i32
      %dma_wait3A_54 = arith.constant 0 : i32
      %dma_wait3A_55 = tpu.memref_slice %arg3[%dma_wait3A_53, %dma_wait3A_54] : memref<100000x128xf32, #tpu.memory_space<hbm>> -> memref<100000x128xf32, #tpu.memory_space<hbm>>
      tpu.wait_indirect_dma semaphore(%arg10 : memref<!tpu.dma_semaphore, #tpu.memory_space<semaphore_mem>>) src(%dma_wait3A_55 : memref<100000x128xf32, #tpu.memory_space<hbm>>) dst(%arg8 : memref<128x128xf32, #tpu.memory_space<vmem>>)
      %mul3A_56 = arith.constant 4096 : i32
      %mul3A_57 = arith.muli %add3A_52, %mul3A_56 : i32
      %add3A_58 = arith.addi %mul3A_57, %mul3A_2 : i32
      %dma_start3A_59 = arith.constant 0 : i32
      %dma_start3A_60 = tpu.memref_slice %arg4[%add3A_58, %dma_start3A_59] : memref<40960x128xf32, #tpu.memory_space<hbm>> -> memref<128x128xf32, #tpu.memory_space<hbm>>
      %dma_start3A_61 = arith.constant 0 : i32
      %dma_start3A_62 = tpu.memref_slice %arg4[%add3A_58, %dma_start3A_61] : memref<40960x128xf32, #tpu.memory_space<hbm>> -> memref<128x128xf32, #tpu.memory_space<hbm>>
      tpu.enqueue_dma source(%arg8 : memref<128x128xf32, #tpu.memory_space<vmem>>) target(%dma_start3A_62 : memref<128x128xf32, #tpu.memory_space<hbm>>) target_semaphore(%arg12 : memref<!tpu.dma_semaphore, #tpu.memory_space<semaphore_mem>>)
      %add3A_63 = arith.constant 2 : i32
      %add3A_64 = arith.addi %add3A_52, %add3A_63 : i32
      %lt3A_65 = arith.constant 10 : i32
      %lt3A_66 = arith.cmpi slt, %add3A_64, %lt3A_65 : i32
      %convert_element_type3A_67 = arith.extui %lt3A_66 : i1 to i32
      %cond3A_68 = arith.constant 0 : i32
      %cond3A_69 = arith.cmpi ne, %convert_element_type3A_67, %cond3A_68 : i32
      scf.if %cond3A_69 {
        %add3A_82 = arith.constant 2 : i32
        %add3A_83 = arith.addi %add3A_52, %add3A_82 : i32
        %add3A_84 = arith.constant 30 : i32
        %add3A_85 = arith.addi %add3A_84, %add3A_83 : i32
        %mul3A_86 = arith.constant 4096 : i32
        %mul3A_87 = arith.muli %add3A_85, %mul3A_86 : i32
        %add3A_88 = arith.addi %mul3A_87, %mul3A_2 : i32
        %dma_start3A_89 = tpu.memref_slice %arg2[%add3A_88] : memref<204800xi32, #tpu.memory_space<hbm>> -> memref<128xi32, #tpu.memory_space<hbm>>
        %dma_start3A_90 = tpu.memref_slice %arg2[%add3A_88] : memref<204800xi32, #tpu.memory_space<hbm>> -> memref<128xi32, #tpu.memory_space<hbm>>
        tpu.enqueue_dma source(%dma_start3A_90 : memref<128xi32, #tpu.memory_space<hbm>>) target(%arg6 : memref<128xi32, #tpu.memory_space<vmem>>) target_semaphore(%arg14 : memref<!tpu.dma_semaphore, #tpu.memory_space<semaphore_mem>>)
      } else {
      }
      %ge3A_70 = arith.constant 1 : i32
      %ge3A_71 = arith.cmpi sge, %add3A_52, %ge3A_70 : i32
      %convert_element_type3A_72 = arith.extui %ge3A_71 : i1 to i32
      %cond3A_73 = arith.constant 0 : i32
      %cond3A_74 = arith.cmpi ne, %convert_element_type3A_72, %cond3A_73 : i32
      scf.if %cond3A_74 {
        %dma_wait3A_82 = arith.constant 0 : i32
        %dma_wait3A_83 = tpu.memref_slice %arg4[%mul3A_2, %dma_wait3A_82] : memref<40960x128xf32, #tpu.memory_space<hbm>> -> memref<128x128xf32, #tpu.memory_space<hbm>>
        %dma_wait3A_84 = arith.constant 0 : i32
        %dma_wait3A_85 = tpu.memref_slice %arg4[%mul3A_2, %dma_wait3A_84] : memref<40960x128xf32, #tpu.memory_space<hbm>> -> memref<128x128xf32, #tpu.memory_space<hbm>>
        tpu.wait_dma2 semaphore(%arg11 : memref<!tpu.dma_semaphore, #tpu.memory_space<semaphore_mem>>) src(%arg7 : memref<128x128xf32, #tpu.memory_space<vmem>>) dst(%dma_wait3A_85 : memref<128x128xf32, #tpu.memory_space<hbm>>)
      } else {
      }
      %add3A_75 = arith.constant 1 : i32
      %add3A_76 = arith.addi %add3A_52, %add3A_75 : i32
      %lt3A_77 = arith.constant 10 : i32
      %lt3A_78 = arith.cmpi slt, %add3A_76, %lt3A_77 : i32
      %convert_element_type3A_79 = arith.extui %lt3A_78 : i1 to i32
      %cond3A_80 = arith.constant 0 : i32
      %cond3A_81 = arith.cmpi ne, %convert_element_type3A_79, %cond3A_80 : i32
      scf.if %cond3A_81 {
        %add3A_82 = arith.constant 1 : i32
        %add3A_83 = arith.addi %add3A_52, %add3A_82 : i32
        %add3A_84 = arith.constant 30 : i32
        %add3A_85 = arith.addi %add3A_84, %add3A_83 : i32
        %mul3A_86 = arith.constant 4096 : i32
        %mul3A_87 = arith.muli %add3A_85, %mul3A_86 : i32
        %add3A_88 = arith.addi %mul3A_87, %mul3A_2 : i32
        %dma_wait3A_89 = tpu.memref_slice %arg2[%add3A_88] : memref<204800xi32, #tpu.memory_space<hbm>> -> memref<128xi32, #tpu.memory_space<hbm>>
        %dma_wait3A_90 = tpu.memref_slice %arg2[%add3A_88] : memref<204800xi32, #tpu.memory_space<hbm>> -> memref<128xi32, #tpu.memory_space<hbm>>
        tpu.wait_dma2 semaphore(%arg13 : memref<!tpu.dma_semaphore, #tpu.memory_space<semaphore_mem>>) src(%dma_wait3A_90 : memref<128xi32, #tpu.memory_space<hbm>>) dst(%arg5 : memref<128xi32, #tpu.memory_space<vmem>>)
        %dma_start3A_91 = arith.constant 0 : i32
        %dma_start3A_92 = arith.constant 0 : i32
        %dma_start3A_93 = tpu.memref_slice %arg3[%dma_start3A_91, %dma_start3A_92] : memref<100000x128xf32, #tpu.memory_space<hbm>> -> memref<100000x128xf32, #tpu.memory_space<hbm>>
        tpu.enqueue_indirect_dma source(%dma_start3A_93 : memref<100000x128xf32, #tpu.memory_space<hbm>>) target(%arg7 : memref<128x128xf32, #tpu.memory_space<vmem>>) offsets(%arg5 : memref<128xi32, #tpu.memory_space<vmem>>) semaphore(%arg9 : memref<!tpu.dma_semaphore, #tpu.memory_space<semaphore_mem>>)
      } else {
      }
    }
    %scan3A_15 = arith.constant 5 : i32
    %dma_wait3A = arith.constant 0 : i32
    %dma_wait3A_16 = tpu.memref_slice %arg4[%mul3A_2, %dma_wait3A] : memref<40960x128xf32, #tpu.memory_space<hbm>> -> memref<128x128xf32, #tpu.memory_space<hbm>>
    %dma_wait3A_17 = arith.constant 0 : i32
    %dma_wait3A_18 = tpu.memref_slice %arg4[%mul3A_2, %dma_wait3A_17] : memref<40960x128xf32, #tpu.memory_space<hbm>> -> memref<128x128xf32, #tpu.memory_space<hbm>>
    tpu.wait_dma2 semaphore(%arg12 : memref<!tpu.dma_semaphore, #tpu.memory_space<semaphore_mem>>) src(%arg8 : memref<128x128xf32, #tpu.memory_space<vmem>>) dst(%dma_wait3A_18 : memref<128x128xf32, #tpu.memory_space<hbm>>)
    return
  }
}

#map = affine_map<(d0, d1) -> (0)>
#map1 = affine_map<(d0, d1) -> (0, 0)>
module attributes {stable_mosaic.version = 14 : i64} {
  func.func @k(%arg0: i32, %arg1: i32, %arg2: memref<204800xi32, #tpu.memory_space<hbm>>, %arg3: memref<100000x128xf32, #tpu.memory_space<hbm>>, %arg4: memref<40960x128xf32, #tpu.memory_space<hbm>>, %arg5: memref<128xi32, #tpu.memory_space<vmem>>, %arg6: memref<128xi32, #tpu.memory_space<vmem>>, %arg7: memref<128x128xf32, #tpu.memory_space<vmem>>, %arg8: memref<128x128xf32, #tpu.memory_space<vmem>>, %arg9: memref<!tpu.dma_semaphore, #tpu.memory_space<semaphore_mem>>, %arg10: memref<!tpu.dma_semaphore, #tpu.memory_space<semaphore_mem>>, %arg11: memref<!tpu.dma_semaphore, #tpu.memory_space<semaphore_mem>>, %arg12: memref<!tpu.dma_semaphore, #tpu.memory_space<semaphore_mem>>, %arg13: memref<!tpu.dma_semaphore, #tpu.memory_space<semaphore_mem>>, %arg14: memref<!tpu.dma_semaphore, #tpu.memory_space<semaphore_mem>>) attributes {dimension_semantics = [#tpu.dimension_semantics<core_parallel>, #tpu.dimension_semantics<subcore_parallel>], iteration_bounds = array<i64: 2, 16>, scalar_prefetch = 0 : i64, scratch_operands = 10 : i64, tpu.core_type = #tpu.core_type<sc_vector_subcore>, window_params = [{transform_indices = #map}, {transform_indices = #map1}, {transform_indices = #map1}]} {
    %mul3A = arith.constant 2 : i32
    %mul3A_0 = arith.muli %arg1, %mul3A : i32
    %add3A = arith.addi %mul3A_0, %arg0 : i32
    %mul3A_1 = arith.constant 128 : i32
    %mul3A_2 = arith.muli %add3A, %mul3A_1 : i32
    %add3A_3 = arith.constant 0 : i32
    %add3A_4 = arith.addi %add3A_3, %mul3A_2 : i32
    "tpu.region"() ({
      %run_scoped3A = tpu.sem_alloc : memref<!tpu.dma_semaphore, #tpu.memory_space<semaphore_mem>>
      %dma_start3A_19 = tpu.memref_slice %arg2[%add3A_4] : memref<204800xi32, #tpu.memory_space<hbm>> -> memref<128xi32, #tpu.memory_space<hbm>>
      %dma_start3A_20 = tpu.memref_slice %arg2[%add3A_4] : memref<204800xi32, #tpu.memory_space<hbm>> -> memref<128xi32, #tpu.memory_space<hbm>>
      tpu.enqueue_dma source(%dma_start3A_20 : memref<128xi32, #tpu.memory_space<hbm>>) target(%arg5 : memref<128xi32, #tpu.memory_space<vmem>>) target_semaphore(%run_scoped3A : memref<!tpu.dma_semaphore, #tpu.memory_space<semaphore_mem>>)
      %dma_wait3A_21 = tpu.memref_slice %arg2[%add3A_4] : memref<204800xi32, #tpu.memory_space<hbm>> -> memref<128xi32, #tpu.memory_space<hbm>>
      %dma_wait3A_22 = tpu.memref_slice %arg2[%add3A_4] : memref<204800xi32, #tpu.memory_space<hbm>> -> memref<128xi32, #tpu.memory_space<hbm>>
      tpu.wait_dma2 semaphore(%run_scoped3A : memref<!tpu.dma_semaphore, #tpu.memory_space<semaphore_mem>>) src(%dma_wait3A_22 : memref<128xi32, #tpu.memory_space<hbm>>) dst(%arg5 : memref<128xi32, #tpu.memory_space<vmem>>)
      tpu.yield
    }) : () -> ()
    %dma_start3A = arith.constant 0 : i32
    %dma_start3A_5 = arith.constant 0 : i32
    %dma_start3A_6 = tpu.memref_slice %arg3[%dma_start3A, %dma_start3A_5] : memref<100000x128xf32, #tpu.memory_space<hbm>> -> memref<100000x128xf32, #tpu.memory_space<hbm>>
    tpu.enqueue_indirect_dma source(%dma_start3A_6 : memref<100000x128xf32, #tpu.memory_space<hbm>>) target(%arg7 : memref<128x128xf32, #tpu.memory_space<vmem>>) offsets(%arg5 : memref<128xi32, #tpu.memory_space<vmem>>) semaphore(%arg9 : memref<!tpu.dma_semaphore, #tpu.memory_space<semaphore_mem>>)
    %add3A_7 = arith.constant 4096 : i32
    %add3A_8 = arith.addi %add3A_7, %mul3A_2 : i32
    %dma_start3A_9 = tpu.memref_slice %arg2[%add3A_8] : memref<204800xi32, #tpu.memory_space<hbm>> -> memref<128xi32, #tpu.memory_space<hbm>>
    %dma_start3A_10 = tpu.memref_slice %arg2[%add3A_8] : memref<204800xi32, #tpu.memory_space<hbm>> -> memref<128xi32, #tpu.memory_space<hbm>>
    tpu.enqueue_dma source(%dma_start3A_10 : memref<128xi32, #tpu.memory_space<hbm>>) target(%arg6 : memref<128xi32, #tpu.memory_space<vmem>>) target_semaphore(%arg14 : memref<!tpu.dma_semaphore, #tpu.memory_space<semaphore_mem>>)
    %scan3A = arith.constant 0 : i32
    %scan3A_11 = arith.constant 0 : i32
    %scan3A_12 = arith.constant 5 : i32
    %scan3A_13 = arith.addi %scan3A_11, %scan3A_12 : i32
    %scan3A_14 = arith.constant 1 : i32
    scf.for %scan3A_19 = %scan3A_11 to %scan3A_13 step %scan3A_14  : i32 {
      %mul3A_20 = arith.constant 2 : i32
      %mul3A_21 = arith.muli %mul3A_20, %scan3A_19 : i32
      %add3A_22 = arith.constant 0 : i32
      %add3A_23 = arith.addi %mul3A_21, %add3A_22 : i32
      %dma_wait3A_24 = arith.constant 0 : i32
      %dma_wait3A_25 = arith.constant 0 : i32
      %dma_wait3A_26 = tpu.memref_slice %arg3[%dma_wait3A_24, %dma_wait3A_25] : memref<100000x128xf32, #tpu.memory_space<hbm>> -> memref<100000x128xf32, #tpu.memory_space<hbm>>
      tpu.wait_indirect_dma semaphore(%arg9 : memref<!tpu.dma_semaphore, #tpu.memory_space<semaphore_mem>>) src(%dma_wait3A_26 : memref<100000x128xf32, #tpu.memory_space<hbm>>) dst(%arg7 : memref<128x128xf32, #tpu.memory_space<vmem>>)
      %mul3A_27 = arith.constant 4096 : i32
      %mul3A_28 = arith.muli %add3A_23, %mul3A_27 : i32
      %add3A_29 = arith.addi %mul3A_28, %mul3A_2 : i32
      %dma_start3A_30 = arith.constant 0 : i32
      %dma_start3A_31 = tpu.memref_slice %arg4[%add3A_29, %dma_start3A_30] : memref<40960x128xf32, #tpu.memory_space<hbm>> -> memref<128x128xf32, #tpu.memory_space<hbm>>
      %dma_start3A_32 = arith.constant 0 : i32
      %dma_start3A_33 = tpu.memref_slice %arg4[%add3A_29, %dma_start3A_32] : memref<40960x128xf32, #tpu.memory_space<hbm>> -> memref<128x128xf32, #tpu.memory_space<hbm>>
      tpu.enqueue_dma source(%arg7 : memref<128x128xf32, #tpu.memory_space<vmem>>) target(%dma_start3A_33 : memref<128x128xf32, #tpu.memory_space<hbm>>) target_semaphore(%arg11 : memref<!tpu.dma_semaphore, #tpu.memory_space<semaphore_mem>>)
      %add3A_34 = arith.constant 2 : i32
      %add3A_35 = arith.addi %add3A_23, %add3A_34 : i32
      %lt3A = arith.constant 10 : i32
      %lt3A_36 = arith.cmpi slt, %add3A_35, %lt3A : i32
      %convert_element_type3A = arith.extui %lt3A_36 : i1 to i32
      %cond3A = arith.constant 0 : i32
      %cond3A_37 = arith.cmpi ne, %convert_element_type3A, %cond3A : i32
      scf.if %cond3A_37 {
        %add3A_82 = arith.constant 2 : i32
        %add3A_83 = arith.addi %add3A_23, %add3A_82 : i32
        %add3A_84 = arith.constant 0 : i32
        %add3A_85 = arith.addi %add3A_84, %add3A_83 : i32
        %mul3A_86 = arith.constant 4096 : i32
        %mul3A_87 = arith.muli %add3A_85, %mul3A_86 : i32
        %add3A_88 = arith.addi %mul3A_87, %mul3A_2 : i32
        %dma_start3A_89 = tpu.memref_slice %arg2[%add3A_88] : memref<204800xi32, #tpu.memory_space<hbm>> -> memref<128xi32, #tpu.memory_space<hbm>>
        %dma_start3A_90 = tpu.memref_slice %arg2[%add3A_88] : memref<204800xi32, #tpu.memory_space<hbm>> -> memref<128xi32, #tpu.memory_space<hbm>>
        tpu.enqueue_dma source(%dma_start3A_90 : memref<128xi32, #tpu.memory_space<hbm>>) target(%arg5 : memref<128xi32, #tpu.memory_space<vmem>>) target_semaphore(%arg13 : memref<!tpu.dma_semaphore, #tpu.memory_space<semaphore_mem>>)
      } else {
      }
      %ge3A = arith.constant 1 : i32
      %ge3A_38 = arith.cmpi sge, %add3A_23, %ge3A : i32
      %convert_element_type3A_39 = arith.extui %ge3A_38 : i1 to i32
      %cond3A_40 = arith.constant 0 : i32
      %cond3A_41 = arith.cmpi ne, %convert_element_type3A_39, %cond3A_40 : i32
      scf.if %cond3A_41 {
        %dma_wait3A_82 = arith.constant 0 : i32
        %dma_wait3A_83 = tpu.memref_slice %arg4[%mul3A_2, %dma_wait3A_82] : memref<40960x128xf32, #tpu.memory_space<hbm>> -> memref<128x128xf32, #tpu.memory_space<hbm>>
        %dma_wait3A_84 = arith.constant 0 : i32
        %dma_wait3A_85 = tpu.memref_slice %arg4[%mul3A_2, %dma_wait3A_84] : memref<40960x128xf32, #tpu.memory_space<hbm>> -> memref<128x128xf32, #tpu.memory_space<hbm>>
        tpu.wait_dma2 semaphore(%arg12 : memref<!tpu.dma_semaphore, #tpu.memory_space<semaphore_mem>>) src(%arg8 : memref<128x128xf32, #tpu.memory_space<vmem>>) dst(%dma_wait3A_85 : memref<128x128xf32, #tpu.memory_space<hbm>>)
      } else {
      }
      %add3A_42 = arith.constant 1 : i32
      %add3A_43 = arith.addi %add3A_23, %add3A_42 : i32
      %lt3A_44 = arith.constant 10 : i32
      %lt3A_45 = arith.cmpi slt, %add3A_43, %lt3A_44 : i32
      %convert_element_type3A_46 = arith.extui %lt3A_45 : i1 to i32
      %cond3A_47 = arith.constant 0 : i32
      %cond3A_48 = arith.cmpi ne, %convert_element_type3A_46, %cond3A_47 : i32
      scf.if %cond3A_48 {
        %add3A_82 = arith.constant 1 : i32
        %add3A_83 = arith.addi %add3A_23, %add3A_82 : i32
        %add3A_84 = arith.constant 0 : i32
        %add3A_85 = arith.addi %add3A_84, %add3A_83 : i32
        %mul3A_86 = arith.constant 4096 : i32
        %mul3A_87 = arith.muli %add3A_85, %mul3A_86 : i32
        %add3A_88 = arith.addi %mul3A_87, %mul3A_2 : i32
        %dma_wait3A_89 = tpu.memref_slice %arg2[%add3A_88] : memref<204800xi32, #tpu.memory_space<hbm>> -> memref<128xi32, #tpu.memory_space<hbm>>
        %dma_wait3A_90 = tpu.memref_slice %arg2[%add3A_88] : memref<204800xi32, #tpu.memory_space<hbm>> -> memref<128xi32, #tpu.memory_space<hbm>>
        tpu.wait_dma2 semaphore(%arg14 : memref<!tpu.dma_semaphore, #tpu.memory_space<semaphore_mem>>) src(%dma_wait3A_90 : memref<128xi32, #tpu.memory_space<hbm>>) dst(%arg6 : memref<128xi32, #tpu.memory_space<vmem>>)
        %dma_start3A_91 = arith.constant 0 : i32
        %dma_start3A_92 = arith.constant 0 : i32
        %dma_start3A_93 = tpu.memref_slice %arg3[%dma_start3A_91, %dma_start3A_92] : memref<100000x128xf32, #tpu.memory_space<hbm>> -> memref<100000x128xf32, #tpu.memory_space<hbm>>
        tpu.enqueue_indirect_dma source(%dma_start3A_93 : memref<100000x128xf32, #tpu.memory_space<hbm>>) target(%arg8 : memref<128x128xf32, #tpu.memory_space<vmem>>) offsets(%arg6 : memref<128xi32, #tpu.memory_space<vmem>>) semaphore(%arg10 : memref<!tpu.dma_semaphore, #tpu.memory_space<semaphore_mem>>)
      } else {
      }
      %mul3A_49 = arith.constant 2 : i32
      %mul3A_50 = arith.muli %mul3A_49, %scan3A_19 : i32
      %add3A_51 = arith.constant 1 : i32
      %add3A_52 = arith.addi %mul3A_50, %add3A_51 : i32
      %dma_wait3A_53 = arith.constant 0 : i32
      %dma_wait3A_54 = arith.constant 0 : i32
      %dma_wait3A_55 = tpu.memref_slice %arg3[%dma_wait3A_53, %dma_wait3A_54] : memref<100000x128xf32, #tpu.memory_space<hbm>> -> memref<100000x128xf32, #tpu.memory_space<hbm>>
      tpu.wait_indirect_dma semaphore(%arg10 : memref<!tpu.dma_semaphore, #tpu.memory_space<semaphore_mem>>) src(%dma_wait3A_55 : memref<100000x128xf32, #tpu.memory_space<hbm>>) dst(%arg8 : memref<128x128xf32, #tpu.memory_space<vmem>>)
      %mul3A_56 = arith.constant 4096 : i32
      %mul3A_57 = arith.muli %add3A_52, %mul3A_56 : i32
      %add3A_58 = arith.addi %mul3A_57, %mul3A_2 : i32
      %dma_start3A_59 = arith.constant 0 : i32
      %dma_start3A_60 = tpu.memref_slice %arg4[%add3A_58, %dma_start3A_59] : memref<40960x128xf32, #tpu.memory_space<hbm>> -> memref<128x128xf32, #tpu.memory_space<hbm>>
      %dma_start3A_61 = arith.constant 0 : i32
      %dma_start3A_62 = tpu.memref_slice %arg4[%add3A_58, %dma_start3A_61] : memref<40960x128xf32, #tpu.memory_space<hbm>> -> memref<128x128xf32, #tpu.memory_space<hbm>>
      tpu.enqueue_dma source(%arg8 : memref<128x128xf32, #tpu.memory_space<vmem>>) target(%dma_start3A_62 : memref<128x128xf32, #tpu.memory_space<hbm>>) target_semaphore(%arg12 : memref<!tpu.dma_semaphore, #tpu.memory_space<semaphore_mem>>)
      %add3A_63 = arith.constant 2 : i32
      %add3A_64 = arith.addi %add3A_52, %add3A_63 : i32
      %lt3A_65 = arith.constant 10 : i32
      %lt3A_66 = arith.cmpi slt, %add3A_64, %lt3A_65 : i32
      %convert_element_type3A_67 = arith.extui %lt3A_66 : i1 to i32
      %cond3A_68 = arith.constant 0 : i32
      %cond3A_69 = arith.cmpi ne, %convert_element_type3A_67, %cond3A_68 : i32
      scf.if %cond3A_69 {
        %add3A_82 = arith.constant 2 : i32
        %add3A_83 = arith.addi %add3A_52, %add3A_82 : i32
        %add3A_84 = arith.constant 0 : i32
        %add3A_85 = arith.addi %add3A_84, %add3A_83 : i32
        %mul3A_86 = arith.constant 4096 : i32
        %mul3A_87 = arith.muli %add3A_85, %mul3A_86 : i32
        %add3A_88 = arith.addi %mul3A_87, %mul3A_2 : i32
        %dma_start3A_89 = tpu.memref_slice %arg2[%add3A_88] : memref<204800xi32, #tpu.memory_space<hbm>> -> memref<128xi32, #tpu.memory_space<hbm>>
        %dma_start3A_90 = tpu.memref_slice %arg2[%add3A_88] : memref<204800xi32, #tpu.memory_space<hbm>> -> memref<128xi32, #tpu.memory_space<hbm>>
        tpu.enqueue_dma source(%dma_start3A_90 : memref<128xi32, #tpu.memory_space<hbm>>) target(%arg6 : memref<128xi32, #tpu.memory_space<vmem>>) target_semaphore(%arg14 : memref<!tpu.dma_semaphore, #tpu.memory_space<semaphore_mem>>)
      } else {
      }
      %ge3A_70 = arith.constant 1 : i32
      %ge3A_71 = arith.cmpi sge, %add3A_52, %ge3A_70 : i32
      %convert_element_type3A_72 = arith.extui %ge3A_71 : i1 to i32
      %cond3A_73 = arith.constant 0 : i32
      %cond3A_74 = arith.cmpi ne, %convert_element_type3A_72, %cond3A_73 : i32
      scf.if %cond3A_74 {
        %dma_wait3A_82 = arith.constant 0 : i32
        %dma_wait3A_83 = tpu.memref_slice %arg4[%mul3A_2, %dma_wait3A_82] : memref<40960x128xf32, #tpu.memory_space<hbm>> -> memref<128x128xf32, #tpu.memory_space<hbm>>
        %dma_wait3A_84 = arith.constant 0 : i32
        %dma_wait3A_85 = tpu.memref_slice %arg4[%mul3A_2, %dma_wait3A_84] : memref<40960x128xf32, #tpu.memory_space<hbm>> -> memref<128x128xf32, #tpu.memory_space<hbm>>
        tpu.wait_dma2 semaphore(%arg11 : memref<!tpu.dma_semaphore, #tpu.memory_space<semaphore_mem>>) src(%arg7 : memref<128x128xf32, #tpu.memory_space<vmem>>) dst(%dma_wait3A_85 : memref<128x128xf32, #tpu.memory_space<hbm>>)
      } else {
      }
      %add3A_75 = arith.constant 1 : i32
      %add3A_76 = arith.addi %add3A_52, %add3A_75 : i32
      %lt3A_77 = arith.constant 10 : i32
      %lt3A_78 = arith.cmpi slt, %add3A_76, %lt3A_77 : i32
      %convert_element_type3A_79 = arith.extui %lt3A_78 : i1 to i32
      %cond3A_80 = arith.constant 0 : i32
      %cond3A_81 = arith.cmpi ne, %convert_element_type3A_79, %cond3A_80 : i32
      scf.if %cond3A_81 {
        %add3A_82 = arith.constant 1 : i32
        %add3A_83 = arith.addi %add3A_52, %add3A_82 : i32
        %add3A_84 = arith.constant 0 : i32
        %add3A_85 = arith.addi %add3A_84, %add3A_83 : i32
        %mul3A_86 = arith.constant 4096 : i32
        %mul3A_87 = arith.muli %add3A_85, %mul3A_86 : i32
        %add3A_88 = arith.addi %mul3A_87, %mul3A_2 : i32
        %dma_wait3A_89 = tpu.memref_slice %arg2[%add3A_88] : memref<204800xi32, #tpu.memory_space<hbm>> -> memref<128xi32, #tpu.memory_space<hbm>>
        %dma_wait3A_90 = tpu.memref_slice %arg2[%add3A_88] : memref<204800xi32, #tpu.memory_space<hbm>> -> memref<128xi32, #tpu.memory_space<hbm>>
        tpu.wait_dma2 semaphore(%arg13 : memref<!tpu.dma_semaphore, #tpu.memory_space<semaphore_mem>>) src(%dma_wait3A_90 : memref<128xi32, #tpu.memory_space<hbm>>) dst(%arg5 : memref<128xi32, #tpu.memory_space<vmem>>)
        %dma_start3A_91 = arith.constant 0 : i32
        %dma_start3A_92 = arith.constant 0 : i32
        %dma_start3A_93 = tpu.memref_slice %arg3[%dma_start3A_91, %dma_start3A_92] : memref<100000x128xf32, #tpu.memory_space<hbm>> -> memref<100000x128xf32, #tpu.memory_space<hbm>>
        tpu.enqueue_indirect_dma source(%dma_start3A_93 : memref<100000x128xf32, #tpu.memory_space<hbm>>) target(%arg7 : memref<128x128xf32, #tpu.memory_space<vmem>>) offsets(%arg5 : memref<128xi32, #tpu.memory_space<vmem>>) semaphore(%arg9 : memref<!tpu.dma_semaphore, #tpu.memory_space<semaphore_mem>>)
      } else {
      }
    }
    %scan3A_15 = arith.constant 5 : i32
    %dma_wait3A = arith.constant 0 : i32
    %dma_wait3A_16 = tpu.memref_slice %arg4[%mul3A_2, %dma_wait3A] : memref<40960x128xf32, #tpu.memory_space<hbm>> -> memref<128x128xf32, #tpu.memory_space<hbm>>
    %dma_wait3A_17 = arith.constant 0 : i32
    %dma_wait3A_18 = tpu.memref_slice %arg4[%mul3A_2, %dma_wait3A_17] : memref<40960x128xf32, #tpu.memory_space<hbm>> -> memref<128x128xf32, #tpu.memory_space<hbm>>
    tpu.wait_dma2 semaphore(%arg12 : memref<!tpu.dma_semaphore, #tpu.memory_space<semaphore_mem>>) src(%arg8 : memref<128x128xf32, #tpu.memory_space<vmem>>) dst(%dma_wait3A_18 : memref<128x128xf32, #tpu.memory_space<hbm>>)
    return
  }
}

#map = affine_map<(d0, d1) -> (0)>
#map1 = affine_map<(d0, d1) -> (0, 0)>
module attributes {stable_mosaic.version = 14 : i64} {
  func.func @k(%arg0: i32, %arg1: i32, %arg2: memref<204800xi32, #tpu.memory_space<hbm>>, %arg3: memref<100000x128xf32, #tpu.memory_space<hbm>>, %arg4: memref<40960x128xf32, #tpu.memory_space<hbm>>, %arg5: memref<128xi32, #tpu.memory_space<vmem>>, %arg6: memref<128xi32, #tpu.memory_space<vmem>>, %arg7: memref<128x128xf32, #tpu.memory_space<vmem>>, %arg8: memref<128x128xf32, #tpu.memory_space<vmem>>, %arg9: memref<!tpu.dma_semaphore, #tpu.memory_space<semaphore_mem>>, %arg10: memref<!tpu.dma_semaphore, #tpu.memory_space<semaphore_mem>>, %arg11: memref<!tpu.dma_semaphore, #tpu.memory_space<semaphore_mem>>, %arg12: memref<!tpu.dma_semaphore, #tpu.memory_space<semaphore_mem>>, %arg13: memref<!tpu.dma_semaphore, #tpu.memory_space<semaphore_mem>>, %arg14: memref<!tpu.dma_semaphore, #tpu.memory_space<semaphore_mem>>) attributes {dimension_semantics = [#tpu.dimension_semantics<core_parallel>, #tpu.dimension_semantics<subcore_parallel>], iteration_bounds = array<i64: 2, 16>, scalar_prefetch = 0 : i64, scratch_operands = 10 : i64, tpu.core_type = #tpu.core_type<sc_vector_subcore>, window_params = [{transform_indices = #map}, {transform_indices = #map1}, {transform_indices = #map1}]} {
    %mul3A = arith.constant 2 : i32
    %mul3A_0 = arith.muli %arg1, %mul3A : i32
    %add3A = arith.addi %mul3A_0, %arg0 : i32
    %mul3A_1 = arith.constant 128 : i32
    %mul3A_2 = arith.muli %add3A, %mul3A_1 : i32
    %add3A_3 = arith.constant 81920 : i32
    %add3A_4 = arith.addi %add3A_3, %mul3A_2 : i32
    "tpu.region"() ({
      %run_scoped3A = tpu.sem_alloc : memref<!tpu.dma_semaphore, #tpu.memory_space<semaphore_mem>>
      %dma_start3A_19 = tpu.memref_slice %arg2[%add3A_4] : memref<204800xi32, #tpu.memory_space<hbm>> -> memref<128xi32, #tpu.memory_space<hbm>>
      %dma_start3A_20 = tpu.memref_slice %arg2[%add3A_4] : memref<204800xi32, #tpu.memory_space<hbm>> -> memref<128xi32, #tpu.memory_space<hbm>>
      tpu.enqueue_dma source(%dma_start3A_20 : memref<128xi32, #tpu.memory_space<hbm>>) target(%arg5 : memref<128xi32, #tpu.memory_space<vmem>>) target_semaphore(%run_scoped3A : memref<!tpu.dma_semaphore, #tpu.memory_space<semaphore_mem>>)
      %dma_wait3A_21 = tpu.memref_slice %arg2[%add3A_4] : memref<204800xi32, #tpu.memory_space<hbm>> -> memref<128xi32, #tpu.memory_space<hbm>>
      %dma_wait3A_22 = tpu.memref_slice %arg2[%add3A_4] : memref<204800xi32, #tpu.memory_space<hbm>> -> memref<128xi32, #tpu.memory_space<hbm>>
      tpu.wait_dma2 semaphore(%run_scoped3A : memref<!tpu.dma_semaphore, #tpu.memory_space<semaphore_mem>>) src(%dma_wait3A_22 : memref<128xi32, #tpu.memory_space<hbm>>) dst(%arg5 : memref<128xi32, #tpu.memory_space<vmem>>)
      tpu.yield
    }) : () -> ()
    %dma_start3A = arith.constant 0 : i32
    %dma_start3A_5 = arith.constant 0 : i32
    %dma_start3A_6 = tpu.memref_slice %arg3[%dma_start3A, %dma_start3A_5] : memref<100000x128xf32, #tpu.memory_space<hbm>> -> memref<100000x128xf32, #tpu.memory_space<hbm>>
    tpu.enqueue_indirect_dma source(%dma_start3A_6 : memref<100000x128xf32, #tpu.memory_space<hbm>>) target(%arg7 : memref<128x128xf32, #tpu.memory_space<vmem>>) offsets(%arg5 : memref<128xi32, #tpu.memory_space<vmem>>) semaphore(%arg9 : memref<!tpu.dma_semaphore, #tpu.memory_space<semaphore_mem>>)
    %add3A_7 = arith.constant 86016 : i32
    %add3A_8 = arith.addi %add3A_7, %mul3A_2 : i32
    %dma_start3A_9 = tpu.memref_slice %arg2[%add3A_8] : memref<204800xi32, #tpu.memory_space<hbm>> -> memref<128xi32, #tpu.memory_space<hbm>>
    %dma_start3A_10 = tpu.memref_slice %arg2[%add3A_8] : memref<204800xi32, #tpu.memory_space<hbm>> -> memref<128xi32, #tpu.memory_space<hbm>>
    tpu.enqueue_dma source(%dma_start3A_10 : memref<128xi32, #tpu.memory_space<hbm>>) target(%arg6 : memref<128xi32, #tpu.memory_space<vmem>>) target_semaphore(%arg14 : memref<!tpu.dma_semaphore, #tpu.memory_space<semaphore_mem>>)
    %scan3A = arith.constant 0 : i32
    %scan3A_11 = arith.constant 0 : i32
    %scan3A_12 = arith.constant 5 : i32
    %scan3A_13 = arith.addi %scan3A_11, %scan3A_12 : i32
    %scan3A_14 = arith.constant 1 : i32
    scf.for %scan3A_19 = %scan3A_11 to %scan3A_13 step %scan3A_14  : i32 {
      %mul3A_20 = arith.constant 2 : i32
      %mul3A_21 = arith.muli %mul3A_20, %scan3A_19 : i32
      %add3A_22 = arith.constant 0 : i32
      %add3A_23 = arith.addi %mul3A_21, %add3A_22 : i32
      %dma_wait3A_24 = arith.constant 0 : i32
      %dma_wait3A_25 = arith.constant 0 : i32
      %dma_wait3A_26 = tpu.memref_slice %arg3[%dma_wait3A_24, %dma_wait3A_25] : memref<100000x128xf32, #tpu.memory_space<hbm>> -> memref<100000x128xf32, #tpu.memory_space<hbm>>
      tpu.wait_indirect_dma semaphore(%arg9 : memref<!tpu.dma_semaphore, #tpu.memory_space<semaphore_mem>>) src(%dma_wait3A_26 : memref<100000x128xf32, #tpu.memory_space<hbm>>) dst(%arg7 : memref<128x128xf32, #tpu.memory_space<vmem>>)
      %mul3A_27 = arith.constant 4096 : i32
      %mul3A_28 = arith.muli %add3A_23, %mul3A_27 : i32
      %add3A_29 = arith.addi %mul3A_28, %mul3A_2 : i32
      %dma_start3A_30 = arith.constant 0 : i32
      %dma_start3A_31 = tpu.memref_slice %arg4[%add3A_29, %dma_start3A_30] : memref<40960x128xf32, #tpu.memory_space<hbm>> -> memref<128x128xf32, #tpu.memory_space<hbm>>
      %dma_start3A_32 = arith.constant 0 : i32
      %dma_start3A_33 = tpu.memref_slice %arg4[%add3A_29, %dma_start3A_32] : memref<40960x128xf32, #tpu.memory_space<hbm>> -> memref<128x128xf32, #tpu.memory_space<hbm>>
      tpu.enqueue_dma source(%arg7 : memref<128x128xf32, #tpu.memory_space<vmem>>) target(%dma_start3A_33 : memref<128x128xf32, #tpu.memory_space<hbm>>) target_semaphore(%arg11 : memref<!tpu.dma_semaphore, #tpu.memory_space<semaphore_mem>>)
      %add3A_34 = arith.constant 2 : i32
      %add3A_35 = arith.addi %add3A_23, %add3A_34 : i32
      %lt3A = arith.constant 10 : i32
      %lt3A_36 = arith.cmpi slt, %add3A_35, %lt3A : i32
      %convert_element_type3A = arith.extui %lt3A_36 : i1 to i32
      %cond3A = arith.constant 0 : i32
      %cond3A_37 = arith.cmpi ne, %convert_element_type3A, %cond3A : i32
      scf.if %cond3A_37 {
        %add3A_82 = arith.constant 2 : i32
        %add3A_83 = arith.addi %add3A_23, %add3A_82 : i32
        %add3A_84 = arith.constant 20 : i32
        %add3A_85 = arith.addi %add3A_84, %add3A_83 : i32
        %mul3A_86 = arith.constant 4096 : i32
        %mul3A_87 = arith.muli %add3A_85, %mul3A_86 : i32
        %add3A_88 = arith.addi %mul3A_87, %mul3A_2 : i32
        %dma_start3A_89 = tpu.memref_slice %arg2[%add3A_88] : memref<204800xi32, #tpu.memory_space<hbm>> -> memref<128xi32, #tpu.memory_space<hbm>>
        %dma_start3A_90 = tpu.memref_slice %arg2[%add3A_88] : memref<204800xi32, #tpu.memory_space<hbm>> -> memref<128xi32, #tpu.memory_space<hbm>>
        tpu.enqueue_dma source(%dma_start3A_90 : memref<128xi32, #tpu.memory_space<hbm>>) target(%arg5 : memref<128xi32, #tpu.memory_space<vmem>>) target_semaphore(%arg13 : memref<!tpu.dma_semaphore, #tpu.memory_space<semaphore_mem>>)
      } else {
      }
      %ge3A = arith.constant 1 : i32
      %ge3A_38 = arith.cmpi sge, %add3A_23, %ge3A : i32
      %convert_element_type3A_39 = arith.extui %ge3A_38 : i1 to i32
      %cond3A_40 = arith.constant 0 : i32
      %cond3A_41 = arith.cmpi ne, %convert_element_type3A_39, %cond3A_40 : i32
      scf.if %cond3A_41 {
        %dma_wait3A_82 = arith.constant 0 : i32
        %dma_wait3A_83 = tpu.memref_slice %arg4[%mul3A_2, %dma_wait3A_82] : memref<40960x128xf32, #tpu.memory_space<hbm>> -> memref<128x128xf32, #tpu.memory_space<hbm>>
        %dma_wait3A_84 = arith.constant 0 : i32
        %dma_wait3A_85 = tpu.memref_slice %arg4[%mul3A_2, %dma_wait3A_84] : memref<40960x128xf32, #tpu.memory_space<hbm>> -> memref<128x128xf32, #tpu.memory_space<hbm>>
        tpu.wait_dma2 semaphore(%arg12 : memref<!tpu.dma_semaphore, #tpu.memory_space<semaphore_mem>>) src(%arg8 : memref<128x128xf32, #tpu.memory_space<vmem>>) dst(%dma_wait3A_85 : memref<128x128xf32, #tpu.memory_space<hbm>>)
      } else {
      }
      %add3A_42 = arith.constant 1 : i32
      %add3A_43 = arith.addi %add3A_23, %add3A_42 : i32
      %lt3A_44 = arith.constant 10 : i32
      %lt3A_45 = arith.cmpi slt, %add3A_43, %lt3A_44 : i32
      %convert_element_type3A_46 = arith.extui %lt3A_45 : i1 to i32
      %cond3A_47 = arith.constant 0 : i32
      %cond3A_48 = arith.cmpi ne, %convert_element_type3A_46, %cond3A_47 : i32
      scf.if %cond3A_48 {
        %add3A_82 = arith.constant 1 : i32
        %add3A_83 = arith.addi %add3A_23, %add3A_82 : i32
        %add3A_84 = arith.constant 20 : i32
        %add3A_85 = arith.addi %add3A_84, %add3A_83 : i32
        %mul3A_86 = arith.constant 4096 : i32
        %mul3A_87 = arith.muli %add3A_85, %mul3A_86 : i32
        %add3A_88 = arith.addi %mul3A_87, %mul3A_2 : i32
        %dma_wait3A_89 = tpu.memref_slice %arg2[%add3A_88] : memref<204800xi32, #tpu.memory_space<hbm>> -> memref<128xi32, #tpu.memory_space<hbm>>
        %dma_wait3A_90 = tpu.memref_slice %arg2[%add3A_88] : memref<204800xi32, #tpu.memory_space<hbm>> -> memref<128xi32, #tpu.memory_space<hbm>>
        tpu.wait_dma2 semaphore(%arg14 : memref<!tpu.dma_semaphore, #tpu.memory_space<semaphore_mem>>) src(%dma_wait3A_90 : memref<128xi32, #tpu.memory_space<hbm>>) dst(%arg6 : memref<128xi32, #tpu.memory_space<vmem>>)
        %dma_start3A_91 = arith.constant 0 : i32
        %dma_start3A_92 = arith.constant 0 : i32
        %dma_start3A_93 = tpu.memref_slice %arg3[%dma_start3A_91, %dma_start3A_92] : memref<100000x128xf32, #tpu.memory_space<hbm>> -> memref<100000x128xf32, #tpu.memory_space<hbm>>
        tpu.enqueue_indirect_dma source(%dma_start3A_93 : memref<100000x128xf32, #tpu.memory_space<hbm>>) target(%arg8 : memref<128x128xf32, #tpu.memory_space<vmem>>) offsets(%arg6 : memref<128xi32, #tpu.memory_space<vmem>>) semaphore(%arg10 : memref<!tpu.dma_semaphore, #tpu.memory_space<semaphore_mem>>)
      } else {
      }
      %mul3A_49 = arith.constant 2 : i32
      %mul3A_50 = arith.muli %mul3A_49, %scan3A_19 : i32
      %add3A_51 = arith.constant 1 : i32
      %add3A_52 = arith.addi %mul3A_50, %add3A_51 : i32
      %dma_wait3A_53 = arith.constant 0 : i32
      %dma_wait3A_54 = arith.constant 0 : i32
      %dma_wait3A_55 = tpu.memref_slice %arg3[%dma_wait3A_53, %dma_wait3A_54] : memref<100000x128xf32, #tpu.memory_space<hbm>> -> memref<100000x128xf32, #tpu.memory_space<hbm>>
      tpu.wait_indirect_dma semaphore(%arg10 : memref<!tpu.dma_semaphore, #tpu.memory_space<semaphore_mem>>) src(%dma_wait3A_55 : memref<100000x128xf32, #tpu.memory_space<hbm>>) dst(%arg8 : memref<128x128xf32, #tpu.memory_space<vmem>>)
      %mul3A_56 = arith.constant 4096 : i32
      %mul3A_57 = arith.muli %add3A_52, %mul3A_56 : i32
      %add3A_58 = arith.addi %mul3A_57, %mul3A_2 : i32
      %dma_start3A_59 = arith.constant 0 : i32
      %dma_start3A_60 = tpu.memref_slice %arg4[%add3A_58, %dma_start3A_59] : memref<40960x128xf32, #tpu.memory_space<hbm>> -> memref<128x128xf32, #tpu.memory_space<hbm>>
      %dma_start3A_61 = arith.constant 0 : i32
      %dma_start3A_62 = tpu.memref_slice %arg4[%add3A_58, %dma_start3A_61] : memref<40960x128xf32, #tpu.memory_space<hbm>> -> memref<128x128xf32, #tpu.memory_space<hbm>>
      tpu.enqueue_dma source(%arg8 : memref<128x128xf32, #tpu.memory_space<vmem>>) target(%dma_start3A_62 : memref<128x128xf32, #tpu.memory_space<hbm>>) target_semaphore(%arg12 : memref<!tpu.dma_semaphore, #tpu.memory_space<semaphore_mem>>)
      %add3A_63 = arith.constant 2 : i32
      %add3A_64 = arith.addi %add3A_52, %add3A_63 : i32
      %lt3A_65 = arith.constant 10 : i32
      %lt3A_66 = arith.cmpi slt, %add3A_64, %lt3A_65 : i32
      %convert_element_type3A_67 = arith.extui %lt3A_66 : i1 to i32
      %cond3A_68 = arith.constant 0 : i32
      %cond3A_69 = arith.cmpi ne, %convert_element_type3A_67, %cond3A_68 : i32
      scf.if %cond3A_69 {
        %add3A_82 = arith.constant 2 : i32
        %add3A_83 = arith.addi %add3A_52, %add3A_82 : i32
        %add3A_84 = arith.constant 20 : i32
        %add3A_85 = arith.addi %add3A_84, %add3A_83 : i32
        %mul3A_86 = arith.constant 4096 : i32
        %mul3A_87 = arith.muli %add3A_85, %mul3A_86 : i32
        %add3A_88 = arith.addi %mul3A_87, %mul3A_2 : i32
        %dma_start3A_89 = tpu.memref_slice %arg2[%add3A_88] : memref<204800xi32, #tpu.memory_space<hbm>> -> memref<128xi32, #tpu.memory_space<hbm>>
        %dma_start3A_90 = tpu.memref_slice %arg2[%add3A_88] : memref<204800xi32, #tpu.memory_space<hbm>> -> memref<128xi32, #tpu.memory_space<hbm>>
        tpu.enqueue_dma source(%dma_start3A_90 : memref<128xi32, #tpu.memory_space<hbm>>) target(%arg6 : memref<128xi32, #tpu.memory_space<vmem>>) target_semaphore(%arg14 : memref<!tpu.dma_semaphore, #tpu.memory_space<semaphore_mem>>)
      } else {
      }
      %ge3A_70 = arith.constant 1 : i32
      %ge3A_71 = arith.cmpi sge, %add3A_52, %ge3A_70 : i32
      %convert_element_type3A_72 = arith.extui %ge3A_71 : i1 to i32
      %cond3A_73 = arith.constant 0 : i32
      %cond3A_74 = arith.cmpi ne, %convert_element_type3A_72, %cond3A_73 : i32
      scf.if %cond3A_74 {
        %dma_wait3A_82 = arith.constant 0 : i32
        %dma_wait3A_83 = tpu.memref_slice %arg4[%mul3A_2, %dma_wait3A_82] : memref<40960x128xf32, #tpu.memory_space<hbm>> -> memref<128x128xf32, #tpu.memory_space<hbm>>
        %dma_wait3A_84 = arith.constant 0 : i32
        %dma_wait3A_85 = tpu.memref_slice %arg4[%mul3A_2, %dma_wait3A_84] : memref<40960x128xf32, #tpu.memory_space<hbm>> -> memref<128x128xf32, #tpu.memory_space<hbm>>
        tpu.wait_dma2 semaphore(%arg11 : memref<!tpu.dma_semaphore, #tpu.memory_space<semaphore_mem>>) src(%arg7 : memref<128x128xf32, #tpu.memory_space<vmem>>) dst(%dma_wait3A_85 : memref<128x128xf32, #tpu.memory_space<hbm>>)
      } else {
      }
      %add3A_75 = arith.constant 1 : i32
      %add3A_76 = arith.addi %add3A_52, %add3A_75 : i32
      %lt3A_77 = arith.constant 10 : i32
      %lt3A_78 = arith.cmpi slt, %add3A_76, %lt3A_77 : i32
      %convert_element_type3A_79 = arith.extui %lt3A_78 : i1 to i32
      %cond3A_80 = arith.constant 0 : i32
      %cond3A_81 = arith.cmpi ne, %convert_element_type3A_79, %cond3A_80 : i32
      scf.if %cond3A_81 {
        %add3A_82 = arith.constant 1 : i32
        %add3A_83 = arith.addi %add3A_52, %add3A_82 : i32
        %add3A_84 = arith.constant 20 : i32
        %add3A_85 = arith.addi %add3A_84, %add3A_83 : i32
        %mul3A_86 = arith.constant 4096 : i32
        %mul3A_87 = arith.muli %add3A_85, %mul3A_86 : i32
        %add3A_88 = arith.addi %mul3A_87, %mul3A_2 : i32
        %dma_wait3A_89 = tpu.memref_slice %arg2[%add3A_88] : memref<204800xi32, #tpu.memory_space<hbm>> -> memref<128xi32, #tpu.memory_space<hbm>>
        %dma_wait3A_90 = tpu.memref_slice %arg2[%add3A_88] : memref<204800xi32, #tpu.memory_space<hbm>> -> memref<128xi32, #tpu.memory_space<hbm>>
        tpu.wait_dma2 semaphore(%arg13 : memref<!tpu.dma_semaphore, #tpu.memory_space<semaphore_mem>>) src(%dma_wait3A_90 : memref<128xi32, #tpu.memory_space<hbm>>) dst(%arg5 : memref<128xi32, #tpu.memory_space<vmem>>)
        %dma_start3A_91 = arith.constant 0 : i32
        %dma_start3A_92 = arith.constant 0 : i32
        %dma_start3A_93 = tpu.memref_slice %arg3[%dma_start3A_91, %dma_start3A_92] : memref<100000x128xf32, #tpu.memory_space<hbm>> -> memref<100000x128xf32, #tpu.memory_space<hbm>>
        tpu.enqueue_indirect_dma source(%dma_start3A_93 : memref<100000x128xf32, #tpu.memory_space<hbm>>) target(%arg7 : memref<128x128xf32, #tpu.memory_space<vmem>>) offsets(%arg5 : memref<128xi32, #tpu.memory_space<vmem>>) semaphore(%arg9 : memref<!tpu.dma_semaphore, #tpu.memory_space<semaphore_mem>>)
      } else {
      }
    }
    %scan3A_15 = arith.constant 5 : i32
    %dma_wait3A = arith.constant 0 : i32
    %dma_wait3A_16 = tpu.memref_slice %arg4[%mul3A_2, %dma_wait3A] : memref<40960x128xf32, #tpu.memory_space<hbm>> -> memref<128x128xf32, #tpu.memory_space<hbm>>
    %dma_wait3A_17 = arith.constant 0 : i32
    %dma_wait3A_18 = tpu.memref_slice %arg4[%mul3A_2, %dma_wait3A_17] : memref<40960x128xf32, #tpu.memory_space<hbm>> -> memref<128x128xf32, #tpu.memory_space<hbm>>
    tpu.wait_dma2 semaphore(%arg12 : memref<!tpu.dma_semaphore, #tpu.memory_space<semaphore_mem>>) src(%arg8 : memref<128x128xf32, #tpu.memory_space<vmem>>) dst(%dma_wait3A_18 : memref<128x128xf32, #tpu.memory_space<hbm>>)
    return
  }
}

#map = affine_map<(d0, d1) -> (0)>
#map1 = affine_map<(d0, d1) -> (0, 0)>
module attributes {stable_mosaic.version = 14 : i64} {
  func.func @k(%arg0: i32, %arg1: i32, %arg2: memref<204800xi32, #tpu.memory_space<hbm>>, %arg3: memref<100000x128xf32, #tpu.memory_space<hbm>>, %arg4: memref<40960x128xf32, #tpu.memory_space<hbm>>, %arg5: memref<128xi32, #tpu.memory_space<vmem>>, %arg6: memref<128xi32, #tpu.memory_space<vmem>>, %arg7: memref<128x128xf32, #tpu.memory_space<vmem>>, %arg8: memref<128x128xf32, #tpu.memory_space<vmem>>, %arg9: memref<!tpu.dma_semaphore, #tpu.memory_space<semaphore_mem>>, %arg10: memref<!tpu.dma_semaphore, #tpu.memory_space<semaphore_mem>>, %arg11: memref<!tpu.dma_semaphore, #tpu.memory_space<semaphore_mem>>, %arg12: memref<!tpu.dma_semaphore, #tpu.memory_space<semaphore_mem>>, %arg13: memref<!tpu.dma_semaphore, #tpu.memory_space<semaphore_mem>>, %arg14: memref<!tpu.dma_semaphore, #tpu.memory_space<semaphore_mem>>) attributes {dimension_semantics = [#tpu.dimension_semantics<core_parallel>, #tpu.dimension_semantics<subcore_parallel>], iteration_bounds = array<i64: 2, 16>, scalar_prefetch = 0 : i64, scratch_operands = 10 : i64, tpu.core_type = #tpu.core_type<sc_vector_subcore>, window_params = [{transform_indices = #map}, {transform_indices = #map1}, {transform_indices = #map1}]} {
    %mul3A = arith.constant 2 : i32
    %mul3A_0 = arith.muli %arg1, %mul3A : i32
    %add3A = arith.addi %mul3A_0, %arg0 : i32
    %mul3A_1 = arith.constant 128 : i32
    %mul3A_2 = arith.muli %add3A, %mul3A_1 : i32
    %add3A_3 = arith.constant 163840 : i32
    %add3A_4 = arith.addi %add3A_3, %mul3A_2 : i32
    "tpu.region"() ({
      %run_scoped3A = tpu.sem_alloc : memref<!tpu.dma_semaphore, #tpu.memory_space<semaphore_mem>>
      %dma_start3A_19 = tpu.memref_slice %arg2[%add3A_4] : memref<204800xi32, #tpu.memory_space<hbm>> -> memref<128xi32, #tpu.memory_space<hbm>>
      %dma_start3A_20 = tpu.memref_slice %arg2[%add3A_4] : memref<204800xi32, #tpu.memory_space<hbm>> -> memref<128xi32, #tpu.memory_space<hbm>>
      tpu.enqueue_dma source(%dma_start3A_20 : memref<128xi32, #tpu.memory_space<hbm>>) target(%arg5 : memref<128xi32, #tpu.memory_space<vmem>>) target_semaphore(%run_scoped3A : memref<!tpu.dma_semaphore, #tpu.memory_space<semaphore_mem>>)
      %dma_wait3A_21 = tpu.memref_slice %arg2[%add3A_4] : memref<204800xi32, #tpu.memory_space<hbm>> -> memref<128xi32, #tpu.memory_space<hbm>>
      %dma_wait3A_22 = tpu.memref_slice %arg2[%add3A_4] : memref<204800xi32, #tpu.memory_space<hbm>> -> memref<128xi32, #tpu.memory_space<hbm>>
      tpu.wait_dma2 semaphore(%run_scoped3A : memref<!tpu.dma_semaphore, #tpu.memory_space<semaphore_mem>>) src(%dma_wait3A_22 : memref<128xi32, #tpu.memory_space<hbm>>) dst(%arg5 : memref<128xi32, #tpu.memory_space<vmem>>)
      tpu.yield
    }) : () -> ()
    %dma_start3A = arith.constant 0 : i32
    %dma_start3A_5 = arith.constant 0 : i32
    %dma_start3A_6 = tpu.memref_slice %arg3[%dma_start3A, %dma_start3A_5] : memref<100000x128xf32, #tpu.memory_space<hbm>> -> memref<100000x128xf32, #tpu.memory_space<hbm>>
    tpu.enqueue_indirect_dma source(%dma_start3A_6 : memref<100000x128xf32, #tpu.memory_space<hbm>>) target(%arg7 : memref<128x128xf32, #tpu.memory_space<vmem>>) offsets(%arg5 : memref<128xi32, #tpu.memory_space<vmem>>) semaphore(%arg9 : memref<!tpu.dma_semaphore, #tpu.memory_space<semaphore_mem>>)
    %add3A_7 = arith.constant 167936 : i32
    %add3A_8 = arith.addi %add3A_7, %mul3A_2 : i32
    %dma_start3A_9 = tpu.memref_slice %arg2[%add3A_8] : memref<204800xi32, #tpu.memory_space<hbm>> -> memref<128xi32, #tpu.memory_space<hbm>>
    %dma_start3A_10 = tpu.memref_slice %arg2[%add3A_8] : memref<204800xi32, #tpu.memory_space<hbm>> -> memref<128xi32, #tpu.memory_space<hbm>>
    tpu.enqueue_dma source(%dma_start3A_10 : memref<128xi32, #tpu.memory_space<hbm>>) target(%arg6 : memref<128xi32, #tpu.memory_space<vmem>>) target_semaphore(%arg14 : memref<!tpu.dma_semaphore, #tpu.memory_space<semaphore_mem>>)
    %scan3A = arith.constant 0 : i32
    %scan3A_11 = arith.constant 0 : i32
    %scan3A_12 = arith.constant 5 : i32
    %scan3A_13 = arith.addi %scan3A_11, %scan3A_12 : i32
    %scan3A_14 = arith.constant 1 : i32
    scf.for %scan3A_19 = %scan3A_11 to %scan3A_13 step %scan3A_14  : i32 {
      %mul3A_20 = arith.constant 2 : i32
      %mul3A_21 = arith.muli %mul3A_20, %scan3A_19 : i32
      %add3A_22 = arith.constant 0 : i32
      %add3A_23 = arith.addi %mul3A_21, %add3A_22 : i32
      %dma_wait3A_24 = arith.constant 0 : i32
      %dma_wait3A_25 = arith.constant 0 : i32
      %dma_wait3A_26 = tpu.memref_slice %arg3[%dma_wait3A_24, %dma_wait3A_25] : memref<100000x128xf32, #tpu.memory_space<hbm>> -> memref<100000x128xf32, #tpu.memory_space<hbm>>
      tpu.wait_indirect_dma semaphore(%arg9 : memref<!tpu.dma_semaphore, #tpu.memory_space<semaphore_mem>>) src(%dma_wait3A_26 : memref<100000x128xf32, #tpu.memory_space<hbm>>) dst(%arg7 : memref<128x128xf32, #tpu.memory_space<vmem>>)
      %mul3A_27 = arith.constant 4096 : i32
      %mul3A_28 = arith.muli %add3A_23, %mul3A_27 : i32
      %add3A_29 = arith.addi %mul3A_28, %mul3A_2 : i32
      %dma_start3A_30 = arith.constant 0 : i32
      %dma_start3A_31 = tpu.memref_slice %arg4[%add3A_29, %dma_start3A_30] : memref<40960x128xf32, #tpu.memory_space<hbm>> -> memref<128x128xf32, #tpu.memory_space<hbm>>
      %dma_start3A_32 = arith.constant 0 : i32
      %dma_start3A_33 = tpu.memref_slice %arg4[%add3A_29, %dma_start3A_32] : memref<40960x128xf32, #tpu.memory_space<hbm>> -> memref<128x128xf32, #tpu.memory_space<hbm>>
      tpu.enqueue_dma source(%arg7 : memref<128x128xf32, #tpu.memory_space<vmem>>) target(%dma_start3A_33 : memref<128x128xf32, #tpu.memory_space<hbm>>) target_semaphore(%arg11 : memref<!tpu.dma_semaphore, #tpu.memory_space<semaphore_mem>>)
      %add3A_34 = arith.constant 2 : i32
      %add3A_35 = arith.addi %add3A_23, %add3A_34 : i32
      %lt3A = arith.constant 10 : i32
      %lt3A_36 = arith.cmpi slt, %add3A_35, %lt3A : i32
      %convert_element_type3A = arith.extui %lt3A_36 : i1 to i32
      %cond3A = arith.constant 0 : i32
      %cond3A_37 = arith.cmpi ne, %convert_element_type3A, %cond3A : i32
      scf.if %cond3A_37 {
        %add3A_82 = arith.constant 2 : i32
        %add3A_83 = arith.addi %add3A_23, %add3A_82 : i32
        %add3A_84 = arith.constant 40 : i32
        %add3A_85 = arith.addi %add3A_84, %add3A_83 : i32
        %mul3A_86 = arith.constant 4096 : i32
        %mul3A_87 = arith.muli %add3A_85, %mul3A_86 : i32
        %add3A_88 = arith.addi %mul3A_87, %mul3A_2 : i32
        %dma_start3A_89 = tpu.memref_slice %arg2[%add3A_88] : memref<204800xi32, #tpu.memory_space<hbm>> -> memref<128xi32, #tpu.memory_space<hbm>>
        %dma_start3A_90 = tpu.memref_slice %arg2[%add3A_88] : memref<204800xi32, #tpu.memory_space<hbm>> -> memref<128xi32, #tpu.memory_space<hbm>>
        tpu.enqueue_dma source(%dma_start3A_90 : memref<128xi32, #tpu.memory_space<hbm>>) target(%arg5 : memref<128xi32, #tpu.memory_space<vmem>>) target_semaphore(%arg13 : memref<!tpu.dma_semaphore, #tpu.memory_space<semaphore_mem>>)
      } else {
      }
      %ge3A = arith.constant 1 : i32
      %ge3A_38 = arith.cmpi sge, %add3A_23, %ge3A : i32
      %convert_element_type3A_39 = arith.extui %ge3A_38 : i1 to i32
      %cond3A_40 = arith.constant 0 : i32
      %cond3A_41 = arith.cmpi ne, %convert_element_type3A_39, %cond3A_40 : i32
      scf.if %cond3A_41 {
        %dma_wait3A_82 = arith.constant 0 : i32
        %dma_wait3A_83 = tpu.memref_slice %arg4[%mul3A_2, %dma_wait3A_82] : memref<40960x128xf32, #tpu.memory_space<hbm>> -> memref<128x128xf32, #tpu.memory_space<hbm>>
        %dma_wait3A_84 = arith.constant 0 : i32
        %dma_wait3A_85 = tpu.memref_slice %arg4[%mul3A_2, %dma_wait3A_84] : memref<40960x128xf32, #tpu.memory_space<hbm>> -> memref<128x128xf32, #tpu.memory_space<hbm>>
        tpu.wait_dma2 semaphore(%arg12 : memref<!tpu.dma_semaphore, #tpu.memory_space<semaphore_mem>>) src(%arg8 : memref<128x128xf32, #tpu.memory_space<vmem>>) dst(%dma_wait3A_85 : memref<128x128xf32, #tpu.memory_space<hbm>>)
      } else {
      }
      %add3A_42 = arith.constant 1 : i32
      %add3A_43 = arith.addi %add3A_23, %add3A_42 : i32
      %lt3A_44 = arith.constant 10 : i32
      %lt3A_45 = arith.cmpi slt, %add3A_43, %lt3A_44 : i32
      %convert_element_type3A_46 = arith.extui %lt3A_45 : i1 to i32
      %cond3A_47 = arith.constant 0 : i32
      %cond3A_48 = arith.cmpi ne, %convert_element_type3A_46, %cond3A_47 : i32
      scf.if %cond3A_48 {
        %add3A_82 = arith.constant 1 : i32
        %add3A_83 = arith.addi %add3A_23, %add3A_82 : i32
        %add3A_84 = arith.constant 40 : i32
        %add3A_85 = arith.addi %add3A_84, %add3A_83 : i32
        %mul3A_86 = arith.constant 4096 : i32
        %mul3A_87 = arith.muli %add3A_85, %mul3A_86 : i32
        %add3A_88 = arith.addi %mul3A_87, %mul3A_2 : i32
        %dma_wait3A_89 = tpu.memref_slice %arg2[%add3A_88] : memref<204800xi32, #tpu.memory_space<hbm>> -> memref<128xi32, #tpu.memory_space<hbm>>
        %dma_wait3A_90 = tpu.memref_slice %arg2[%add3A_88] : memref<204800xi32, #tpu.memory_space<hbm>> -> memref<128xi32, #tpu.memory_space<hbm>>
        tpu.wait_dma2 semaphore(%arg14 : memref<!tpu.dma_semaphore, #tpu.memory_space<semaphore_mem>>) src(%dma_wait3A_90 : memref<128xi32, #tpu.memory_space<hbm>>) dst(%arg6 : memref<128xi32, #tpu.memory_space<vmem>>)
        %dma_start3A_91 = arith.constant 0 : i32
        %dma_start3A_92 = arith.constant 0 : i32
        %dma_start3A_93 = tpu.memref_slice %arg3[%dma_start3A_91, %dma_start3A_92] : memref<100000x128xf32, #tpu.memory_space<hbm>> -> memref<100000x128xf32, #tpu.memory_space<hbm>>
        tpu.enqueue_indirect_dma source(%dma_start3A_93 : memref<100000x128xf32, #tpu.memory_space<hbm>>) target(%arg8 : memref<128x128xf32, #tpu.memory_space<vmem>>) offsets(%arg6 : memref<128xi32, #tpu.memory_space<vmem>>) semaphore(%arg10 : memref<!tpu.dma_semaphore, #tpu.memory_space<semaphore_mem>>)
      } else {
      }
      %mul3A_49 = arith.constant 2 : i32
      %mul3A_50 = arith.muli %mul3A_49, %scan3A_19 : i32
      %add3A_51 = arith.constant 1 : i32
      %add3A_52 = arith.addi %mul3A_50, %add3A_51 : i32
      %dma_wait3A_53 = arith.constant 0 : i32
      %dma_wait3A_54 = arith.constant 0 : i32
      %dma_wait3A_55 = tpu.memref_slice %arg3[%dma_wait3A_53, %dma_wait3A_54] : memref<100000x128xf32, #tpu.memory_space<hbm>> -> memref<100000x128xf32, #tpu.memory_space<hbm>>
      tpu.wait_indirect_dma semaphore(%arg10 : memref<!tpu.dma_semaphore, #tpu.memory_space<semaphore_mem>>) src(%dma_wait3A_55 : memref<100000x128xf32, #tpu.memory_space<hbm>>) dst(%arg8 : memref<128x128xf32, #tpu.memory_space<vmem>>)
      %mul3A_56 = arith.constant 4096 : i32
      %mul3A_57 = arith.muli %add3A_52, %mul3A_56 : i32
      %add3A_58 = arith.addi %mul3A_57, %mul3A_2 : i32
      %dma_start3A_59 = arith.constant 0 : i32
      %dma_start3A_60 = tpu.memref_slice %arg4[%add3A_58, %dma_start3A_59] : memref<40960x128xf32, #tpu.memory_space<hbm>> -> memref<128x128xf32, #tpu.memory_space<hbm>>
      %dma_start3A_61 = arith.constant 0 : i32
      %dma_start3A_62 = tpu.memref_slice %arg4[%add3A_58, %dma_start3A_61] : memref<40960x128xf32, #tpu.memory_space<hbm>> -> memref<128x128xf32, #tpu.memory_space<hbm>>
      tpu.enqueue_dma source(%arg8 : memref<128x128xf32, #tpu.memory_space<vmem>>) target(%dma_start3A_62 : memref<128x128xf32, #tpu.memory_space<hbm>>) target_semaphore(%arg12 : memref<!tpu.dma_semaphore, #tpu.memory_space<semaphore_mem>>)
      %add3A_63 = arith.constant 2 : i32
      %add3A_64 = arith.addi %add3A_52, %add3A_63 : i32
      %lt3A_65 = arith.constant 10 : i32
      %lt3A_66 = arith.cmpi slt, %add3A_64, %lt3A_65 : i32
      %convert_element_type3A_67 = arith.extui %lt3A_66 : i1 to i32
      %cond3A_68 = arith.constant 0 : i32
      %cond3A_69 = arith.cmpi ne, %convert_element_type3A_67, %cond3A_68 : i32
      scf.if %cond3A_69 {
        %add3A_82 = arith.constant 2 : i32
        %add3A_83 = arith.addi %add3A_52, %add3A_82 : i32
        %add3A_84 = arith.constant 40 : i32
        %add3A_85 = arith.addi %add3A_84, %add3A_83 : i32
        %mul3A_86 = arith.constant 4096 : i32
        %mul3A_87 = arith.muli %add3A_85, %mul3A_86 : i32
        %add3A_88 = arith.addi %mul3A_87, %mul3A_2 : i32
        %dma_start3A_89 = tpu.memref_slice %arg2[%add3A_88] : memref<204800xi32, #tpu.memory_space<hbm>> -> memref<128xi32, #tpu.memory_space<hbm>>
        %dma_start3A_90 = tpu.memref_slice %arg2[%add3A_88] : memref<204800xi32, #tpu.memory_space<hbm>> -> memref<128xi32, #tpu.memory_space<hbm>>
        tpu.enqueue_dma source(%dma_start3A_90 : memref<128xi32, #tpu.memory_space<hbm>>) target(%arg6 : memref<128xi32, #tpu.memory_space<vmem>>) target_semaphore(%arg14 : memref<!tpu.dma_semaphore, #tpu.memory_space<semaphore_mem>>)
      } else {
      }
      %ge3A_70 = arith.constant 1 : i32
      %ge3A_71 = arith.cmpi sge, %add3A_52, %ge3A_70 : i32
      %convert_element_type3A_72 = arith.extui %ge3A_71 : i1 to i32
      %cond3A_73 = arith.constant 0 : i32
      %cond3A_74 = arith.cmpi ne, %convert_element_type3A_72, %cond3A_73 : i32
      scf.if %cond3A_74 {
        %dma_wait3A_82 = arith.constant 0 : i32
        %dma_wait3A_83 = tpu.memref_slice %arg4[%mul3A_2, %dma_wait3A_82] : memref<40960x128xf32, #tpu.memory_space<hbm>> -> memref<128x128xf32, #tpu.memory_space<hbm>>
        %dma_wait3A_84 = arith.constant 0 : i32
        %dma_wait3A_85 = tpu.memref_slice %arg4[%mul3A_2, %dma_wait3A_84] : memref<40960x128xf32, #tpu.memory_space<hbm>> -> memref<128x128xf32, #tpu.memory_space<hbm>>
        tpu.wait_dma2 semaphore(%arg11 : memref<!tpu.dma_semaphore, #tpu.memory_space<semaphore_mem>>) src(%arg7 : memref<128x128xf32, #tpu.memory_space<vmem>>) dst(%dma_wait3A_85 : memref<128x128xf32, #tpu.memory_space<hbm>>)
      } else {
      }
      %add3A_75 = arith.constant 1 : i32
      %add3A_76 = arith.addi %add3A_52, %add3A_75 : i32
      %lt3A_77 = arith.constant 10 : i32
      %lt3A_78 = arith.cmpi slt, %add3A_76, %lt3A_77 : i32
      %convert_element_type3A_79 = arith.extui %lt3A_78 : i1 to i32
      %cond3A_80 = arith.constant 0 : i32
      %cond3A_81 = arith.cmpi ne, %convert_element_type3A_79, %cond3A_80 : i32
      scf.if %cond3A_81 {
        %add3A_82 = arith.constant 1 : i32
        %add3A_83 = arith.addi %add3A_52, %add3A_82 : i32
        %add3A_84 = arith.constant 40 : i32
        %add3A_85 = arith.addi %add3A_84, %add3A_83 : i32
        %mul3A_86 = arith.constant 4096 : i32
        %mul3A_87 = arith.muli %add3A_85, %mul3A_86 : i32
        %add3A_88 = arith.addi %mul3A_87, %mul3A_2 : i32
        %dma_wait3A_89 = tpu.memref_slice %arg2[%add3A_88] : memref<204800xi32, #tpu.memory_space<hbm>> -> memref<128xi32, #tpu.memory_space<hbm>>
        %dma_wait3A_90 = tpu.memref_slice %arg2[%add3A_88] : memref<204800xi32, #tpu.memory_space<hbm>> -> memref<128xi32, #tpu.memory_space<hbm>>
        tpu.wait_dma2 semaphore(%arg13 : memref<!tpu.dma_semaphore, #tpu.memory_space<semaphore_mem>>) src(%dma_wait3A_90 : memref<128xi32, #tpu.memory_space<hbm>>) dst(%arg5 : memref<128xi32, #tpu.memory_space<vmem>>)
        %dma_start3A_91 = arith.constant 0 : i32
        %dma_start3A_92 = arith.constant 0 : i32
        %dma_start3A_93 = tpu.memref_slice %arg3[%dma_start3A_91, %dma_start3A_92] : memref<100000x128xf32, #tpu.memory_space<hbm>> -> memref<100000x128xf32, #tpu.memory_space<hbm>>
        tpu.enqueue_indirect_dma source(%dma_start3A_93 : memref<100000x128xf32, #tpu.memory_space<hbm>>) target(%arg7 : memref<128x128xf32, #tpu.memory_space<vmem>>) offsets(%arg5 : memref<128xi32, #tpu.memory_space<vmem>>) semaphore(%arg9 : memref<!tpu.dma_semaphore, #tpu.memory_space<semaphore_mem>>)
      } else {
      }
    }
    %scan3A_15 = arith.constant 5 : i32
    %dma_wait3A = arith.constant 0 : i32
    %dma_wait3A_16 = tpu.memref_slice %arg4[%mul3A_2, %dma_wait3A] : memref<40960x128xf32, #tpu.memory_space<hbm>> -> memref<128x128xf32, #tpu.memory_space<hbm>>
    %dma_wait3A_17 = arith.constant 0 : i32
    %dma_wait3A_18 = tpu.memref_slice %arg4[%mul3A_2, %dma_wait3A_17] : memref<40960x128xf32, #tpu.memory_space<hbm>> -> memref<128x128xf32, #tpu.memory_space<hbm>>
    tpu.wait_dma2 semaphore(%arg12 : memref<!tpu.dma_semaphore, #tpu.memory_space<semaphore_mem>>) src(%arg8 : memref<128x128xf32, #tpu.memory_space<vmem>>) dst(%dma_wait3A_18 : memref<128x128xf32, #tpu.memory_space<hbm>>)
    return
  }
}

module attributes {stable_mosaic.version = 14 : i64} {
  func.func @body(%arg0: i32, %arg1: memref<4096x128xf32, #tpu.memory_space<vmem>>, %arg2: memref<1x1x128xf32, #tpu.memory_space<vmem>>, %arg3: memref<204800x128xf32, #tpu.memory_space<any>>, %arg4: memref<1x1x128xf32, #tpu.memory_space<vmem>>, %arg5: memref<1x1x128xf32, #tpu.memory_space<vmem>>, %arg6: memref<4096x128xf32, #tpu.memory_space<vmem>>) attributes {dimension_semantics = [#tpu.dimension_semantics<arbitrary>], iteration_bounds = array<i64: 10>, scalar_prefetch = 0 : i64, scratch_operands = 0 : i64, tpu.core_type = #tpu.core_type<tc>, window_params = [{transform_indices = @transform_0, window_bounds = array<i64: 4096, 128>}, {transform_indices = @transform_1, window_bounds = array<i64: 1, 1, 128>}, {}, {pipeline_mode = #tpu.pipeline_mode<synchronous>, transform_indices = @transform_3, window_bounds = array<i64: 1, 1, 128>}, {pipeline_mode = #tpu.pipeline_mode<synchronous>, transform_indices = @transform_4, window_bounds = array<i64: 1, 1, 128>}, {transform_indices = @transform_5, window_bounds = array<i64: 4096, 128>}]} {
    %get3A = arith.constant 0 : index
    %get3A_0 = arith.constant 0 : index
    %get3A_1 = vector.load %arg1[%get3A, %get3A_0] : memref<4096x128xf32, #tpu.memory_space<vmem>>, vector<4096x128xf32>
    %ne3A = arith.constant 0.000000e+00 : f32
    %ne3A_2 = vector.broadcast %ne3A : f32 to vector<4096x128xf32>
    %ne3A_3 = arith.cmpf one, %get3A_1, %ne3A_2 : vector<4096x128xf32>
    %reduce_or3A = arith.constant 1.000000e+00 : f32
    %reduce_or3A_4 = arith.constant 0.000000e+00 : f32
    %reduce_or3A_5 = vector.broadcast %reduce_or3A : f32 to vector<4096x128xf32>
    %reduce_or3A_6 = vector.broadcast %reduce_or3A_4 : f32 to vector<4096x128xf32>
    %reduce_or3A_7 = arith.select %ne3A_3, %reduce_or3A_5, %reduce_or3A_6 : vector<4096x128xi1>, vector<4096x128xf32>
    %reduce_or3A_8 = arith.constant dense<0xFF800000> : vector<4096xf32>
    %reduce_or3A_9 = vector.multi_reduction <maximumf>, %reduce_or3A_7, %reduce_or3A_8 [1] : vector<4096x128xf32> to vector<4096xf32>
    %reduce_or3A_10 = arith.constant 0.000000e+00 : f32
    %reduce_or3A_11 = vector.broadcast %reduce_or3A_10 : f32 to vector<4096xf32>
    %reduce_or3A_12 = arith.cmpf ogt, %reduce_or3A_9, %reduce_or3A_11 : vector<4096xf32>
    %broadcast_in_dim3A = vector.shape_cast %reduce_or3A_12 : vector<4096xi1> to vector<4096x1xi1>
    %convert_element_type3A = arith.extui %broadcast_in_dim3A : vector<4096x1xi1> to vector<4096x1xi32>
    %convert_element_type3A_13 = arith.sitofp %convert_element_type3A : vector<4096x1xi32> to vector<4096x1xf32>
    %get3A_14 = arith.constant 0 : index
    %get3A_15 = arith.constant 0 : index
    %get3A_16 = arith.constant 0 : index
    %get3A_17 = vector.load %arg2[%get3A_14, %get3A_15, %get3A_16] : memref<1x1x128xf32, #tpu.memory_space<vmem>>, vector<1x1x128xf32>
    %get3A_18 = vector.shape_cast %get3A_17 : vector<1x1x128xf32> to vector<1x128xf32>
    %add3A = vector.broadcast %get3A_18 : vector<1x128xf32> to vector<4096x128xf32>
    %add3A_19 = arith.addf %get3A_1, %add3A : vector<4096x128xf32>
    %reduce_sum3A = arith.constant dense<0.000000e+00> : vector<4096xf32>
    %reduce_sum3A_20 = vector.multi_reduction <add>, %add3A_19, %reduce_sum3A [1] : vector<4096x128xf32> to vector<4096xf32>
    %broadcast_in_dim3A_21 = vector.shape_cast %reduce_sum3A_20 : vector<4096xf32> to vector<4096x1xf32>
    %div3A = arith.constant 1.280000e+02 : f32
    %div3A_22 = vector.broadcast %div3A : f32 to vector<4096x1xf32>
    %div3A_23 = arith.divf %broadcast_in_dim3A_21, %div3A_22 : vector<4096x1xf32>
    %sub3A = vector.broadcast %div3A_23 : vector<4096x1xf32> to vector<4096x128xf32>
    %sub3A_24 = arith.subf %add3A_19, %sub3A : vector<4096x128xf32>
    %mul3A = arith.mulf %sub3A_24, %sub3A_24 : vector<4096x128xf32>
    %reduce_sum3A_25 = arith.constant dense<0.000000e+00> : vector<4096xf32>
    %reduce_sum3A_26 = vector.multi_reduction <add>, %mul3A, %reduce_sum3A_25 [1] : vector<4096x128xf32> to vector<4096xf32>
    %broadcast_in_dim3A_27 = vector.shape_cast %reduce_sum3A_26 : vector<4096xf32> to vector<4096x1xf32>
    %div3A_28 = arith.constant 1.280000e+02 : f32
    %div3A_29 = vector.broadcast %div3A_28 : f32 to vector<4096x1xf32>
    %div3A_30 = arith.divf %broadcast_in_dim3A_27, %div3A_29 : vector<4096x1xf32>
    %add3A_31 = arith.constant 9.99999993E-9 : f32
    %add3A_32 = vector.broadcast %add3A_31 : f32 to vector<4096x1xf32>
    %add3A_33 = arith.addf %div3A_30, %add3A_32 : vector<4096x1xf32>
    %rsqrt3A = math.rsqrt %add3A_33 : vector<4096x1xf32>
    %mul3A_34 = vector.broadcast %rsqrt3A : vector<4096x1xf32> to vector<4096x128xf32>
    %mul3A_35 = arith.mulf %sub3A_24, %mul3A_34 : vector<4096x128xf32>
    %get3A_36 = arith.constant 0 : index
    %get3A_37 = arith.constant 0 : index
    %get3A_38 = arith.constant 0 : index
    %get3A_39 = vector.load %arg4[%get3A_36, %get3A_37, %get3A_38] : memref<1x1x128xf32, #tpu.memory_space<vmem>>, vector<1x1x128xf32>
    %get3A_40 = vector.shape_cast %get3A_39 : vector<1x1x128xf32> to vector<1x128xf32>
    %mul3A_41 = vector.broadcast %get3A_40 : vector<1x128xf32> to vector<4096x128xf32>
    %mul3A_42 = arith.mulf %mul3A_35, %mul3A_41 : vector<4096x128xf32>
    %get3A_43 = arith.constant 0 : index
    %get3A_44 = arith.constant 0 : index
    %get3A_45 = arith.constant 0 : index
    %get3A_46 = vector.load %arg5[%get3A_43, %get3A_44, %get3A_45] : memref<1x1x128xf32, #tpu.memory_space<vmem>>, vector<1x1x128xf32>
    %get3A_47 = vector.shape_cast %get3A_46 : vector<1x1x128xf32> to vector<1x128xf32>
    %add3A_48 = vector.broadcast %get3A_47 : vector<1x128xf32> to vector<4096x128xf32>
    %add3A_49 = arith.addf %mul3A_42, %add3A_48 : vector<4096x128xf32>
    %mul3A_50 = vector.broadcast %convert_element_type3A_13 : vector<4096x1xf32> to vector<4096x128xf32>
    %mul3A_51 = arith.mulf %add3A_49, %mul3A_50 : vector<4096x128xf32>
    %swap3A = arith.constant 0 : index
    %swap3A_52 = arith.constant 0 : index
    %swap3A_53 = vector.load %arg6[%swap3A, %swap3A_52] : memref<4096x128xf32, #tpu.memory_space<vmem>>, vector<4096x128xf32>
    tpu.vector_store %arg6[%swap3A, %swap3A_52], %mul3A_51 {strides = array<i32>} : memref<4096x128xf32, #tpu.memory_space<vmem>>, vector<4096x128xf32>,
    return
  }
  func.func @transform_0(%arg0: i32) -> (i32, i32) {
    %c0_i32 = arith.constant 0 : i32
    %c0_i32_0 = arith.constant 0 : i32
    return %arg0, %c0_i32 : i32, i32
  }
  func.func @transform_1(%arg0: i32) -> (i32, i32, i32) {
    %add3A = arith.constant 10 : i32
    %add3A_0 = arith.addi %add3A, %arg0 : i32
    %c0_i32 = arith.constant 0 : i32
    %c0_i32_1 = arith.constant 0 : i32
    %c0_i32_2 = arith.constant 0 : i32
    return %add3A_0, %c0_i32, %c0_i32_1 : i32, i32, i32
  }
  func.func @transform_3(%arg0: i32) -> (i32, i32, i32) {
    %c0_i32 = arith.constant 0 : i32
    %c0_i32_0 = arith.constant 0 : i32
    %c0_i32_1 = arith.constant 0 : i32
    %c0_i32_2 = arith.constant 0 : i32
    return %c0_i32, %c0_i32_0, %c0_i32_1 : i32, i32, i32
  }
  func.func @transform_4(%arg0: i32) -> (i32, i32, i32) {
    %c0_i32 = arith.constant 0 : i32
    %c0_i32_0 = arith.constant 0 : i32
    %c0_i32_1 = arith.constant 0 : i32
    %c0_i32_2 = arith.constant 0 : i32
    return %c0_i32, %c0_i32_0, %c0_i32_1 : i32, i32, i32
  }
  func.func @transform_5(%arg0: i32) -> (i32, i32) {
    %add3A = arith.constant 10 : i32
    %add3A_0 = arith.addi %add3A, %arg0 : i32
    %c0_i32 = arith.constant 0 : i32
    %c0_i32_1 = arith.constant 0 : i32
    return %add3A_0, %c0_i32 : i32, i32
  }
}

module attributes {stable_mosaic.version = 14 : i64} {
  func.func @body(%arg0: i32, %arg1: memref<4096x128xf32, #tpu.memory_space<vmem>>, %arg2: memref<1x1x128xf32, #tpu.memory_space<vmem>>, %arg3: memref<1x1x128xf32, #tpu.memory_space<vmem>>, %arg4: memref<1x1x128xf32, #tpu.memory_space<vmem>>, %arg5: memref<4096x128xf32, #tpu.memory_space<vmem>>) attributes {dimension_semantics = [#tpu.dimension_semantics<arbitrary>], iteration_bounds = array<i64: 10>, scalar_prefetch = 0 : i64, scratch_operands = 0 : i64, tpu.core_type = #tpu.core_type<tc>, window_params = [{transform_indices = @transform_0, window_bounds = array<i64: 4096, 128>}, {transform_indices = @transform_1, window_bounds = array<i64: 1, 1, 128>}, {pipeline_mode = #tpu.pipeline_mode<synchronous>, transform_indices = @transform_2, window_bounds = array<i64: 1, 1, 128>}, {pipeline_mode = #tpu.pipeline_mode<synchronous>, transform_indices = @transform_3, window_bounds = array<i64: 1, 1, 128>}, {transform_indices = @transform_4, window_bounds = array<i64: 4096, 128>}]} {
    %get3A = arith.constant 0 : index
    %get3A_0 = arith.constant 0 : index
    %get3A_1 = vector.load %arg1[%get3A, %get3A_0] : memref<4096x128xf32, #tpu.memory_space<vmem>>, vector<4096x128xf32>
    %ne3A = arith.constant 0.000000e+00 : f32
    %ne3A_2 = vector.broadcast %ne3A : f32 to vector<4096x128xf32>
    %ne3A_3 = arith.cmpf one, %get3A_1, %ne3A_2 : vector<4096x128xf32>
    %reduce_or3A = arith.constant 1.000000e+00 : f32
    %reduce_or3A_4 = arith.constant 0.000000e+00 : f32
    %reduce_or3A_5 = vector.broadcast %reduce_or3A : f32 to vector<4096x128xf32>
    %reduce_or3A_6 = vector.broadcast %reduce_or3A_4 : f32 to vector<4096x128xf32>
    %reduce_or3A_7 = arith.select %ne3A_3, %reduce_or3A_5, %reduce_or3A_6 : vector<4096x128xi1>, vector<4096x128xf32>
    %reduce_or3A_8 = arith.constant dense<0xFF800000> : vector<4096xf32>
    %reduce_or3A_9 = vector.multi_reduction <maximumf>, %reduce_or3A_7, %reduce_or3A_8 [1] : vector<4096x128xf32> to vector<4096xf32>
    %reduce_or3A_10 = arith.constant 0.000000e+00 : f32
    %reduce_or3A_11 = vector.broadcast %reduce_or3A_10 : f32 to vector<4096xf32>
    %reduce_or3A_12 = arith.cmpf ogt, %reduce_or3A_9, %reduce_or3A_11 : vector<4096xf32>
    %broadcast_in_dim3A = vector.shape_cast %reduce_or3A_12 : vector<4096xi1> to vector<4096x1xi1>
    %convert_element_type3A = arith.extui %broadcast_in_dim3A : vector<4096x1xi1> to vector<4096x1xi32>
    %convert_element_type3A_13 = arith.sitofp %convert_element_type3A : vector<4096x1xi32> to vector<4096x1xf32>
    %get3A_14 = arith.constant 0 : index
    %get3A_15 = arith.constant 0 : index
    %get3A_16 = arith.constant 0 : index
    %get3A_17 = vector.load %arg2[%get3A_14, %get3A_15, %get3A_16] : memref<1x1x128xf32, #tpu.memory_space<vmem>>, vector<1x1x128xf32>
    %get3A_18 = vector.shape_cast %get3A_17 : vector<1x1x128xf32> to vector<1x128xf32>
    %add3A = vector.broadcast %get3A_18 : vector<1x128xf32> to vector<4096x128xf32>
    %add3A_19 = arith.addf %get3A_1, %add3A : vector<4096x128xf32>
    %reduce_sum3A = arith.constant dense<0.000000e+00> : vector<4096xf32>
    %reduce_sum3A_20 = vector.multi_reduction <add>, %add3A_19, %reduce_sum3A [1] : vector<4096x128xf32> to vector<4096xf32>
    %broadcast_in_dim3A_21 = vector.shape_cast %reduce_sum3A_20 : vector<4096xf32> to vector<4096x1xf32>
    %div3A = arith.constant 1.280000e+02 : f32
    %div3A_22 = vector.broadcast %div3A : f32 to vector<4096x1xf32>
    %div3A_23 = arith.divf %broadcast_in_dim3A_21, %div3A_22 : vector<4096x1xf32>
    %sub3A = vector.broadcast %div3A_23 : vector<4096x1xf32> to vector<4096x128xf32>
    %sub3A_24 = arith.subf %add3A_19, %sub3A : vector<4096x128xf32>
    %mul3A = arith.mulf %sub3A_24, %sub3A_24 : vector<4096x128xf32>
    %reduce_sum3A_25 = arith.constant dense<0.000000e+00> : vector<4096xf32>
    %reduce_sum3A_26 = vector.multi_reduction <add>, %mul3A, %reduce_sum3A_25 [1] : vector<4096x128xf32> to vector<4096xf32>
    %broadcast_in_dim3A_27 = vector.shape_cast %reduce_sum3A_26 : vector<4096xf32> to vector<4096x1xf32>
    %div3A_28 = arith.constant 1.280000e+02 : f32
    %div3A_29 = vector.broadcast %div3A_28 : f32 to vector<4096x1xf32>
    %div3A_30 = arith.divf %broadcast_in_dim3A_27, %div3A_29 : vector<4096x1xf32>
    %add3A_31 = arith.constant 9.99999993E-9 : f32
    %add3A_32 = vector.broadcast %add3A_31 : f32 to vector<4096x1xf32>
    %add3A_33 = arith.addf %div3A_30, %add3A_32 : vector<4096x1xf32>
    %rsqrt3A = math.rsqrt %add3A_33 : vector<4096x1xf32>
    %mul3A_34 = vector.broadcast %rsqrt3A : vector<4096x1xf32> to vector<4096x128xf32>
    %mul3A_35 = arith.mulf %sub3A_24, %mul3A_34 : vector<4096x128xf32>
    %get3A_36 = arith.constant 0 : index
    %get3A_37 = arith.constant 0 : index
    %get3A_38 = arith.constant 0 : index
    %get3A_39 = vector.load %arg3[%get3A_36, %get3A_37, %get3A_38] : memref<1x1x128xf32, #tpu.memory_space<vmem>>, vector<1x1x128xf32>
    %get3A_40 = vector.shape_cast %get3A_39 : vector<1x1x128xf32> to vector<1x128xf32>
    %mul3A_41 = vector.broadcast %get3A_40 : vector<1x128xf32> to vector<4096x128xf32>
    %mul3A_42 = arith.mulf %mul3A_35, %mul3A_41 : vector<4096x128xf32>
    %get3A_43 = arith.constant 0 : index
    %get3A_44 = arith.constant 0 : index
    %get3A_45 = arith.constant 0 : index
    %get3A_46 = vector.load %arg4[%get3A_43, %get3A_44, %get3A_45] : memref<1x1x128xf32, #tpu.memory_space<vmem>>, vector<1x1x128xf32>
    %get3A_47 = vector.shape_cast %get3A_46 : vector<1x1x128xf32> to vector<1x128xf32>
    %add3A_48 = vector.broadcast %get3A_47 : vector<1x128xf32> to vector<4096x128xf32>
    %add3A_49 = arith.addf %mul3A_42, %add3A_48 : vector<4096x128xf32>
    %mul3A_50 = vector.broadcast %convert_element_type3A_13 : vector<4096x1xf32> to vector<4096x128xf32>
    %mul3A_51 = arith.mulf %add3A_49, %mul3A_50 : vector<4096x128xf32>
    %swap3A = arith.constant 0 : index
    %swap3A_52 = arith.constant 0 : index
    %swap3A_53 = vector.load %arg5[%swap3A, %swap3A_52] : memref<4096x128xf32, #tpu.memory_space<vmem>>, vector<4096x128xf32>
    tpu.vector_store %arg5[%swap3A, %swap3A_52], %mul3A_51 {strides = array<i32>} : memref<4096x128xf32, #tpu.memory_space<vmem>>, vector<4096x128xf32>,
    return
  }
  func.func @transform_0(%arg0: i32) -> (i32, i32) {
    %c0_i32 = arith.constant 0 : i32
    %c0_i32_0 = arith.constant 0 : i32
    return %arg0, %c0_i32 : i32, i32
  }
  func.func @transform_1(%arg0: i32) -> (i32, i32, i32) {
    %add3A = arith.constant 0 : i32
    %add3A_0 = arith.addi %add3A, %arg0 : i32
    %c0_i32 = arith.constant 0 : i32
    %c0_i32_1 = arith.constant 0 : i32
    %c0_i32_2 = arith.constant 0 : i32
    return %add3A_0, %c0_i32, %c0_i32_1 : i32, i32, i32
  }
  func.func @transform_2(%arg0: i32) -> (i32, i32, i32) {
    %c0_i32 = arith.constant 0 : i32
    %c0_i32_0 = arith.constant 0 : i32
    %c0_i32_1 = arith.constant 0 : i32
    %c0_i32_2 = arith.constant 0 : i32
    return %c0_i32, %c0_i32_0, %c0_i32_1 : i32, i32, i32
  }
  func.func @transform_3(%arg0: i32) -> (i32, i32, i32) {
    %c0_i32 = arith.constant 0 : i32
    %c0_i32_0 = arith.constant 0 : i32
    %c0_i32_1 = arith.constant 0 : i32
    %c0_i32_2 = arith.constant 0 : i32
    return %c0_i32, %c0_i32_0, %c0_i32_1 : i32, i32, i32
  }
  func.func @transform_4(%arg0: i32) -> (i32, i32) {
    %add3A = arith.constant 0 : i32
    %add3A_0 = arith.addi %add3A, %arg0 : i32
    %c0_i32 = arith.constant 0 : i32
    %c0_i32_1 = arith.constant 0 : i32
    return %add3A_0, %c0_i32 : i32, i32
  }
}

module attributes {stable_mosaic.version = 14 : i64} {
  func.func @body(%arg0: i32, %arg1: memref<4096x128xf32, #tpu.memory_space<vmem>>, %arg2: memref<1x1x128xf32, #tpu.memory_space<vmem>>, %arg3: memref<204800x128xf32, #tpu.memory_space<any>>, %arg4: memref<1x1x128xf32, #tpu.memory_space<vmem>>, %arg5: memref<1x1x128xf32, #tpu.memory_space<vmem>>, %arg6: memref<4096x128xf32, #tpu.memory_space<vmem>>) attributes {dimension_semantics = [#tpu.dimension_semantics<arbitrary>], iteration_bounds = array<i64: 10>, scalar_prefetch = 0 : i64, scratch_operands = 0 : i64, tpu.core_type = #tpu.core_type<tc>, window_params = [{transform_indices = @transform_0, window_bounds = array<i64: 4096, 128>}, {transform_indices = @transform_1, window_bounds = array<i64: 1, 1, 128>}, {}, {pipeline_mode = #tpu.pipeline_mode<synchronous>, transform_indices = @transform_3, window_bounds = array<i64: 1, 1, 128>}, {pipeline_mode = #tpu.pipeline_mode<synchronous>, transform_indices = @transform_4, window_bounds = array<i64: 1, 1, 128>}, {transform_indices = @transform_5, window_bounds = array<i64: 4096, 128>}]} {
    %get3A = arith.constant 0 : index
    %get3A_0 = arith.constant 0 : index
    %get3A_1 = vector.load %arg1[%get3A, %get3A_0] : memref<4096x128xf32, #tpu.memory_space<vmem>>, vector<4096x128xf32>
    %ne3A = arith.constant 0.000000e+00 : f32
    %ne3A_2 = vector.broadcast %ne3A : f32 to vector<4096x128xf32>
    %ne3A_3 = arith.cmpf one, %get3A_1, %ne3A_2 : vector<4096x128xf32>
    %reduce_or3A = arith.constant 1.000000e+00 : f32
    %reduce_or3A_4 = arith.constant 0.000000e+00 : f32
    %reduce_or3A_5 = vector.broadcast %reduce_or3A : f32 to vector<4096x128xf32>
    %reduce_or3A_6 = vector.broadcast %reduce_or3A_4 : f32 to vector<4096x128xf32>
    %reduce_or3A_7 = arith.select %ne3A_3, %reduce_or3A_5, %reduce_or3A_6 : vector<4096x128xi1>, vector<4096x128xf32>
    %reduce_or3A_8 = arith.constant dense<0xFF800000> : vector<4096xf32>
    %reduce_or3A_9 = vector.multi_reduction <maximumf>, %reduce_or3A_7, %reduce_or3A_8 [1] : vector<4096x128xf32> to vector<4096xf32>
    %reduce_or3A_10 = arith.constant 0.000000e+00 : f32
    %reduce_or3A_11 = vector.broadcast %reduce_or3A_10 : f32 to vector<4096xf32>
    %reduce_or3A_12 = arith.cmpf ogt, %reduce_or3A_9, %reduce_or3A_11 : vector<4096xf32>
    %broadcast_in_dim3A = vector.shape_cast %reduce_or3A_12 : vector<4096xi1> to vector<4096x1xi1>
    %convert_element_type3A = arith.extui %broadcast_in_dim3A : vector<4096x1xi1> to vector<4096x1xi32>
    %convert_element_type3A_13 = arith.sitofp %convert_element_type3A : vector<4096x1xi32> to vector<4096x1xf32>
    %get3A_14 = arith.constant 0 : index
    %get3A_15 = arith.constant 0 : index
    %get3A_16 = arith.constant 0 : index
    %get3A_17 = vector.load %arg2[%get3A_14, %get3A_15, %get3A_16] : memref<1x1x128xf32, #tpu.memory_space<vmem>>, vector<1x1x128xf32>
    %get3A_18 = vector.shape_cast %get3A_17 : vector<1x1x128xf32> to vector<1x128xf32>
    %add3A = vector.broadcast %get3A_18 : vector<1x128xf32> to vector<4096x128xf32>
    %add3A_19 = arith.addf %get3A_1, %add3A : vector<4096x128xf32>
    %reduce_sum3A = arith.constant dense<0.000000e+00> : vector<4096xf32>
    %reduce_sum3A_20 = vector.multi_reduction <add>, %add3A_19, %reduce_sum3A [1] : vector<4096x128xf32> to vector<4096xf32>
    %broadcast_in_dim3A_21 = vector.shape_cast %reduce_sum3A_20 : vector<4096xf32> to vector<4096x1xf32>
    %div3A = arith.constant 1.280000e+02 : f32
    %div3A_22 = vector.broadcast %div3A : f32 to vector<4096x1xf32>
    %div3A_23 = arith.divf %broadcast_in_dim3A_21, %div3A_22 : vector<4096x1xf32>
    %sub3A = vector.broadcast %div3A_23 : vector<4096x1xf32> to vector<4096x128xf32>
    %sub3A_24 = arith.subf %add3A_19, %sub3A : vector<4096x128xf32>
    %mul3A = arith.mulf %sub3A_24, %sub3A_24 : vector<4096x128xf32>
    %reduce_sum3A_25 = arith.constant dense<0.000000e+00> : vector<4096xf32>
    %reduce_sum3A_26 = vector.multi_reduction <add>, %mul3A, %reduce_sum3A_25 [1] : vector<4096x128xf32> to vector<4096xf32>
    %broadcast_in_dim3A_27 = vector.shape_cast %reduce_sum3A_26 : vector<4096xf32> to vector<4096x1xf32>
    %div3A_28 = arith.constant 1.280000e+02 : f32
    %div3A_29 = vector.broadcast %div3A_28 : f32 to vector<4096x1xf32>
    %div3A_30 = arith.divf %broadcast_in_dim3A_27, %div3A_29 : vector<4096x1xf32>
    %add3A_31 = arith.constant 9.99999993E-9 : f32
    %add3A_32 = vector.broadcast %add3A_31 : f32 to vector<4096x1xf32>
    %add3A_33 = arith.addf %div3A_30, %add3A_32 : vector<4096x1xf32>
    %rsqrt3A = math.rsqrt %add3A_33 : vector<4096x1xf32>
    %mul3A_34 = vector.broadcast %rsqrt3A : vector<4096x1xf32> to vector<4096x128xf32>
    %mul3A_35 = arith.mulf %sub3A_24, %mul3A_34 : vector<4096x128xf32>
    %get3A_36 = arith.constant 0 : index
    %get3A_37 = arith.constant 0 : index
    %get3A_38 = arith.constant 0 : index
    %get3A_39 = vector.load %arg4[%get3A_36, %get3A_37, %get3A_38] : memref<1x1x128xf32, #tpu.memory_space<vmem>>, vector<1x1x128xf32>
    %get3A_40 = vector.shape_cast %get3A_39 : vector<1x1x128xf32> to vector<1x128xf32>
    %mul3A_41 = vector.broadcast %get3A_40 : vector<1x128xf32> to vector<4096x128xf32>
    %mul3A_42 = arith.mulf %mul3A_35, %mul3A_41 : vector<4096x128xf32>
    %get3A_43 = arith.constant 0 : index
    %get3A_44 = arith.constant 0 : index
    %get3A_45 = arith.constant 0 : index
    %get3A_46 = vector.load %arg5[%get3A_43, %get3A_44, %get3A_45] : memref<1x1x128xf32, #tpu.memory_space<vmem>>, vector<1x1x128xf32>
    %get3A_47 = vector.shape_cast %get3A_46 : vector<1x1x128xf32> to vector<1x128xf32>
    %add3A_48 = vector.broadcast %get3A_47 : vector<1x128xf32> to vector<4096x128xf32>
    %add3A_49 = arith.addf %mul3A_42, %add3A_48 : vector<4096x128xf32>
    %mul3A_50 = vector.broadcast %convert_element_type3A_13 : vector<4096x1xf32> to vector<4096x128xf32>
    %mul3A_51 = arith.mulf %add3A_49, %mul3A_50 : vector<4096x128xf32>
    %swap3A = arith.constant 0 : index
    %swap3A_52 = arith.constant 0 : index
    %swap3A_53 = vector.load %arg6[%swap3A, %swap3A_52] : memref<4096x128xf32, #tpu.memory_space<vmem>>, vector<4096x128xf32>
    tpu.vector_store %arg6[%swap3A, %swap3A_52], %mul3A_51 {strides = array<i32>} : memref<4096x128xf32, #tpu.memory_space<vmem>>, vector<4096x128xf32>,
    return
  }
  func.func @transform_0(%arg0: i32) -> (i32, i32) {
    %c0_i32 = arith.constant 0 : i32
    %c0_i32_0 = arith.constant 0 : i32
    return %arg0, %c0_i32 : i32, i32
  }
  func.func @transform_1(%arg0: i32) -> (i32, i32, i32) {
    %add3A = arith.constant 20 : i32
    %add3A_0 = arith.addi %add3A, %arg0 : i32
    %c0_i32 = arith.constant 0 : i32
    %c0_i32_1 = arith.constant 0 : i32
    %c0_i32_2 = arith.constant 0 : i32
    return %add3A_0, %c0_i32, %c0_i32_1 : i32, i32, i32
  }
  func.func @transform_3(%arg0: i32) -> (i32, i32, i32) {
    %c0_i32 = arith.constant 0 : i32
    %c0_i32_0 = arith.constant 0 : i32
    %c0_i32_1 = arith.constant 0 : i32
    %c0_i32_2 = arith.constant 0 : i32
    return %c0_i32, %c0_i32_0, %c0_i32_1 : i32, i32, i32
  }
  func.func @transform_4(%arg0: i32) -> (i32, i32, i32) {
    %c0_i32 = arith.constant 0 : i32
    %c0_i32_0 = arith.constant 0 : i32
    %c0_i32_1 = arith.constant 0 : i32
    %c0_i32_2 = arith.constant 0 : i32
    return %c0_i32, %c0_i32_0, %c0_i32_1 : i32, i32, i32
  }
  func.func @transform_5(%arg0: i32) -> (i32, i32) {
    %add3A = arith.constant 20 : i32
    %add3A_0 = arith.addi %add3A, %arg0 : i32
    %c0_i32 = arith.constant 0 : i32
    %c0_i32_1 = arith.constant 0 : i32
    return %add3A_0, %c0_i32 : i32, i32
  }
}

module attributes {stable_mosaic.version = 14 : i64} {
  func.func @body(%arg0: i32, %arg1: memref<4096x128xf32, #tpu.memory_space<vmem>>, %arg2: memref<1x1x128xf32, #tpu.memory_space<vmem>>, %arg3: memref<204800x128xf32, #tpu.memory_space<any>>, %arg4: memref<1x1x128xf32, #tpu.memory_space<vmem>>, %arg5: memref<1x1x128xf32, #tpu.memory_space<vmem>>, %arg6: memref<4096x128xf32, #tpu.memory_space<vmem>>) attributes {dimension_semantics = [#tpu.dimension_semantics<arbitrary>], iteration_bounds = array<i64: 10>, scalar_prefetch = 0 : i64, scratch_operands = 0 : i64, tpu.core_type = #tpu.core_type<tc>, window_params = [{transform_indices = @transform_0, window_bounds = array<i64: 4096, 128>}, {transform_indices = @transform_1, window_bounds = array<i64: 1, 1, 128>}, {}, {pipeline_mode = #tpu.pipeline_mode<synchronous>, transform_indices = @transform_3, window_bounds = array<i64: 1, 1, 128>}, {pipeline_mode = #tpu.pipeline_mode<synchronous>, transform_indices = @transform_4, window_bounds = array<i64: 1, 1, 128>}, {transform_indices = @transform_5, window_bounds = array<i64: 4096, 128>}]} {
    %get3A = arith.constant 0 : index
    %get3A_0 = arith.constant 0 : index
    %get3A_1 = vector.load %arg1[%get3A, %get3A_0] : memref<4096x128xf32, #tpu.memory_space<vmem>>, vector<4096x128xf32>
    %ne3A = arith.constant 0.000000e+00 : f32
    %ne3A_2 = vector.broadcast %ne3A : f32 to vector<4096x128xf32>
    %ne3A_3 = arith.cmpf one, %get3A_1, %ne3A_2 : vector<4096x128xf32>
    %reduce_or3A = arith.constant 1.000000e+00 : f32
    %reduce_or3A_4 = arith.constant 0.000000e+00 : f32
    %reduce_or3A_5 = vector.broadcast %reduce_or3A : f32 to vector<4096x128xf32>
    %reduce_or3A_6 = vector.broadcast %reduce_or3A_4 : f32 to vector<4096x128xf32>
    %reduce_or3A_7 = arith.select %ne3A_3, %reduce_or3A_5, %reduce_or3A_6 : vector<4096x128xi1>, vector<4096x128xf32>
    %reduce_or3A_8 = arith.constant dense<0xFF800000> : vector<4096xf32>
    %reduce_or3A_9 = vector.multi_reduction <maximumf>, %reduce_or3A_7, %reduce_or3A_8 [1] : vector<4096x128xf32> to vector<4096xf32>
    %reduce_or3A_10 = arith.constant 0.000000e+00 : f32
    %reduce_or3A_11 = vector.broadcast %reduce_or3A_10 : f32 to vector<4096xf32>
    %reduce_or3A_12 = arith.cmpf ogt, %reduce_or3A_9, %reduce_or3A_11 : vector<4096xf32>
    %broadcast_in_dim3A = vector.shape_cast %reduce_or3A_12 : vector<4096xi1> to vector<4096x1xi1>
    %convert_element_type3A = arith.extui %broadcast_in_dim3A : vector<4096x1xi1> to vector<4096x1xi32>
    %convert_element_type3A_13 = arith.sitofp %convert_element_type3A : vector<4096x1xi32> to vector<4096x1xf32>
    %get3A_14 = arith.constant 0 : index
    %get3A_15 = arith.constant 0 : index
    %get3A_16 = arith.constant 0 : index
    %get3A_17 = vector.load %arg2[%get3A_14, %get3A_15, %get3A_16] : memref<1x1x128xf32, #tpu.memory_space<vmem>>, vector<1x1x128xf32>
    %get3A_18 = vector.shape_cast %get3A_17 : vector<1x1x128xf32> to vector<1x128xf32>
    %add3A = vector.broadcast %get3A_18 : vector<1x128xf32> to vector<4096x128xf32>
    %add3A_19 = arith.addf %get3A_1, %add3A : vector<4096x128xf32>
    %reduce_sum3A = arith.constant dense<0.000000e+00> : vector<4096xf32>
    %reduce_sum3A_20 = vector.multi_reduction <add>, %add3A_19, %reduce_sum3A [1] : vector<4096x128xf32> to vector<4096xf32>
    %broadcast_in_dim3A_21 = vector.shape_cast %reduce_sum3A_20 : vector<4096xf32> to vector<4096x1xf32>
    %div3A = arith.constant 1.280000e+02 : f32
    %div3A_22 = vector.broadcast %div3A : f32 to vector<4096x1xf32>
    %div3A_23 = arith.divf %broadcast_in_dim3A_21, %div3A_22 : vector<4096x1xf32>
    %sub3A = vector.broadcast %div3A_23 : vector<4096x1xf32> to vector<4096x128xf32>
    %sub3A_24 = arith.subf %add3A_19, %sub3A : vector<4096x128xf32>
    %mul3A = arith.mulf %sub3A_24, %sub3A_24 : vector<4096x128xf32>
    %reduce_sum3A_25 = arith.constant dense<0.000000e+00> : vector<4096xf32>
    %reduce_sum3A_26 = vector.multi_reduction <add>, %mul3A, %reduce_sum3A_25 [1] : vector<4096x128xf32> to vector<4096xf32>
    %broadcast_in_dim3A_27 = vector.shape_cast %reduce_sum3A_26 : vector<4096xf32> to vector<4096x1xf32>
    %div3A_28 = arith.constant 1.280000e+02 : f32
    %div3A_29 = vector.broadcast %div3A_28 : f32 to vector<4096x1xf32>
    %div3A_30 = arith.divf %broadcast_in_dim3A_27, %div3A_29 : vector<4096x1xf32>
    %add3A_31 = arith.constant 9.99999993E-9 : f32
    %add3A_32 = vector.broadcast %add3A_31 : f32 to vector<4096x1xf32>
    %add3A_33 = arith.addf %div3A_30, %add3A_32 : vector<4096x1xf32>
    %rsqrt3A = math.rsqrt %add3A_33 : vector<4096x1xf32>
    %mul3A_34 = vector.broadcast %rsqrt3A : vector<4096x1xf32> to vector<4096x128xf32>
    %mul3A_35 = arith.mulf %sub3A_24, %mul3A_34 : vector<4096x128xf32>
    %get3A_36 = arith.constant 0 : index
    %get3A_37 = arith.constant 0 : index
    %get3A_38 = arith.constant 0 : index
    %get3A_39 = vector.load %arg4[%get3A_36, %get3A_37, %get3A_38] : memref<1x1x128xf32, #tpu.memory_space<vmem>>, vector<1x1x128xf32>
    %get3A_40 = vector.shape_cast %get3A_39 : vector<1x1x128xf32> to vector<1x128xf32>
    %mul3A_41 = vector.broadcast %get3A_40 : vector<1x128xf32> to vector<4096x128xf32>
    %mul3A_42 = arith.mulf %mul3A_35, %mul3A_41 : vector<4096x128xf32>
    %get3A_43 = arith.constant 0 : index
    %get3A_44 = arith.constant 0 : index
    %get3A_45 = arith.constant 0 : index
    %get3A_46 = vector.load %arg5[%get3A_43, %get3A_44, %get3A_45] : memref<1x1x128xf32, #tpu.memory_space<vmem>>, vector<1x1x128xf32>
    %get3A_47 = vector.shape_cast %get3A_46 : vector<1x1x128xf32> to vector<1x128xf32>
    %add3A_48 = vector.broadcast %get3A_47 : vector<1x128xf32> to vector<4096x128xf32>
    %add3A_49 = arith.addf %mul3A_42, %add3A_48 : vector<4096x128xf32>
    %mul3A_50 = vector.broadcast %convert_element_type3A_13 : vector<4096x1xf32> to vector<4096x128xf32>
    %mul3A_51 = arith.mulf %add3A_49, %mul3A_50 : vector<4096x128xf32>
    %swap3A = arith.constant 0 : index
    %swap3A_52 = arith.constant 0 : index
    %swap3A_53 = vector.load %arg6[%swap3A, %swap3A_52] : memref<4096x128xf32, #tpu.memory_space<vmem>>, vector<4096x128xf32>
    tpu.vector_store %arg6[%swap3A, %swap3A_52], %mul3A_51 {strides = array<i32>} : memref<4096x128xf32, #tpu.memory_space<vmem>>, vector<4096x128xf32>,
    return
  }
  func.func @transform_0(%arg0: i32) -> (i32, i32) {
    %c0_i32 = arith.constant 0 : i32
    %c0_i32_0 = arith.constant 0 : i32
    return %arg0, %c0_i32 : i32, i32
  }
  func.func @transform_1(%arg0: i32) -> (i32, i32, i32) {
    %add3A = arith.constant 30 : i32
    %add3A_0 = arith.addi %add3A, %arg0 : i32
    %c0_i32 = arith.constant 0 : i32
    %c0_i32_1 = arith.constant 0 : i32
    %c0_i32_2 = arith.constant 0 : i32
    return %add3A_0, %c0_i32, %c0_i32_1 : i32, i32, i32
  }
  func.func @transform_3(%arg0: i32) -> (i32, i32, i32) {
    %c0_i32 = arith.constant 0 : i32
    %c0_i32_0 = arith.constant 0 : i32
    %c0_i32_1 = arith.constant 0 : i32
    %c0_i32_2 = arith.constant 0 : i32
    return %c0_i32, %c0_i32_0, %c0_i32_1 : i32, i32, i32
  }
  func.func @transform_4(%arg0: i32) -> (i32, i32, i32) {
    %c0_i32 = arith.constant 0 : i32
    %c0_i32_0 = arith.constant 0 : i32
    %c0_i32_1 = arith.constant 0 : i32
    %c0_i32_2 = arith.constant 0 : i32
    return %c0_i32, %c0_i32_0, %c0_i32_1 : i32, i32, i32
  }
  func.func @transform_5(%arg0: i32) -> (i32, i32) {
    %add3A = arith.constant 30 : i32
    %add3A_0 = arith.addi %add3A, %arg0 : i32
    %c0_i32 = arith.constant 0 : i32
    %c0_i32_1 = arith.constant 0 : i32
    return %add3A_0, %c0_i32 : i32, i32
  }
}

module attributes {stable_mosaic.version = 14 : i64} {
  func.func @body(%arg0: i32, %arg1: memref<4096x128xf32, #tpu.memory_space<vmem>>, %arg2: memref<1x1x128xf32, #tpu.memory_space<vmem>>, %arg3: memref<204800x128xf32, #tpu.memory_space<any>>, %arg4: memref<1x1x128xf32, #tpu.memory_space<vmem>>, %arg5: memref<1x1x128xf32, #tpu.memory_space<vmem>>, %arg6: memref<4096x128xf32, #tpu.memory_space<vmem>>) attributes {dimension_semantics = [#tpu.dimension_semantics<arbitrary>], iteration_bounds = array<i64: 10>, scalar_prefetch = 0 : i64, scratch_operands = 0 : i64, tpu.core_type = #tpu.core_type<tc>, window_params = [{transform_indices = @transform_0, window_bounds = array<i64: 4096, 128>}, {transform_indices = @transform_1, window_bounds = array<i64: 1, 1, 128>}, {}, {pipeline_mode = #tpu.pipeline_mode<synchronous>, transform_indices = @transform_3, window_bounds = array<i64: 1, 1, 128>}, {pipeline_mode = #tpu.pipeline_mode<synchronous>, transform_indices = @transform_4, window_bounds = array<i64: 1, 1, 128>}, {transform_indices = @transform_5, window_bounds = array<i64: 4096, 128>}]} {
    %get3A = arith.constant 0 : index
    %get3A_0 = arith.constant 0 : index
    %get3A_1 = vector.load %arg1[%get3A, %get3A_0] : memref<4096x128xf32, #tpu.memory_space<vmem>>, vector<4096x128xf32>
    %ne3A = arith.constant 0.000000e+00 : f32
    %ne3A_2 = vector.broadcast %ne3A : f32 to vector<4096x128xf32>
    %ne3A_3 = arith.cmpf one, %get3A_1, %ne3A_2 : vector<4096x128xf32>
    %reduce_or3A = arith.constant 1.000000e+00 : f32
    %reduce_or3A_4 = arith.constant 0.000000e+00 : f32
    %reduce_or3A_5 = vector.broadcast %reduce_or3A : f32 to vector<4096x128xf32>
    %reduce_or3A_6 = vector.broadcast %reduce_or3A_4 : f32 to vector<4096x128xf32>
    %reduce_or3A_7 = arith.select %ne3A_3, %reduce_or3A_5, %reduce_or3A_6 : vector<4096x128xi1>, vector<4096x128xf32>
    %reduce_or3A_8 = arith.constant dense<0xFF800000> : vector<4096xf32>
    %reduce_or3A_9 = vector.multi_reduction <maximumf>, %reduce_or3A_7, %reduce_or3A_8 [1] : vector<4096x128xf32> to vector<4096xf32>
    %reduce_or3A_10 = arith.constant 0.000000e+00 : f32
    %reduce_or3A_11 = vector.broadcast %reduce_or3A_10 : f32 to vector<4096xf32>
    %reduce_or3A_12 = arith.cmpf ogt, %reduce_or3A_9, %reduce_or3A_11 : vector<4096xf32>
    %broadcast_in_dim3A = vector.shape_cast %reduce_or3A_12 : vector<4096xi1> to vector<4096x1xi1>
    %convert_element_type3A = arith.extui %broadcast_in_dim3A : vector<4096x1xi1> to vector<4096x1xi32>
    %convert_element_type3A_13 = arith.sitofp %convert_element_type3A : vector<4096x1xi32> to vector<4096x1xf32>
    %get3A_14 = arith.constant 0 : index
    %get3A_15 = arith.constant 0 : index
    %get3A_16 = arith.constant 0 : index
    %get3A_17 = vector.load %arg2[%get3A_14, %get3A_15, %get3A_16] : memref<1x1x128xf32, #tpu.memory_space<vmem>>, vector<1x1x128xf32>
    %get3A_18 = vector.shape_cast %get3A_17 : vector<1x1x128xf32> to vector<1x128xf32>
    %add3A = vector.broadcast %get3A_18 : vector<1x128xf32> to vector<4096x128xf32>
    %add3A_19 = arith.addf %get3A_1, %add3A : vector<4096x128xf32>
    %reduce_sum3A = arith.constant dense<0.000000e+00> : vector<4096xf32>
    %reduce_sum3A_20 = vector.multi_reduction <add>, %add3A_19, %reduce_sum3A [1] : vector<4096x128xf32> to vector<4096xf32>
    %broadcast_in_dim3A_21 = vector.shape_cast %reduce_sum3A_20 : vector<4096xf32> to vector<4096x1xf32>
    %div3A = arith.constant 1.280000e+02 : f32
    %div3A_22 = vector.broadcast %div3A : f32 to vector<4096x1xf32>
    %div3A_23 = arith.divf %broadcast_in_dim3A_21, %div3A_22 : vector<4096x1xf32>
    %sub3A = vector.broadcast %div3A_23 : vector<4096x1xf32> to vector<4096x128xf32>
    %sub3A_24 = arith.subf %add3A_19, %sub3A : vector<4096x128xf32>
    %mul3A = arith.mulf %sub3A_24, %sub3A_24 : vector<4096x128xf32>
    %reduce_sum3A_25 = arith.constant dense<0.000000e+00> : vector<4096xf32>
    %reduce_sum3A_26 = vector.multi_reduction <add>, %mul3A, %reduce_sum3A_25 [1] : vector<4096x128xf32> to vector<4096xf32>
    %broadcast_in_dim3A_27 = vector.shape_cast %reduce_sum3A_26 : vector<4096xf32> to vector<4096x1xf32>
    %div3A_28 = arith.constant 1.280000e+02 : f32
    %div3A_29 = vector.broadcast %div3A_28 : f32 to vector<4096x1xf32>
    %div3A_30 = arith.divf %broadcast_in_dim3A_27, %div3A_29 : vector<4096x1xf32>
    %add3A_31 = arith.constant 9.99999993E-9 : f32
    %add3A_32 = vector.broadcast %add3A_31 : f32 to vector<4096x1xf32>
    %add3A_33 = arith.addf %div3A_30, %add3A_32 : vector<4096x1xf32>
    %rsqrt3A = math.rsqrt %add3A_33 : vector<4096x1xf32>
    %mul3A_34 = vector.broadcast %rsqrt3A : vector<4096x1xf32> to vector<4096x128xf32>
    %mul3A_35 = arith.mulf %sub3A_24, %mul3A_34 : vector<4096x128xf32>
    %get3A_36 = arith.constant 0 : index
    %get3A_37 = arith.constant 0 : index
    %get3A_38 = arith.constant 0 : index
    %get3A_39 = vector.load %arg4[%get3A_36, %get3A_37, %get3A_38] : memref<1x1x128xf32, #tpu.memory_space<vmem>>, vector<1x1x128xf32>
    %get3A_40 = vector.shape_cast %get3A_39 : vector<1x1x128xf32> to vector<1x128xf32>
    %mul3A_41 = vector.broadcast %get3A_40 : vector<1x128xf32> to vector<4096x128xf32>
    %mul3A_42 = arith.mulf %mul3A_35, %mul3A_41 : vector<4096x128xf32>
    %get3A_43 = arith.constant 0 : index
    %get3A_44 = arith.constant 0 : index
    %get3A_45 = arith.constant 0 : index
    %get3A_46 = vector.load %arg5[%get3A_43, %get3A_44, %get3A_45] : memref<1x1x128xf32, #tpu.memory_space<vmem>>, vector<1x1x128xf32>
    %get3A_47 = vector.shape_cast %get3A_46 : vector<1x1x128xf32> to vector<1x128xf32>
    %add3A_48 = vector.broadcast %get3A_47 : vector<1x128xf32> to vector<4096x128xf32>
    %add3A_49 = arith.addf %mul3A_42, %add3A_48 : vector<4096x128xf32>
    %mul3A_50 = vector.broadcast %convert_element_type3A_13 : vector<4096x1xf32> to vector<4096x128xf32>
    %mul3A_51 = arith.mulf %add3A_49, %mul3A_50 : vector<4096x128xf32>
    %swap3A = arith.constant 0 : index
    %swap3A_52 = arith.constant 0 : index
    %swap3A_53 = vector.load %arg6[%swap3A, %swap3A_52] : memref<4096x128xf32, #tpu.memory_space<vmem>>, vector<4096x128xf32>
    tpu.vector_store %arg6[%swap3A, %swap3A_52], %mul3A_51 {strides = array<i32>} : memref<4096x128xf32, #tpu.memory_space<vmem>>, vector<4096x128xf32>,
    return
  }
  func.func @transform_0(%arg0: i32) -> (i32, i32) {
    %c0_i32 = arith.constant 0 : i32
    %c0_i32_0 = arith.constant 0 : i32
    return %arg0, %c0_i32 : i32, i32
  }
  func.func @transform_1(%arg0: i32) -> (i32, i32, i32) {
    %add3A = arith.constant 40 : i32
    %add3A_0 = arith.addi %add3A, %arg0 : i32
    %c0_i32 = arith.constant 0 : i32
    %c0_i32_1 = arith.constant 0 : i32
    %c0_i32_2 = arith.constant 0 : i32
    return %add3A_0, %c0_i32, %c0_i32_1 : i32, i32, i32
  }
  func.func @transform_3(%arg0: i32) -> (i32, i32, i32) {
    %c0_i32 = arith.constant 0 : i32
    %c0_i32_0 = arith.constant 0 : i32
    %c0_i32_1 = arith.constant 0 : i32
    %c0_i32_2 = arith.constant 0 : i32
    return %c0_i32, %c0_i32_0, %c0_i32_1 : i32, i32, i32
  }
  func.func @transform_4(%arg0: i32) -> (i32, i32, i32) {
    %c0_i32 = arith.constant 0 : i32
    %c0_i32_0 = arith.constant 0 : i32
    %c0_i32_1 = arith.constant 0 : i32
    %c0_i32_2 = arith.constant 0 : i32
    return %c0_i32, %c0_i32_0, %c0_i32_1 : i32, i32, i32
  }
  func.func @transform_5(%arg0: i32) -> (i32, i32) {
    %add3A = arith.constant 40 : i32
    %add3A_0 = arith.addi %add3A, %arg0 : i32
    %c0_i32 = arith.constant 0 : i32
    %c0_i32_1 = arith.constant 0 : i32
    return %add3A_0, %c0_i32 : i32, i32
  }
}

</mosaic_0001>

<sc_bundles>
// kernel: kernel.12.cloned.1.call-start
scs
__scs_entry_jumppad:
0x0: {  	(pc) =	sbr.rel $0x88, $3  }
0x1: {  	(tag) =	ssettag $0x0;
	lr =	simm.s32 $0x1  }
0x2: {  	[smem:$0x3F9C] =	sst lr;
	_ =	strace $0xD0000000  }
0x3: {  	_ = 	snop  }
0x4: {  	_ = 	snop  }
0x5: {  	_ = 	snop  }
0x6: {  	_ = 	snop  }
0x7: {  	_ = 	snop  }
__scs_overlays_trampoline_lowered:
0x8: {  	[smem:$0x3FAB] =	sst s0  }
0x9: {  	[smem:$0x3FAC] =	sst s1  }
0xa: {  	[smem:$0x3FAD] =	sst s2  }
0xb: {  	[smem:$0x3FAE] =	sst s3  }
0xc: {  	[smem:$0x3FAF] =	sst s4  }
0xd: {  	[smem:$0x3FB0] =	sst s5  }
0xe: {  	[smem:$0x3FB1] =	sst s6  }
0xf: {  	[smem:$0x3FB2] =	sst s7  }
0x10: {  	[smem:$0x3FB3] =	sst s8  }
0x11: {  	[smem:$0x3FB4] =	sst s9;
	s0 =	simm.s32 @!p0 $0x0  }
0x12: {  	s1 =	sld [smem:$0x3F9A];
	s0 =	simm.s32 @p0 $0x1  }
0x13: {  	[smem:$0x3FB5] =	sst s0;
	s0 =	simm.s32 @!p1 $0x0  }
0x14: {  	s2 =	sld [smem:$0x3F99];
	s0 =	simm.s32 @p1 $0x1  }
0x15: {  	[smem:$0x3FB6] =	sst s0;
	s0 =	simm.s32 @!p2 $0x0  }
0x16: {  	s3 =	sld [smem:$0x3FDB];
	s0 =	simm.s32 @p2 $0x1  }
0x17: {  	s4 =	simm.s32 $0x1BF5;
	[smem:$0x3FB8] =	sst s0  }
0x18: {  	s0 =	sld [smem:$0x3F9B];
	_ =	swait.ge [sflag:s4], $0x0  }
0x19: {  	s7 =	sld [smem:$0x3F9C]  }
0x1a: {  	s8 =	sadd.s32 $0xFFFFE003, lr  }
0x1b: {  	s9 =	sadd.s32 $0xFFFFFEF7, lr;
	s5 =	simm.s32 $0xFFFFFFFF;
	p2 =	slt.u32 s8, $0xFFFFF086  }
0x1c: {  	p1 =	slt.u32 s9, $0xF7A;
	s5 =	simm.s32 @!p2 $0x0  }
0x1d: {  	s5 =	simm.s32 @p1 $0x1;
	p0 =	seq.s32 s7, s2  }
0x1e: {  	s7 =	smul.u32 @!p0 $0xF7A, s2;
	p2 =	seq.s32 @!p0 s5, $0x0  }
0x1f: {  	s9 =	smul.u32 $0xF7A, s1;
	s8 =	simm.s32 @!p0 $0x1BF5;
	p2 =	por !p2, p0  }
0x20: {  	[sflag:s8] =	ssyncset.s32 @!p0 $0xFFFFF086;
	s6 =	sadd.s32 @!p0 s3, s7;
	s7 =	simm.s32 @!p0 $0x108  }
0x21: {  	s3 =	sadd.s32 s3, s9;
	s6 =	sadd.s32 @!p0 $0x88, s6;
	s7 =	simm.s32 @p2 $0x1082  }
0x22: {  	[simem:s7], [sflag:s8] =	dma.local @!p0 [hbm:s6], $0xF7A  }
0x23: {  	s9 =	sor.u32 $0xD0000000, s2;
	s6 =	simm.s32 $0x108;
	_ =	swait.ge @!p0 [sflag:s8], $0x0  }
0x24: {  	s3 =	sadd.s32 $0x88, s3;
	s6 =	simm.s32 @!p1 $0x1082;
	[sflag:s4] =	ssyncset.s32 $0xFFFFF086  }
0x25: {  	[simem:s6], [sflag:s4] =	dma.local [hbm:s3], $0xF7A  }
0x26: {  	[smem:$0x3F9C] =	sst s1;
	(tag) =	ssettag s2;
	_ =	strace s9  }
0x27: {  	s1 =	sld [smem:$0x3FAC]  }
0x28: {  	s2 =	sld [smem:$0x3FAD]  }
0x29: {  	s4 =	sld [smem:$0x3FAF]  }
0x2a: {  	p0 =	seq.s32 s5, $0x0;
	s5 =	sld [smem:$0x3FB0]  }
0x2b: {  	s6 =	sld [smem:$0x3FB1]  }
0x2c: {  	s7 =	sld [smem:$0x3FB2]  }
0x2d: {  	s3 =	simm.s32 $0x108;
	s8 =	sld [smem:$0x3FB3]  }
0x2e: {  	s3 =	simm.s32 @!p0 $0x1082;
	s9 =	sld [smem:$0x3FB4]  }
0x2f: {  	lr =	sadd.s32 s0, s3;
	s0 =	sld [smem:$0x3FAB]  }
0x30: {  	s3 =	sld [smem:$0x3FAE]  }
0x31: {  	[smem:$0x3FB7] =	sst s10  }
0x32: {  	s10 =	sld [smem:$0x3FB5];
	_ =	sdelay $0x3  }
0x33: {  	p0 =	seq.s32 s10, $0x1;
	s10 =	sld [smem:$0x3FB7];
	_ =	sdelay $0x3  }
0x34: {  	[smem:$0x3FB7] =	sst s10  }
0x35: {  	s10 =	sld [smem:$0x3FB6];
	_ =	sdelay $0x3  }
0x36: {  	p1 =	seq.s32 s10, $0x1;
	s10 =	sld [smem:$0x3FB7];
	_ =	sdelay $0x3  }
0x37: {  	[smem:$0x3FB7] =	sst s10  }
0x38: {  	s10 =	sld [smem:$0x3FB8]  }
0x39: {  	_ = 	snop;
	(pc) =	sbr.ind lr, $3  }
0x3a: {  	_ = 	snop  }
0x3b: {  	_ = 	snop  }
0x3c: {  	p2 =	seq.s32 s10, $0x1;
	s10 =	sld [smem:$0x3FB7]  }
0x3d: {  	_ =	shalt  }
0x3e: {  	_ =	shalt  }
0x3f: {  	_ =	shalt  }
0x40: {  	_ =	shalt  }
0x41: {  	_ =	shalt  }
0x42: {  	_ =	shalt  }
0x43: {  	_ =	shalt  }
0x44: {  	_ =	shalt  }
0x45: {  	_ =	shalt  }
0x46: {  	_ =	shalt  }
0x47: {  	_ =	shalt  }
0x48: {  	_ =	shalt  }
0x49: {  	_ =	shalt  }
0x4a: {  	_ =	shalt  }
0x4b: {  	_ =	shalt  }
0x4c: {  	_ =	shalt  }
0x4d: {  	_ =	shalt  }
0x4e: {  	_ =	shalt  }
0x4f: {  	_ =	shalt  }
0x50: {  	_ =	shalt  }
0x51: {  	_ =	shalt  }
0x52: {  	_ =	shalt  }
0x53: {  	_ =	shalt  }
0x54: {  	_ =	shalt  }
0x55: {  	_ =	shalt  }
0x56: {  	_ =	shalt  }
0x57: {  	_ =	shalt  }
0x58: {  	_ =	shalt  }
0x59: {  	_ =	shalt  }
0x5a: {  	_ =	shalt  }
0x5b: {  	_ =	shalt  }
0x5c: {  	_ =	shalt  }
0x5d: {  	_ =	shalt  }
0x5e: {  	_ =	shalt  }
0x5f: {  	_ =	shalt  }
0x60: {  	_ =	shalt  }
0x61: {  	_ =	shalt  }
0x62: {  	_ =	shalt  }
0x63: {  	_ =	shalt  }
0x64: {  	_ =	shalt  }
0x65: {  	_ =	shalt  }
0x66: {  	_ =	shalt  }
0x67: {  	_ =	shalt  }
0x68: {  	_ =	shalt  }
0x69: {  	_ =	shalt  }
0x6a: {  	_ =	shalt  }
0x6b: {  	_ =	shalt  }
0x6c: {  	_ =	shalt  }
0x6d: {  	_ =	shalt  }
0x6e: {  	_ =	shalt  }
0x6f: {  	_ =	shalt  }
0x70: {  	_ =	shalt  }
0x71: {  	_ =	shalt  }
0x72: {  	_ =	shalt  }
0x73: {  	_ =	shalt  }
0x74: {  	_ =	shalt  }
0x75: {  	_ =	shalt  }
0x76: {  	_ =	shalt  }
0x77: {  	_ =	shalt  }
0x78: {  	_ =	shalt  }
0x79: {  	_ =	shalt  }
0x7a: {  	_ =	shalt  }
0x7b: {  	_ =	shalt  }
0x7c: {  	_ =	shalt  }
0x7d: {  	_ =	shalt  }
0x7e: {  	_ =	shalt  }
0x7f: {  	_ =	shalt  }
0x80: {  	_ =	shalt  }
0x81: {  	_ =	shalt  }
0x82: {  	_ =	shalt  }
0x83: {  	_ =	shalt  }
0x84: {  	_ =	shalt  }
0x85: {  	_ =	shalt  }
0x86: {  	_ =	shalt  }
0x87: {  	_ =	shalt  }
.Lfunc_end0:
.L_simem_size_0:
called_computation_lowered:
.L_overlay_start_0:
0x88: {  	s2 =	sld [smem:$0x3FD9]  }
0x89: {  	s3 =	sld [smem:$0x3FFE];
	_ =	sdelay $0x1  }
0x8a: {  	s1 =	srdreg.scid  }
0x8b: {  	s0 =	sand.u32 $0x1, s1  }
0x8c: {  	s17 =	sshll.u32 s0, $0xA;
	s2 =	sadd.s32 s3, s2  }
0x8d: {  	s2 =	sadd.s32 s2, s17  }
0x8e: {  	[smem:$0x3FC3] =	sst s2  }
0x8f: {  	_ = 	snop  }
0x90: {  	s2 =	sld [smem:$0x3FC8]  }
0x91: {  	s18 =	sld [smem:$0x3FD0];
	(tm) =	ssettm $0x1  }
0x92: {  	s4 =	sld [smem:$0x3FFB];
	_ =	sdelay $0x3  }
0x93: {  	_ =	strace s4  }
0x94: {  	s4 =	sld [smem:$0x3FFC];
	_ =	sdelay $0x3  }
0x95: {  	_ =	strace s4  }
0x96: {  	s4 =	sld [smem:$0x3FFD];
	_ =	sdelay $0x3  }
0x97: {  	_ =	strace s4  }
0x98: {  	_ =	strace $0x8FFFFFFF  }
0x99: {  	s19 =	sld [smem:$0x3FDB];
	_ =	sdelay $0x1  }
0x9a: {  	s5 =	simm.s32 $_scs_section_size  }
0x9b: {  	s6 =	simm.s32 $_size__tile_overlayer_lowered;
	s7 =	simm.s32 $_tile_overlayer_lowered  }
0x9c: {  	s22 =	simm.s32 $0x1BFF;
	s21 =	sshll.u32 s7, $0x1;
	s4 =	sadd.s32 s5, s19  }
0x9d: {  	s8 =	simm.s32 $0x0;
	s20 =	sshll.u32 s6, $0x1;
	s6 =	sadd.s32 s21, s4  }
0x9e: {  	[timem:s8], [sflag:s22] =	dma.local [hbm:s6], s20  }
0x9f: {  	_ =	swait.ge [sflag:s22], s20  }
0xa0: {  	s5 =	ssub.s32 $0x0, s20;
	[sflag:s22] =	ssyncset.done $0x0  }
0xa1: {  	[sflag:s22] =	ssyncadd.s32 s5;
	_ =	sdelay $0x1  }
0xa2: {  	s23 =	simm.s32 $0x1B8B  }
0xa3: {  	_ =	swait.ge [sflag:s23], $0x1  }
0xa4: {  	[sflag:s23] =	ssyncset.done $0x0  }
0xa5: {  	s25 =	simm.s32 $0x1B8E;
	s24 =	sld [smem:$0x3FFE];
	[sflag:s23] =	ssyncadd.s32 $0xFFFFFFFF  }
0xa6: {  	s26 =	simm.s32 $execute0_lowered;
	[smem:$0x3FD2] =	sst s25  }
0xa7: {  	s6 =	sshll.u32 s26, $0x1;
	_ =	strace $0x80000046;
	[dreg:$0x1] =	wrdreg $0xFFFFFFFF  }
0xa8: {  	s28 =	simm.s32 $_size_execute0_lowered;
	s4 =	sadd.s32 s4, s6;
	[dreg:$0x0] =	wrdreg $0x0  }
0xa9: {  	s6 =	sshll.u32 s28, $0x1;
	[dreg:$0x2] =	wrdreg s4  }
0xaa: {  	[dreg:$0x3] =	wrdreg s6  }
0xab: {  	[dreg:$0x4] =	wrdreg $0xC0  }
0xac: {  	_ =	task [dreg:s8], $0x5FFFF  }
0xad: {  	[dreg:$0x1] =	wrdreg $0xFFFFFFFF  }
0xae: {  	[dreg:$0x0] =	wrdreg $0x60  }
0xaf: {  	[dreg:$0x2] =	wrdreg s24  }
0xb0: {  	[dreg:$0x3] =	wrdreg s2  }
0xb1: {  	[dreg:$0x4] =	wrdreg s18  }
0xb2: {  	[dreg:$0x5] =	wrdreg $0x9  }
0xb3: {  	_ =	task.clear_ibuf [dreg:s8], $0x6FFFF;
	_ =	strace $0x90000046  }
0xb4: {  	s29 =	simm.s32 $0x9;
	_ =	strace $0x80000048  }
0xb5: {  	_ =	swait.ge [sflag:s29], $0x1  }
0xb6: {  	[sflag:s29] =	ssyncadd.s32 $0xFFFFFFFF  }
0xb7: {  	_ =	strace $0x90000048  }
0xb8: {  	_ =	sfence  }
0xb9: {  	s30 =	sld [smem:$0x0];
	_ =	sdelay $0x2  }
0xba: {  	s31 =	sshll.u32 s1, $0xD;
	s1 =	sshrl.u32 s1, $0x2  }
0xbb: {  	s3 =	sand.u32 $0x4000, s31;
	s1 =	sadd.s32 s1, s30  }
0xbc: {  	s0 =	sor.u32 s3, s0;
	s1 =	sshll.u32 s1, $0x11  }
0xbd: {  	s0 =	sor.u32 s1, s0  }
0xbe: {  	s0 =	sadd.s32 $0x8F2B, s0  }
0xbf: {  	[sflag:s0] =	ssyncadd.remote.s32 $0x1  }
0xc0: {  	_ =	sfence.sel $0xFFFF  }
0xc1: {  	[dreg:$0x0] =	wrdreg $0xFFFFFFFF;
	(pc) =	sbr.abs _section_cstart, $3  }
0xc2: {  	[dreg:$0x1] =	wrdreg $0xFFFFFFFF  }
0xc3: {  	_ =	task.clear_ibuf [dreg:s8], $0x2FFFF;
	_ =	strace $0x9FFFFFFF  }
0xc4: {  	(tm) =	ssettm $0x7FFFFFFF  }
0xc5: {  	_ =	shalt  }
tec
execute0_lowered:
.L_overlay_start_1:
0x0: {  	(tag) =	ssettag $0x1  }
0x1: {  	s0 =	srdreg.scid  }
0x2: {  	s4 =	rddreg [dreg:$0x0];
	s3 =	stileid.u32;
	s1 =	sand.u32 $0x1, s0  }
0x3: {  	s2 =	rddreg [dreg:$0x1];
	s20 =	sshll.u32 s3, $0x8;
	s21 =	sshll.u32 s1, $0x7  }
0x4: {  	s30 =	rddreg [dreg:$0x2];
	s0 =	sor.u32 s21, s20  }
0x5: {  	s3 =	simm.s32 $0x0;
	s5 =	sshrl.u32 s0, $0x3;
	s31 =	sshll.u32 s0, $0x4  }
0x6: {  	[smem:$0x7FF] =	sst s3;
	s29 =	sadd.s32 s5, s4;
	s24 =	sadd.s32 s30, s31  }
0x7: {  	_ =	strace $0x80000047;
	s4 =	sadd.s32 $0x2400, s29;
	[dreg:$0x6] =	wrdreg s24  }
0x8: {  	s22 =	sadd.s32 $0x2600, s29;
	[dreg:$0x4] =	wrdreg s4  }
0x9: {  	[dreg:$0x5] =	wrdreg s22  }
0xa: {  	s4 =	simm.s32 $0x7;
	s23 =	rddreg [dreg:$0x4]  }
0xb: {  	[tilespmem:s3], [sflag:$0x7] =	stream.linear.gather [hbm4b:s23+s3], $0x80, $0x38;
	[tilespmem:$0x8100] =	vst v63  }
0xc: {  	_ =	swait.ge [sflag:s4], $0x80  }
0xd: {  	[sflag:s4] =	ssyncset.done $0x0  }
0xe: {  	s6 =	simm.s32 $0x100;
	s5 =	simm.s32 $0x80;
	[sflag:s4] =	ssyncadd.s32 $0xFFFFFF80  }
0xf: {  	[tilespmem:s6], [sflag:$0x1] =	stream.indirect.gather [hbm4b:s2+s5], $0x80, s3, s5, $0xb8;
	[tilespmem:$0x8100] =	vst v63  }
0x10: {  	s7 =	simm.s32 $0x1;
	s25 =	rddreg [dreg:$0x5]  }
0x11: {  	[tilespmem:s5], [sflag:$0x6] =	stream.linear.gather [hbm4b:s25+s3], $0x80, $0x38;
	[tilespmem:$0x8100] =	vst v63  }
0x12: {  	_ =	swait.ge [sflag:s7], $0x4000  }
0x13: {  	[sflag:s7] =	ssyncset.done $0x0  }
0x14: {  	s26 =	rddreg [dreg:$0x6];
	[sflag:s7] =	ssyncadd.s32 $0xFFFFC000  }
0x15: {  	[hbm4b:s26+s3] =	stream.linear.scatter [tilespmem:s6], [sflag:$0x3], $0x4000, $0x38;
	[tilespmem:$0x8100] =	vst v63  }
0x16: {  	s9 =	simm.s32 $0x6;
	s8 =	sadd.s32 $0x2800, s29  }
0x17: {  	[tilespmem:s3], [sflag:$0x5] =	stream.linear.gather [hbm4b:s8+s3], $0x80, $0x38;
	[tilespmem:$0x8100] =	vst v63  }
0x18: {  	_ =	swait.ge [sflag:s9], $0x80  }
0x19: {  	[sflag:s9] =	ssyncset.done $0x0  }
0x1a: {  	s10 =	simm.s32 $0x4100;
	s11 =	simm.s32 $0x2;
	[sflag:s9] =	ssyncadd.s32 $0xFFFFFF80  }
0x1b: {  	[tilespmem:s10], [sflag:$0x2] =	stream.indirect.gather [hbm4b:s2+s5], $0x80, s5, s5, $0xb8;
	[tilespmem:$0x8100] =	vst v63  }
0x1c: {  	_ =	swait.ge [sflag:s11], $0x4000  }
0x1d: {  	s0 =	sadd.s32 $0x10000, s30;
	[sflag:s11] =	ssyncset.done $0x0  }
0x1e: {  	s12 =	sadd.s32 s31, s0;
	[sflag:s11] =	ssyncadd.s32 $0xFFFFC000  }
0x1f: {  	[hbm4b:s12+s3] =	stream.linear.scatter [tilespmem:s10], [sflag:$0x4], $0x4000, $0x38;
	[tilespmem:$0x8100] =	vst v63  }
0x20: {  	s14 =	simm.s32 $0x3;
	s13 =	sadd.s32 $0x2A00, s29  }
0x21: {  	[tilespmem:s5], [sflag:$0x6] =	stream.linear.gather [hbm4b:s13+s3], $0x80, $0x38;
	[tilespmem:$0x8100] =	vst v63  }
0x22: {  	_ =	swait.ge [sflag:s14], $0x4000  }
0x23: {  	[sflag:s14] =	ssyncset.done $0x0  }
0x24: {  	s15 =	simm.s32 $0x5;
	[sflag:s14] =	ssyncadd.s32 $0xFFFFC000  }
0x25: {  	_ =	swait.ge [sflag:s15], $0x80  }
0x26: {  	[sflag:s15] =	ssyncset.done $0x0  }
0x27: {  	[sflag:s15] =	ssyncadd.s32 $0xFFFFFF80  }
0x28: {  	[tilespmem:s6], [sflag:$0x1] =	stream.indirect.gather [hbm4b:s2+s5], $0x80, s3, s5, $0xb8;
	[tilespmem:$0x8100] =	vst v63  }
0x29: {  	_ =	swait.ge [sflag:s7], $0x4000  }
0x2a: {  	s19 =	sor.u32 $0x20000, s31;
	[sflag:s7] =	ssyncset.done $0x0  }
0x2b: {  	s16 =	sadd.s32 s30, s19;
	[sflag:s7] =	ssyncadd.s32 $0xFFFFC000  }
0x2c: {  	[hbm4b:s16+s3] =	stream.linear.scatter [tilespmem:s6], [sflag:$0x3], $0x4000, $0x38;
	[tilespmem:$0x8100] =	vst v63  }
0x2d: {  	s17 =	simm.s32 $0x4;
	s18 =	sadd.s32 $0x2C00, s29  }
0x2e: {  	[tilespmem:s3], [sflag:$0x5] =	stream.linear.gather [hbm4b:s18+s3], $0x80, $0x38;
	[tilespmem:$0x8100] =	vst v63  }
0x2f: {  	_ =	swait.ge [sflag:s17], $0x4000  }
0x30: {  	[sflag:s17] =	ssyncset.done $0x0  }
0x31: {  	[sflag:s17] =	ssyncadd.s32 $0xFFFFC000  }
0x32: {  	_ =	swait.ge [sflag:s9], $0x80  }
0x33: {  	[sflag:s9] =	ssyncset.done $0x0  }
0x34: {  	[sflag:s9] =	ssyncadd.s32 $0xFFFFFF80  }
0x35: {  	[tilespmem:s10], [sflag:$0x2] =	stream.indirect.gather [hbm4b:s2+s5], $0x80, s5, s5, $0xb8;
	[tilespmem:$0x8100] =	vst v63  }
0x36: {  	_ =	swait.ge [sflag:s11], $0x4000  }
0x37: {  	[sflag:s11] =	ssyncset.done $0x0  }
0x38: {  	s19 =	sadd.s32 s19, s0;
	[sflag:s11] =	ssyncadd.s32 $0xFFFFC000  }
0x39: {  	[hbm4b:s19+s3] =	stream.linear.scatter [tilespmem:s10], [sflag:$0x4], $0x4000, $0x38;
	[tilespmem:$0x8100] =	vst v63  }
0x3a: {  	s20 =	sadd.s32 $0x2E00, s29  }
0x3b: {  	[tilespmem:s5], [sflag:$0x6] =	stream.linear.gather [hbm4b:s20+s3], $0x80, $0x38;
	[tilespmem:$0x8100] =	vst v63  }
0x3c: {  	_ =	swait.ge [sflag:s14], $0x4000  }
0x3d: {  	[sflag:s14] =	ssyncset.done $0x0  }
0x3e: {  	[sflag:s14] =	ssyncadd.s32 $0xFFFFC000  }
0x3f: {  	_ =	swait.ge [sflag:s15], $0x80  }
0x40: {  	[sflag:s15] =	ssyncset.done $0x0  }
0x41: {  	[sflag:s15] =	ssyncadd.s32 $0xFFFFFF80  }
0x42: {  	[tilespmem:s6], [sflag:$0x1] =	stream.indirect.gather [hbm4b:s2+s5], $0x80, s3, s5, $0xb8;
	[tilespmem:$0x8100] =	vst v63  }
0x43: {  	_ =	swait.ge [sflag:s7], $0x4000  }
0x44: {  	s23 =	sor.u32 $0x40000, s31;
	[sflag:s7] =	ssyncset.done $0x0  }
0x45: {  	s21 =	sadd.s32 s30, s23;
	[sflag:s7] =	ssyncadd.s32 $0xFFFFC000  }
0x46: {  	[hbm4b:s21+s3] =	stream.linear.scatter [tilespmem:s6], [sflag:$0x3], $0x4000, $0x38;
	[tilespmem:$0x8100] =	vst v63  }
0x47: {  	s22 =	sadd.s32 $0x3000, s29  }
0x48: {  	[tilespmem:s3], [sflag:$0x5] =	stream.linear.gather [hbm4b:s22+s3], $0x80, $0x38;
	[tilespmem:$0x8100] =	vst v63  }
0x49: {  	_ =	swait.ge [sflag:s17], $0x4000  }
0x4a: {  	[sflag:s17] =	ssyncset.done $0x0  }
0x4b: {  	[sflag:s17] =	ssyncadd.s32 $0xFFFFC000  }
0x4c: {  	_ =	swait.ge [sflag:s9], $0x80  }
0x4d: {  	[sflag:s9] =	ssyncset.done $0x0  }
0x4e: {  	[sflag:s9] =	ssyncadd.s32 $0xFFFFFF80  }
0x4f: {  	[tilespmem:s10], [sflag:$0x2] =	stream.indirect.gather [hbm4b:s2+s5], $0x80, s5, s5, $0xb8;
	[tilespmem:$0x8100] =	vst v63  }
0x50: {  	_ =	swait.ge [sflag:s11], $0x4000  }
0x51: {  	[sflag:s11] =	ssyncset.done $0x0  }
0x52: {  	s23 =	sadd.s32 s23, s0;
	[sflag:s11] =	ssyncadd.s32 $0xFFFFC000  }
0x53: {  	[hbm4b:s23+s3] =	stream.linear.scatter [tilespmem:s10], [sflag:$0x4], $0x4000, $0x38;
	[tilespmem:$0x8100] =	vst v63  }
0x54: {  	s24 =	sadd.s32 $0x3200, s29  }
0x55: {  	[tilespmem:s5], [sflag:$0x6] =	stream.linear.gather [hbm4b:s24+s3], $0x80, $0x38;
	[tilespmem:$0x8100] =	vst v63  }
0x56: {  	_ =	swait.ge [sflag:s14], $0x4000  }
0x57: {  	[sflag:s14] =	ssyncset.done $0x0  }
0x58: {  	[sflag:s14] =	ssyncadd.s32 $0xFFFFC000  }
0x59: {  	_ =	swait.ge [sflag:s15], $0x80  }
0x5a: {  	[sflag:s15] =	ssyncset.done $0x0  }
0x5b: {  	[sflag:s15] =	ssyncadd.s32 $0xFFFFFF80  }
0x5c: {  	[tilespmem:s6], [sflag:$0x1] =	stream.indirect.gather [hbm4b:s2+s5], $0x80, s3, s5, $0xb8;
	[tilespmem:$0x8100] =	vst v63  }
0x5d: {  	_ =	swait.ge [sflag:s7], $0x4000  }
0x5e: {  	s28 =	sor.u32 $0x60000, s31;
	[sflag:s7] =	ssyncset.done $0x0  }
0x5f: {  	s25 =	sadd.s32 s30, s28;
	[sflag:s7] =	ssyncadd.s32 $0xFFFFC000  }
0x60: {  	[hbm4b:s25+s3] =	stream.linear.scatter [tilespmem:s6], [sflag:$0x3], $0x4000, $0x38;
	[tilespmem:$0x8100] =	vst v63  }
0x61: {  	s26 =	sadd.s32 $0x3400, s29  }
0x62: {  	[tilespmem:s3], [sflag:$0x5] =	stream.linear.gather [hbm4b:s26+s3], $0x80, $0x38;
	[tilespmem:$0x8100] =	vst v63  }
0x63: {  	_ =	swait.ge [sflag:s17], $0x4000  }
0x64: {  	[sflag:s17] =	ssyncset.done $0x0  }
0x65: {  	[sflag:s17] =	ssyncadd.s32 $0xFFFFC000  }
0x66: {  	_ =	swait.ge [sflag:s9], $0x80  }
0x67: {  	[sflag:s9] =	ssyncset.done $0x0  }
0x68: {  	[sflag:s9] =	ssyncadd.s32 $0xFFFFFF80  }
0x69: {  	[tilespmem:s10], [sflag:$0x2] =	stream.indirect.gather [hbm4b:s2+s5], $0x80, s5, s5, $0xb8;
	[tilespmem:$0x8100] =	vst v63  }
0x6a: {  	_ =	swait.ge [sflag:s11], $0x4000  }
0x6b: {  	[sflag:s11] =	ssyncset.done $0x0  }
0x6c: {  	s28 =	sadd.s32 s28, s0;
	[sflag:s11] =	ssyncadd.s32 $0xFFFFC000  }
0x6d: {  	[hbm4b:s28+s3] =	stream.linear.scatter [tilespmem:s10], [sflag:$0x4], $0x4000, $0x38;
	[tilespmem:$0x8100] =	vst v63  }
0x6e: {  	s29 =	sadd.s32 $0x3600, s29  }
0x6f: {  	[tilespmem:s5], [sflag:$0x6] =	stream.linear.gather [hbm4b:s29+s3], $0x80, $0x38;
	[tilespmem:$0x8100] =	vst v63  }
0x70: {  	_ =	swait.ge [sflag:s14], $0x4000  }
0x71: {  	[sflag:s14] =	ssyncset.done $0x0  }
0x72: {  	[sflag:s14] =	ssyncadd.s32 $0xFFFFC000  }
0x73: {  	_ =	swait.ge [sflag:s15], $0x80  }
0x74: {  	[sflag:s15] =	ssyncset.done $0x0  }
0x75: {  	[sflag:s15] =	ssyncadd.s32 $0xFFFFFF80  }
0x76: {  	[tilespmem:s6], [sflag:$0x1] =	stream.indirect.gather [hbm4b:s2+s5], $0x80, s3, s5, $0xb8;
	[tilespmem:$0x8100] =	vst v63  }
0x77: {  	_ =	swait.ge [sflag:s7], $0x4000  }
0x78: {  	s31 =	sor.u32 $0x80000, s31;
	[sflag:s7] =	ssyncset.done $0x0  }
0x79: {  	s30 =	sadd.s32 s30, s31;
	[sflag:s7] =	ssyncadd.s32 $0xFFFFC000  }
0x7a: {  	[hbm4b:s30+s3] =	stream.linear.scatter [tilespmem:s6], [sflag:$0x3], $0x4000, $0x38;
	[tilespmem:$0x8100] =	vst v63  }
0x7b: {  	_ =	swait.ge [sflag:s17], $0x4000  }
0x7c: {  	[sflag:s17] =	ssyncset.done $0x0  }
0x7d: {  	[sflag:s17] =	ssyncadd.s32 $0xFFFFC000  }
0x7e: {  	_ =	swait.ge [sflag:s9], $0x80  }
0x7f: {  	s31 =	sadd.s32 s31, s0;
	s0 =	ssub.s32 $0x2, s1;
	[sflag:s9] =	ssyncset.done $0x0  }
0x80: {  	s1 =	sshrl.u32 s0, $0x1;
	[sflag:s9] =	ssyncadd.s32 $0xFFFFFF80  }
0x81: {  	[tilespmem:s10], [sflag:$0x2] =	stream.indirect.gather [hbm4b:s2+s5], $0x80, s5, s5, $0xb8;
	[tilespmem:$0x8100] =	vst v63  }
0x82: {  	s0 =	ssub.s32 s0, s1;
	_ =	swait.ge [sflag:s11], $0x4000  }
0x83: {  	s0 =	smax.u32 s0, $0x1;
	[sflag:s11] =	ssyncset.done $0x0  }
0x84: {  	p0 =	sne.s32 s0, $0x1;
	[sflag:s11] =	ssyncadd.s32 $0xFFFFC000  }
0x85: {  	[hbm4b:s31+s3] =	stream.linear.scatter [tilespmem:s10], [sflag:$0x4], $0x4000, $0x38;
	[tilespmem:$0x8100] =	vst v63  }
.Ltmp0:
0x86: {  	_ =	swait.ge [sflag:s14], $0x4000;
	(pc) =	sbr.rel @!p0 .LBB2_2-.Ltmp0, $4  }
0x87: {  	[sflag:s14] =	ssyncset.done $0x0  }
0x88: {  	[sflag:s14] =	ssyncadd.s32 $0xFFFFC000  }
0x89: {  	_ =	swait.ge [sflag:s17], $0x4000  }
0x8a: {  	s1 =	sadd.s32 $0xFFFFFFFF, s0;
	[sflag:s17] =	ssyncset.done $0x0  }
.LBB2_1:
0x8b: {  	s0 =	rddreg [dreg:$0x4];
	[sflag:s17] =	ssyncadd.s32 $0xFFFFC000  }
0x8c: {  	[tilespmem:s3], [sflag:$0x7] =	stream.linear.gather [hbm4b:s0+s3], $0x80, $0x38;
	[tilespmem:$0x8100] =	vst v63  }
0x8d: {  	_ =	swait.ge [sflag:s4], $0x80  }
0x8e: {  	[sflag:s4] =	ssyncset.done $0x0  }
0x8f: {  	[sflag:s4] =	ssyncadd.s32 $0xFFFFFF80  }
0x90: {  	[tilespmem:s6], [sflag:$0x1] =	stream.indirect.gather [hbm4b:s2+s5], $0x80, s3, s5, $0xb8;
	[tilespmem:$0x8100] =	vst v63  }
0x91: {  	s0 =	rddreg [dreg:$0x5]  }
0x92: {  	[tilespmem:s5], [sflag:$0x6] =	stream.linear.gather [hbm4b:s0+s3], $0x80, $0x38;
	[tilespmem:$0x8100] =	vst v63  }
0x93: {  	_ =	swait.ge [sflag:s7], $0x4000  }
0x94: {  	[sflag:s7] =	ssyncset.done $0x0  }
0x95: {  	s0 =	rddreg [dreg:$0x6];
	[sflag:s7] =	ssyncadd.s32 $0xFFFFC000  }
0x96: {  	[hbm4b:s0+s3] =	stream.linear.scatter [tilespmem:s6], [sflag:$0x3], $0x4000, $0x38;
	[tilespmem:$0x8100] =	vst v63  }
0x97: {  	_ = 	snop  }
0x98: {  	[tilespmem:s3], [sflag:$0x5] =	stream.linear.gather [hbm4b:s8+s3], $0x80, $0x38;
	[tilespmem:$0x8100] =	vst v63  }
0x99: {  	_ =	swait.ge [sflag:s9], $0x80  }
0x9a: {  	[sflag:s9] =	ssyncset.done $0x0  }
0x9b: {  	[sflag:s9] =	ssyncadd.s32 $0xFFFFFF80  }
0x9c: {  	[tilespmem:s10], [sflag:$0x2] =	stream.indirect.gather [hbm4b:s2+s5], $0x80, s5, s5, $0xb8;
	[tilespmem:$0x8100] =	vst v63  }
0x9d: {  	_ =	swait.ge [sflag:s11], $0x4000  }
0x9e: {  	[sflag:s11] =	ssyncset.done $0x0  }
0x9f: {  	[sflag:s11] =	ssyncadd.s32 $0xFFFFC000  }
0xa0: {  	[hbm4b:s12+s3] =	stream.linear.scatter [tilespmem:s10], [sflag:$0x4], $0x4000, $0x38;
	[tilespmem:$0x8100] =	vst v63  }
0xa1: {  	_ = 	snop  }
0xa2: {  	[tilespmem:s5], [sflag:$0x6] =	stream.linear.gather [hbm4b:s13+s3], $0x80, $0x38;
	[tilespmem:$0x8100] =	vst v63  }
0xa3: {  	_ =	swait.ge [sflag:s14], $0x4000  }
0xa4: {  	[sflag:s14] =	ssyncset.done $0x0  }
0xa5: {  	[sflag:s14] =	ssyncadd.s32 $0xFFFFC000  }
0xa6: {  	_ =	swait.ge [sflag:s15], $0x80  }
0xa7: {  	[sflag:s15] =	ssyncset.done $0x0  }
0xa8: {  	[sflag:s15] =	ssyncadd.s32 $0xFFFFFF80  }
0xa9: {  	[tilespmem:s6], [sflag:$0x1] =	stream.indirect.gather [hbm4b:s2+s5], $0x80, s3, s5, $0xb8;
	[tilespmem:$0x8100] =	vst v63  }
0xaa: {  	_ =	swait.ge [sflag:s7], $0x4000  }
0xab: {  	[sflag:s7] =	ssyncset.done $0x0  }
0xac: {  	[sflag:s7] =	ssyncadd.s32 $0xFFFFC000  }
0xad: {  	[hbm4b:s16+s3] =	stream.linear.scatter [tilespmem:s6], [sflag:$0x3], $0x4000, $0x38;
	[tilespmem:$0x8100] =	vst v63  }
0xae: {  	_ = 	snop  }
0xaf: {  	[tilespmem:s3], [sflag:$0x5] =	stream.linear.gather [hbm4b:s18+s3], $0x80, $0x38;
	[tilespmem:$0x8100] =	vst v63  }
0xb0: {  	_ =	swait.ge [sflag:s17], $0x4000  }
0xb1: {  	[sflag:s17] =	ssyncset.done $0x0  }
0xb2: {  	[sflag:s17] =	ssyncadd.s32 $0xFFFFC000  }
0xb3: {  	_ =	swait.ge [sflag:s9], $0x80  }
0xb4: {  	[sflag:s9] =	ssyncset.done $0x0  }
0xb5: {  	[sflag:s9] =	ssyncadd.s32 $0xFFFFFF80  }
0xb6: {  	[tilespmem:s10], [sflag:$0x2] =	stream.indirect.gather [hbm4b:s2+s5], $0x80, s5, s5, $0xb8;
	[tilespmem:$0x8100] =	vst v63  }
0xb7: {  	_ =	swait.ge [sflag:s11], $0x4000  }
0xb8: {  	[sflag:s11] =	ssyncset.done $0x0  }
0xb9: {  	[sflag:s11] =	ssyncadd.s32 $0xFFFFC000  }
0xba: {  	[hbm4b:s19+s3] =	stream.linear.scatter [tilespmem:s10], [sflag:$0x4], $0x4000, $0x38;
	[tilespmem:$0x8100] =	vst v63  }
0xbb: {  	_ = 	snop  }
0xbc: {  	[tilespmem:s5], [sflag:$0x6] =	stream.linear.gather [hbm4b:s20+s3], $0x80, $0x38;
	[tilespmem:$0x8100] =	vst v63  }
0xbd: {  	_ =	swait.ge [sflag:s14], $0x4000  }
0xbe: {  	[sflag:s14] =	ssyncset.done $0x0  }
0xbf: {  	[sflag:s14] =	ssyncadd.s32 $0xFFFFC000  }
0xc0: {  	_ =	swait.ge [sflag:s15], $0x80  }
0xc1: {  	[sflag:s15] =	ssyncset.done $0x0  }
0xc2: {  	[sflag:s15] =	ssyncadd.s32 $0xFFFFFF80  }
0xc3: {  	[tilespmem:s6], [sflag:$0x1] =	stream.indirect.gather [hbm4b:s2+s5], $0x80, s3, s5, $0xb8;
	[tilespmem:$0x8100] =	vst v63  }
0xc4: {  	_ =	swait.ge [sflag:s7], $0x4000  }
0xc5: {  	[sflag:s7] =	ssyncset.done $0x0  }
0xc6: {  	[sflag:s7] =	ssyncadd.s32 $0xFFFFC000  }
0xc7: {  	[hbm4b:s21+s3] =	stream.linear.scatter [tilespmem:s6], [sflag:$0x3], $0x4000, $0x38;
	[tilespmem:$0x8100] =	vst v63  }
0xc8: {  	_ = 	snop  }
0xc9: {  	[tilespmem:s3], [sflag:$0x5] =	stream.linear.gather [hbm4b:s22+s3], $0x80, $0x38;
	[tilespmem:$0x8100] =	vst v63  }
0xca: {  	_ =	swait.ge [sflag:s17], $0x4000  }
0xcb: {  	[sflag:s17] =	ssyncset.done $0x0  }
0xcc: {  	[sflag:s17] =	ssyncadd.s32 $0xFFFFC000  }
0xcd: {  	_ =	swait.ge [sflag:s9], $0x80  }
0xce: {  	[sflag:s9] =	ssyncset.done $0x0  }
0xcf: {  	[sflag:s9] =	ssyncadd.s32 $0xFFFFFF80  }
0xd0: {  	[tilespmem:s10], [sflag:$0x2] =	stream.indirect.gather [hbm4b:s2+s5], $0x80, s5, s5, $0xb8;
	[tilespmem:$0x8100] =	vst v63  }
0xd1: {  	_ =	swait.ge [sflag:s11], $0x4000  }
0xd2: {  	[sflag:s11] =	ssyncset.done $0x0  }
0xd3: {  	[sflag:s11] =	ssyncadd.s32 $0xFFFFC000  }
0xd4: {  	[hbm4b:s23+s3] =	stream.linear.scatter [tilespmem:s10], [sflag:$0x4], $0x4000, $0x38;
	[tilespmem:$0x8100] =	vst v63  }
0xd5: {  	_ = 	snop  }
0xd6: {  	[tilespmem:s5], [sflag:$0x6] =	stream.linear.gather [hbm4b:s24+s3], $0x80, $0x38;
	[tilespmem:$0x8100] =	vst v63  }
0xd7: {  	_ =	swait.ge [sflag:s14], $0x4000  }
0xd8: {  	[sflag:s14] =	ssyncset.done $0x0  }
0xd9: {  	[sflag:s14] =	ssyncadd.s32 $0xFFFFC000  }
0xda: {  	_ =	swait.ge [sflag:s15], $0x80  }
0xdb: {  	[sflag:s15] =	ssyncset.done $0x0  }
0xdc: {  	[sflag:s15] =	ssyncadd.s32 $0xFFFFFF80  }
0xdd: {  	[tilespmem:s6], [sflag:$0x1] =	stream.indirect.gather [hbm4b:s2+s5], $0x80, s3, s5, $0xb8;
	[tilespmem:$0x8100] =	vst v63  }
0xde: {  	_ =	swait.ge [sflag:s7], $0x4000  }
0xdf: {  	[sflag:s7] =	ssyncset.done $0x0  }
0xe0: {  	[sflag:s7] =	ssyncadd.s32 $0xFFFFC000  }
0xe1: {  	[hbm4b:s25+s3] =	stream.linear.scatter [tilespmem:s6], [sflag:$0x3], $0x4000, $0x38;
	[tilespmem:$0x8100] =	vst v63  }
0xe2: {  	_ = 	snop  }
0xe3: {  	[tilespmem:s3], [sflag:$0x5] =	stream.linear.gather [hbm4b:s26+s3], $0x80, $0x38;
	[tilespmem:$0x8100] =	vst v63  }
0xe4: {  	_ =	swait.ge [sflag:s17], $0x4000  }
0xe5: {  	[sflag:s17] =	ssyncset.done $0x0  }
0xe6: {  	[sflag:s17] =	ssyncadd.s32 $0xFFFFC000  }
0xe7: {  	_ =	swait.ge [sflag:s9], $0x80  }
0xe8: {  	[sflag:s9] =	ssyncset.done $0x0  }
0xe9: {  	[sflag:s9] =	ssyncadd.s32 $0xFFFFFF80  }
0xea: {  	[tilespmem:s10], [sflag:$0x2] =	stream.indirect.gather [hbm4b:s2+s5], $0x80, s5, s5, $0xb8;
	[tilespmem:$0x8100] =	vst v63  }
0xeb: {  	_ =	swait.ge [sflag:s11], $0x4000  }
0xec: {  	[sflag:s11] =	ssyncset.done $0x0  }
0xed: {  	[sflag:s11] =	ssyncadd.s32 $0xFFFFC000  }
0xee: {  	[hbm4b:s28+s3] =	stream.linear.scatter [tilespmem:s10], [sflag:$0x4], $0x4000, $0x38;
	[tilespmem:$0x8100] =	vst v63  }
0xef: {  	_ = 	snop  }
0xf0: {  	[tilespmem:s5], [sflag:$0x6] =	stream.linear.gather [hbm4b:s29+s3], $0x80, $0x38;
	[tilespmem:$0x8100] =	vst v63  }
0xf1: {  	_ =	swait.ge [sflag:s14], $0x4000  }
0xf2: {  	[sflag:s14] =	ssyncset.done $0x0  }
0xf3: {  	[sflag:s14] =	ssyncadd.s32 $0xFFFFC000  }
0xf4: {  	_ =	swait.ge [sflag:s15], $0x80  }
0xf5: {  	[sflag:s15] =	ssyncset.done $0x0  }
0xf6: {  	[sflag:s15] =	ssyncadd.s32 $0xFFFFFF80  }
0xf7: {  	[tilespmem:s6], [sflag:$0x1] =	stream.indirect.gather [hbm4b:s2+s5], $0x80, s3, s5, $0xb8;
	[tilespmem:$0x8100] =	vst v63  }
0xf8: {  	_ =	swait.ge [sflag:s7], $0x4000  }
0xf9: {  	[sflag:s7] =	ssyncset.done $0x0  }
0xfa: {  	[sflag:s7] =	ssyncadd.s32 $0xFFFFC000  }
0xfb: {  	[hbm4b:s30+s3] =	stream.linear.scatter [tilespmem:s6], [sflag:$0x3], $0x4000, $0x38;
	[tilespmem:$0x8100] =	vst v63  }
0xfc: {  	_ =	swait.ge [sflag:s17], $0x4000  }
0xfd: {  	[sflag:s17] =	ssyncset.done $0x0  }
0xfe: {  	[sflag:s17] =	ssyncadd.s32 $0xFFFFC000  }
0xff: {  	_ =	swait.ge [sflag:s9], $0x80  }
0x100: {  	[sflag:s9] =	ssyncset.done $0x0  }
0x101: {  	[sflag:s9] =	ssyncadd.s32 $0xFFFFFF80  }
0x102: {  	[tilespmem:s10], [sflag:$0x2] =	stream.indirect.gather [hbm4b:s2+s5], $0x80, s5, s5, $0xb8;
	[tilespmem:$0x8100] =	vst v63  }
0x103: {  	_ =	swait.ge [sflag:s11], $0x4000  }
0x104: {  	[sflag:s11] =	ssyncset.done $0x0  }
0x105: {  	p0 =	sne.s32 s1, $0x1;
	[sflag:s11] =	ssyncadd.s32 $0xFFFFC000  }
0x106: {  	[hbm4b:s31+s3] =	stream.linear.scatter [tilespmem:s10], [sflag:$0x4], $0x4000, $0x38;
	[tilespmem:$0x8100] =	vst v63  }
.Ltmp1:
0x107: {  	_ =	swait.ge [sflag:s14], $0x4000;
	(pc) =	sbr.rel @p0 .LBB2_1-.Ltmp1, $4  }
0x108: {  	[sflag:s14] =	ssyncset.done $0x0  }
0x109: {  	[sflag:s14] =	ssyncadd.s32 $0xFFFFC000  }
0x10a: {  	_ =	swait.ge [sflag:s17], $0x4000  }
0x10b: {  	s1 =	sadd.s32 $0xFFFFFFFF, s1;
	[sflag:s17] =	ssyncset.done $0x0  }
.LBB2_2:
0x10c: {  	[sflag:s17] =	ssyncadd.s32 $0xFFFFC000  }
0x10d: {  	_ =	sfence.sel $0x180000  }
0x10e: {  	[bflag:$0x0] =	sbarrier.arrive $0xFFFF  }
0x10f: {  	_ =	strace $0x90000047  }
0x110: {  	s0 =	stileid.u32;
	[bflag:$0x2] =	sbarrier.arrive $0xFFFF  }
0x111: {  	p0 =	sne.s32 s0, $0x0;
	s0 =	rddreg [dreg:$0x3]  }
0x112: {  	s0 =	sadd.s32 @!p0 $0x100000, s0  }
0x113: {  	[sflag:s0] =	ssyncadd.tile.s32 @!p0 $0x1;
	_ =	shalt  }
.Lfunc_end2:
_tile_overlayer_lowered:
.L_overlay_start_2:
0x114: {  	(tag) =	ssettag $0x2  }
0x115: {  	s0 =	rddreg [dreg:$0x0];
	s2 =	stileid.u32  }
0x116: {  	s1 =	rddreg [dreg:$0x1];
	p0 =	sne.s32 s2, $0x0  }
0x117: {  	s3 =	rddreg [dreg:$0x2];
	[bflag:$0x3] =	sbarrier.arrive $0xFFFF;
	s2 =	simm.s32 @!p0 $0x1C07  }
0x118: {  	[timem:s3], [sflag:s2] =	dma.local @!p0 [hbm:s0], s1  }
0x119: {  	s0 =	simm.s32 @!p0 $0x7  }
0x11a: {  	_ =	swait.ge @!p0 [sflag:s0], s1  }
0x11b: {  	s1 =	ssub.s32 @!p0 $0x0, s1;
	[sflag:s0] =	ssyncset.done @!p0 $0x0  }
0x11c: {  	[sflag:s0] =	ssyncadd.s32 @!p0 s1  }
0x11d: {  	[bflag:$0x3] =	sbarrier.arrive $0xFFFF  }
0x11e: {  	_ =	shalt  }

// kernel: kernel.15.cloned.1.call-start
scs
__scs_entry_jumppad:
0x0: {  	(pc) =	sbr.rel $0x88, $3  }
0x1: {  	(tag) =	ssettag $0x0;
	lr =	simm.s32 $0x1  }
0x2: {  	[smem:$0x3F9C] =	sst lr;
	_ =	strace $0xD0000000  }
0x3: {  	_ = 	snop  }
0x4: {  	_ = 	snop  }
0x5: {  	_ = 	snop  }
0x6: {  	_ = 	snop  }
0x7: {  	_ = 	snop  }
__scs_overlays_trampoline_lowered:
0x8: {  	[smem:$0x3FAB] =	sst s0  }
0x9: {  	[smem:$0x3FAC] =	sst s1  }
0xa: {  	[smem:$0x3FAD] =	sst s2  }
0xb: {  	[smem:$0x3FAE] =	sst s3  }
0xc: {  	[smem:$0x3FAF] =	sst s4  }
0xd: {  	[smem:$0x3FB0] =	sst s5  }
0xe: {  	[smem:$0x3FB1] =	sst s6  }
0xf: {  	[smem:$0x3FB2] =	sst s7  }
0x10: {  	[smem:$0x3FB3] =	sst s8  }
0x11: {  	[smem:$0x3FB4] =	sst s9;
	s0 =	simm.s32 @!p0 $0x0  }
0x12: {  	s1 =	sld [smem:$0x3F9A];
	s0 =	simm.s32 @p0 $0x1  }
0x13: {  	[smem:$0x3FB5] =	sst s0;
	s0 =	simm.s32 @!p1 $0x0  }
0x14: {  	s2 =	sld [smem:$0x3F99];
	s0 =	simm.s32 @p1 $0x1  }
0x15: {  	[smem:$0x3FB6] =	sst s0;
	s0 =	simm.s32 @!p2 $0x0  }
0x16: {  	s3 =	sld [smem:$0x3FDB];
	s0 =	simm.s32 @p2 $0x1  }
0x17: {  	s4 =	simm.s32 $0x1BF5;
	[smem:$0x3FB8] =	sst s0  }
0x18: {  	s0 =	sld [smem:$0x3F9B];
	_ =	swait.ge [sflag:s4], $0x0  }
0x19: {  	s7 =	sld [smem:$0x3F9C]  }
0x1a: {  	s8 =	sadd.s32 $0xFFFFE003, lr  }
0x1b: {  	s9 =	sadd.s32 $0xFFFFFEF7, lr;
	s5 =	simm.s32 $0xFFFFFFFF;
	p2 =	slt.u32 s8, $0xFFFFF086  }
0x1c: {  	p1 =	slt.u32 s9, $0xF7A;
	s5 =	simm.s32 @!p2 $0x0  }
0x1d: {  	s5 =	simm.s32 @p1 $0x1;
	p0 =	seq.s32 s7, s2  }
0x1e: {  	s7 =	smul.u32 @!p0 $0xF7A, s2;
	p2 =	seq.s32 @!p0 s5, $0x0  }
0x1f: {  	s9 =	smul.u32 $0xF7A, s1;
	s8 =	simm.s32 @!p0 $0x1BF5;
	p2 =	por !p2, p0  }
0x20: {  	[sflag:s8] =	ssyncset.s32 @!p0 $0xFFFFF086;
	s6 =	sadd.s32 @!p0 s3, s7;
	s7 =	simm.s32 @!p0 $0x108  }
0x21: {  	s3 =	sadd.s32 s3, s9;
	s6 =	sadd.s32 @!p0 $0x88, s6;
	s7 =	simm.s32 @p2 $0x1082  }
0x22: {  	[simem:s7], [sflag:s8] =	dma.local @!p0 [hbm:s6], $0xF7A  }
0x23: {  	s9 =	sor.u32 $0xD0000000, s2;
	s6 =	simm.s32 $0x108;
	_ =	swait.ge @!p0 [sflag:s8], $0x0  }
0x24: {  	s3 =	sadd.s32 $0x88, s3;
	s6 =	simm.s32 @!p1 $0x1082;
	[sflag:s4] =	ssyncset.s32 $0xFFFFF086  }
0x25: {  	[simem:s6], [sflag:s4] =	dma.local [hbm:s3], $0xF7A  }
0x26: {  	[smem:$0x3F9C] =	sst s1;
	(tag) =	ssettag s2;
	_ =	strace s9  }
0x27: {  	s1 =	sld [smem:$0x3FAC]  }
0x28: {  	s2 =	sld [smem:$0x3FAD]  }
0x29: {  	s4 =	sld [smem:$0x3FAF]  }
0x2a: {  	p0 =	seq.s32 s5, $0x0;
	s5 =	sld [smem:$0x3FB0]  }
0x2b: {  	s6 =	sld [smem:$0x3FB1]  }
0x2c: {  	s7 =	sld [smem:$0x3FB2]  }
0x2d: {  	s3 =	simm.s32 $0x108;
	s8 =	sld [smem:$0x3FB3]  }
0x2e: {  	s3 =	simm.s32 @!p0 $0x1082;
	s9 =	sld [smem:$0x3FB4]  }
0x2f: {  	lr =	sadd.s32 s0, s3;
	s0 =	sld [smem:$0x3FAB]  }
0x30: {  	s3 =	sld [smem:$0x3FAE]  }
0x31: {  	[smem:$0x3FB7] =	sst s10  }
0x32: {  	s10 =	sld [smem:$0x3FB5];
	_ =	sdelay $0x3  }
0x33: {  	p0 =	seq.s32 s10, $0x1;
	s10 =	sld [smem:$0x3FB7];
	_ =	sdelay $0x3  }
0x34: {  	[smem:$0x3FB7] =	sst s10  }
0x35: {  	s10 =	sld [smem:$0x3FB6];
	_ =	sdelay $0x3  }
0x36: {  	p1 =	seq.s32 s10, $0x1;
	s10 =	sld [smem:$0x3FB7];
	_ =	sdelay $0x3  }
0x37: {  	[smem:$0x3FB7] =	sst s10  }
0x38: {  	s10 =	sld [smem:$0x3FB8]  }
0x39: {  	_ = 	snop;
	(pc) =	sbr.ind lr, $3  }
0x3a: {  	_ = 	snop  }
0x3b: {  	_ = 	snop  }
0x3c: {  	p2 =	seq.s32 s10, $0x1;
	s10 =	sld [smem:$0x3FB7]  }
0x3d: {  	_ =	shalt  }
0x3e: {  	_ =	shalt  }
0x3f: {  	_ =	shalt  }
0x40: {  	_ =	shalt  }
0x41: {  	_ =	shalt  }
0x42: {  	_ =	shalt  }
0x43: {  	_ =	shalt  }
0x44: {  	_ =	shalt  }
0x45: {  	_ =	shalt  }
0x46: {  	_ =	shalt  }
0x47: {  	_ =	shalt  }
0x48: {  	_ =	shalt  }
0x49: {  	_ =	shalt  }
0x4a: {  	_ =	shalt  }
0x4b: {  	_ =	shalt  }
0x4c: {  	_ =	shalt  }
0x4d: {  	_ =	shalt  }
0x4e: {  	_ =	shalt  }
0x4f: {  	_ =	shalt  }
0x50: {  	_ =	shalt  }
0x51: {  	_ =	shalt  }
0x52: {  	_ =	shalt  }
0x53: {  	_ =	shalt  }
0x54: {  	_ =	shalt  }
0x55: {  	_ =	shalt  }
0x56: {  	_ =	shalt  }
0x57: {  	_ =	shalt  }
0x58: {  	_ =	shalt  }
0x59: {  	_ =	shalt  }
0x5a: {  	_ =	shalt  }
0x5b: {  	_ =	shalt  }
0x5c: {  	_ =	shalt  }
0x5d: {  	_ =	shalt  }
0x5e: {  	_ =	shalt  }
0x5f: {  	_ =	shalt  }
0x60: {  	_ =	shalt  }
0x61: {  	_ =	shalt  }
0x62: {  	_ =	shalt  }
0x63: {  	_ =	shalt  }
0x64: {  	_ =	shalt  }
0x65: {  	_ =	shalt  }
0x66: {  	_ =	shalt  }
0x67: {  	_ =	shalt  }
0x68: {  	_ =	shalt  }
0x69: {  	_ =	shalt  }
0x6a: {  	_ =	shalt  }
0x6b: {  	_ =	shalt  }
0x6c: {  	_ =	shalt  }
0x6d: {  	_ =	shalt  }
0x6e: {  	_ =	shalt  }
0x6f: {  	_ =	shalt  }
0x70: {  	_ =	shalt  }
0x71: {  	_ =	shalt  }
0x72: {  	_ =	shalt  }
0x73: {  	_ =	shalt  }
0x74: {  	_ =	shalt  }
0x75: {  	_ =	shalt  }
0x76: {  	_ =	shalt  }
0x77: {  	_ =	shalt  }
0x78: {  	_ =	shalt  }
0x79: {  	_ =	shalt  }
0x7a: {  	_ =	shalt  }
0x7b: {  	_ =	shalt  }
0x7c: {  	_ =	shalt  }
0x7d: {  	_ =	shalt  }
0x7e: {  	_ =	shalt  }
0x7f: {  	_ =	shalt  }
0x80: {  	_ =	shalt  }
0x81: {  	_ =	shalt  }
0x82: {  	_ =	shalt  }
0x83: {  	_ =	shalt  }
0x84: {  	_ =	shalt  }
0x85: {  	_ =	shalt  }
0x86: {  	_ =	shalt  }
0x87: {  	_ =	shalt  }
.Lfunc_end0:
.L_simem_size_0:
called_computation.1_lowered:
.L_overlay_start_0:
0x88: {  	s2 =	sld [smem:$0x3FD9]  }
0x89: {  	s3 =	sld [smem:$0x3FFE];
	_ =	sdelay $0x1  }
0x8a: {  	s1 =	srdreg.scid  }
0x8b: {  	s0 =	sand.u32 $0x1, s1  }
0x8c: {  	s17 =	sshll.u32 s0, $0xA;
	s2 =	sadd.s32 s3, s2  }
0x8d: {  	s2 =	sadd.s32 s2, s17  }
0x8e: {  	[smem:$0x3FC3] =	sst s2  }
0x8f: {  	_ = 	snop  }
0x90: {  	s18 =	sld [smem:$0x3FC8];
	(tm) =	ssettm $0x1  }
0x91: {  	s19 =	sld [smem:$0x3FFB];
	_ =	sdelay $0x3  }
0x92: {  	_ =	strace s19  }
0x93: {  	s2 =	sld [smem:$0x3FFC];
	_ =	sdelay $0x3  }
0x94: {  	_ =	strace s2  }
0x95: {  	s2 =	sld [smem:$0x3FFD];
	_ =	sdelay $0x3  }
0x96: {  	_ =	strace s2  }
0x97: {  	_ =	strace $0x8FFFFFFF  }
0x98: {  	s20 =	sld [smem:$0x3FDB];
	_ =	sdelay $0x1  }
0x99: {  	s4 =	simm.s32 $_scs_section_size  }
0x9a: {  	s5 =	simm.s32 $_size__tile_overlayer_lowered;
	s6 =	simm.s32 $_tile_overlayer_lowered  }
0x9b: {  	s7 =	simm.s32 $0x1BFF;
	s21 =	sshll.u32 s6, $0x1;
	s4 =	sadd.s32 s4, s20  }
0x9c: {  	s22 =	simm.s32 $0x0;
	s5 =	sshll.u32 s5, $0x1;
	s6 =	sadd.s32 s21, s4  }
0x9d: {  	[timem:s22], [sflag:s7] =	dma.local [hbm:s6], s5  }
0x9e: {  	_ =	swait.ge [sflag:s7], s5  }
0x9f: {  	s5 =	ssub.s32 $0x0, s5;
	[sflag:s7] =	ssyncset.done $0x0  }
0xa0: {  	[sflag:s7] =	ssyncadd.s32 s5;
	_ =	sdelay $0x1  }
0xa1: {  	s23 =	simm.s32 $0x1B8B  }
0xa2: {  	_ =	swait.ge [sflag:s23], $0x1  }
0xa3: {  	[sflag:s23] =	ssyncset.done $0x0  }
0xa4: {  	[sflag:s23] =	ssyncadd.s32 $0xFFFFFFFF  }
0xa5: {  	s5 =	sld [smem:$0x0]  }
0xa6: {  	s6 =	sand.u32 $0xFFFFFFFE, s1  }
0xa7: {  	p0 =	sne.s32 s1, s6  }
0xa8: {  	s6 =	sshll.u32 @p0 s6, $0xE  }
0xa9: {  	s6 =	sadd.s32 @p0 $0x11B8D, s6;
	s7 =	sshll.u32 @p0 s5, $0x11  }
0xaa: {  	s6 =	sor.u32 @p0 s7, s6  }
0xab: {  	[sflag:s6] =	ssyncadd.remote.s32 @p0 $0x1;
	_ =	sdelay $0x1  }
0xac: {  	s6 =	simm.s32 @p0 $0x1B8D  }
0xad: {  	_ =	swait.eq @p0 [sflag:s6], $0x1  }
0xae: {  	[sflag:s6] =	ssyncadd.s32 @p0 $0xFFFFFFFF  }
0xaf: {  	s7 =	sshll.u32 @!p0 s1, $0xE  }
0xb0: {  	s7 =	sor.u32 @!p0 $0x4000, s7;
	s6 =	simm.s32 @!p0 $0x1B8D  }
0xb1: {  	s5 =	sshll.u32 @!p0 s5, $0x11;
	s7 =	sadd.s32 @!p0 $0x11B8D, s7;
	_ =	swait.eq @!p0 [sflag:s6], $0x1  }
0xb2: {  	s5 =	sor.u32 @!p0 s5, s7;
	[sflag:s6] =	ssyncadd.s32 @!p0 $0xFFFFFFFF  }
0xb3: {  	s25 =	simm.s32 $0x1B8E;
	s24 =	sld [smem:$0x3FFE];
	[sflag:s5] =	ssyncadd.remote.s32 @!p0 $0x1  }
0xb4: {  	s26 =	simm.s32 $execute0_lowered;
	[smem:$0x3FD2] =	sst s25  }
0xb5: {  	s6 =	sshll.u32 s26, $0x1;
	_ =	strace $0x80000049;
	[dreg:$0x1] =	wrdreg $0xFFFFFFFF  }
0xb6: {  	s28 =	simm.s32 $_size_execute0_lowered;
	s4 =	sadd.s32 s4, s6;
	[dreg:$0x0] =	wrdreg $0x0  }
0xb7: {  	s6 =	sshll.u32 s28, $0x1;
	[dreg:$0x2] =	wrdreg s4  }
0xb8: {  	[dreg:$0x3] =	wrdreg s6  }
0xb9: {  	[dreg:$0x4] =	wrdreg $0xC0  }
0xba: {  	_ =	task [dreg:s22], $0x5FFFF  }
0xbb: {  	[dreg:$0x1] =	wrdreg $0xFFFFFFFF  }
0xbc: {  	[dreg:$0x0] =	wrdreg $0x60  }
0xbd: {  	[dreg:$0x2] =	wrdreg s24  }
0xbe: {  	[dreg:$0x3] =	wrdreg s18  }
0xbf: {  	[dreg:$0x4] =	wrdreg $0xA  }
0xc0: {  	_ =	task.clear_ibuf [dreg:s22], $0x5FFFF;
	_ =	strace $0x90000049  }
0xc1: {  	s29 =	simm.s32 $0xA;
	_ =	strace $0x8000004B  }
0xc2: {  	_ =	swait.ge [sflag:s29], $0x1  }
0xc3: {  	[sflag:s29] =	ssyncadd.s32 $0xFFFFFFFF  }
0xc4: {  	_ =	strace $0x9000004B  }
0xc5: {  	_ =	sfence  }
0xc6: {  	s30 =	sld [smem:$0x0];
	_ =	sdelay $0x2  }
0xc7: {  	s31 =	sshll.u32 s1, $0xD;
	s1 =	sshrl.u32 s1, $0x2  }
0xc8: {  	s4 =	sand.u32 $0x4000, s31;
	s1 =	sadd.s32 s1, s30  }
0xc9: {  	s0 =	sor.u32 s4, s0;
	s1 =	sshll.u32 s1, $0x11  }
0xca: {  	s0 =	sor.u32 s1, s0  }
0xcb: {  	s0 =	sadd.s32 $0x8F2B, s0  }
0xcc: {  	[sflag:s0] =	ssyncadd.remote.s32 $0x1  }
0xcd: {  	_ =	sfence.sel $0xFFFF  }
0xce: {  	[dreg:$0x0] =	wrdreg $0xFFFFFFFF;
	(pc) =	sbr.abs _section_cstart, $3  }
0xcf: {  	[dreg:$0x1] =	wrdreg $0xFFFFFFFF  }
0xd0: {  	_ =	task.clear_ibuf [dreg:s22], $0x2FFFF;
	_ =	strace $0x9FFFFFFF  }
0xd1: {  	(tm) =	ssettm $0x7FFFFFFF  }
tec
execute0_lowered:
.L_overlay_start_1:
0x0: {  	(tag) =	ssettag $0x1  }
0x1: {  	s0 =	srdreg.scid  }
0x2: {  	s2 =	stileid.u32;
	s1 =	sand.u32 $0x1, s0  }
0x3: {  	s24 =	rddreg [dreg:$0x0];
	s3 =	sshll.u32 s2, $0x8;
	s4 =	sshll.u32 s1, $0x7  }
0x4: {  	s2 =	rddreg [dreg:$0x1];
	s30 =	sadd.s32 $0x8800, s24;
	s4 =	sor.u32 s4, s3  }
0x5: {  	s3 =	simm.s32 $0x0;
	s5 =	sshrl.u32 s4, $0x3;
	s31 =	sshll.u32 s4, $0x4  }
0x6: {  	[smem:$0x7FF] =	sst s3;
	s29 =	sadd.s32 s5, s24;
	s4 =	sadd.s32 s30, s31  }
0x7: {  	_ =	strace $0x8000004A;
	s5 =	sadd.s32 $0x3800, s29;
	[dreg:$0x5] =	wrdreg s4  }
0x8: {  	s25 =	sadd.s32 $0x3A00, s29;
	[dreg:$0x3] =	wrdreg s5  }
0x9: {  	[dreg:$0x4] =	wrdreg s25  }
0xa: {  	s4 =	simm.s32 $0x7;
	s6 =	rddreg [dreg:$0x3]  }
0xb: {  	[tilespmem:s3], [sflag:$0x7] =	stream.linear.gather [hbm4b:s6+s3], $0x80, $0x38;
	[tilespmem:$0x8100] =	vst v63  }
0xc: {  	_ =	swait.ge [sflag:s4], $0x80  }
0xd: {  	[sflag:s4] =	ssyncset.done $0x0  }
0xe: {  	s5 =	simm.s32 $0x80;
	s6 =	simm.s32 $0x100;
	[sflag:s4] =	ssyncadd.s32 $0xFFFFFF80  }
0xf: {  	[tilespmem:s6], [sflag:$0x1] =	stream.indirect.gather [hbm4b:s2+s5], $0x80, s3, s5, $0xb8;
	[tilespmem:$0x8100] =	vst v63  }
0x10: {  	s7 =	simm.s32 $0x1;
	s8 =	rddreg [dreg:$0x4]  }
0x11: {  	[tilespmem:s5], [sflag:$0x6] =	stream.linear.gather [hbm4b:s8+s3], $0x80, $0x38;
	[tilespmem:$0x8100] =	vst v63  }
0x12: {  	_ =	swait.ge [sflag:s7], $0x4000  }
0x13: {  	[sflag:s7] =	ssyncset.done $0x0  }
0x14: {  	s26 =	rddreg [dreg:$0x5];
	[sflag:s7] =	ssyncadd.s32 $0xFFFFC000  }
0x15: {  	[hbm4b:s26+s3] =	stream.linear.scatter [tilespmem:s6], [sflag:$0x3], $0x4000, $0x38;
	[tilespmem:$0x8100] =	vst v63  }
0x16: {  	s9 =	simm.s32 $0x6;
	s8 =	sadd.s32 $0x3C00, s29  }
0x17: {  	[tilespmem:s3], [sflag:$0x5] =	stream.linear.gather [hbm4b:s8+s3], $0x80, $0x38;
	[tilespmem:$0x8100] =	vst v63  }
0x18: {  	_ =	swait.ge [sflag:s9], $0x80  }
0x19: {  	[sflag:s9] =	ssyncset.done $0x0  }
0x1a: {  	s10 =	simm.s32 $0x4100;
	s11 =	simm.s32 $0x2;
	[sflag:s9] =	ssyncadd.s32 $0xFFFFFF80  }
0x1b: {  	[tilespmem:s10], [sflag:$0x2] =	stream.indirect.gather [hbm4b:s2+s5], $0x80, s5, s5, $0xb8;
	[tilespmem:$0x8100] =	vst v63  }
0x1c: {  	_ =	swait.ge [sflag:s11], $0x4000  }
0x1d: {  	s0 =	sadd.s32 $0x18800, s24;
	[sflag:s11] =	ssyncset.done $0x0  }
0x1e: {  	s12 =	sadd.s32 s31, s0;
	[sflag:s11] =	ssyncadd.s32 $0xFFFFC000  }
0x1f: {  	[hbm4b:s12+s3] =	stream.linear.scatter [tilespmem:s10], [sflag:$0x4], $0x4000, $0x38;
	[tilespmem:$0x8100] =	vst v63  }
0x20: {  	s14 =	simm.s32 $0x3;
	s13 =	sadd.s32 $0x3E00, s29  }
0x21: {  	[tilespmem:s5], [sflag:$0x6] =	stream.linear.gather [hbm4b:s13+s3], $0x80, $0x38;
	[tilespmem:$0x8100] =	vst v63  }
0x22: {  	_ =	swait.ge [sflag:s14], $0x4000  }
0x23: {  	[sflag:s14] =	ssyncset.done $0x0  }
0x24: {  	s15 =	simm.s32 $0x5;
	[sflag:s14] =	ssyncadd.s32 $0xFFFFC000  }
0x25: {  	_ =	swait.ge [sflag:s15], $0x80  }
0x26: {  	[sflag:s15] =	ssyncset.done $0x0  }
0x27: {  	[sflag:s15] =	ssyncadd.s32 $0xFFFFFF80  }
0x28: {  	[tilespmem:s6], [sflag:$0x1] =	stream.indirect.gather [hbm4b:s2+s5], $0x80, s3, s5, $0xb8;
	[tilespmem:$0x8100] =	vst v63  }
0x29: {  	_ =	swait.ge [sflag:s7], $0x4000  }
0x2a: {  	s19 =	sor.u32 $0x20000, s31;
	[sflag:s7] =	ssyncset.done $0x0  }
0x2b: {  	s16 =	sadd.s32 s30, s19;
	[sflag:s7] =	ssyncadd.s32 $0xFFFFC000  }
0x2c: {  	[hbm4b:s16+s3] =	stream.linear.scatter [tilespmem:s6], [sflag:$0x3], $0x4000, $0x38;
	[tilespmem:$0x8100] =	vst v63  }
0x2d: {  	s17 =	simm.s32 $0x4;
	s18 =	sadd.s32 $0x4000, s29  }
0x2e: {  	[tilespmem:s3], [sflag:$0x5] =	stream.linear.gather [hbm4b:s18+s3], $0x80, $0x38;
	[tilespmem:$0x8100] =	vst v63  }
0x2f: {  	_ =	swait.ge [sflag:s17], $0x4000  }
0x30: {  	[sflag:s17] =	ssyncset.done $0x0  }
0x31: {  	[sflag:s17] =	ssyncadd.s32 $0xFFFFC000  }
0x32: {  	_ =	swait.ge [sflag:s9], $0x80  }
0x33: {  	[sflag:s9] =	ssyncset.done $0x0  }
0x34: {  	[sflag:s9] =	ssyncadd.s32 $0xFFFFFF80  }
0x35: {  	[tilespmem:s10], [sflag:$0x2] =	stream.indirect.gather [hbm4b:s2+s5], $0x80, s5, s5, $0xb8;
	[tilespmem:$0x8100] =	vst v63  }
0x36: {  	_ =	swait.ge [sflag:s11], $0x4000  }
0x37: {  	[sflag:s11] =	ssyncset.done $0x0  }
0x38: {  	s19 =	sadd.s32 s19, s0;
	[sflag:s11] =	ssyncadd.s32 $0xFFFFC000  }
0x39: {  	[hbm4b:s19+s3] =	stream.linear.scatter [tilespmem:s10], [sflag:$0x4], $0x4000, $0x38;
	[tilespmem:$0x8100] =	vst v63  }
0x3a: {  	s20 =	sadd.s32 $0x4200, s29  }
0x3b: {  	[tilespmem:s5], [sflag:$0x6] =	stream.linear.gather [hbm4b:s20+s3], $0x80, $0x38;
	[tilespmem:$0x8100] =	vst v63  }
0x3c: {  	_ =	swait.ge [sflag:s14], $0x4000  }
0x3d: {  	[sflag:s14] =	ssyncset.done $0x0  }
0x3e: {  	[sflag:s14] =	ssyncadd.s32 $0xFFFFC000  }
0x3f: {  	_ =	swait.ge [sflag:s15], $0x80  }
0x40: {  	[sflag:s15] =	ssyncset.done $0x0  }
0x41: {  	[sflag:s15] =	ssyncadd.s32 $0xFFFFFF80  }
0x42: {  	[tilespmem:s6], [sflag:$0x1] =	stream.indirect.gather [hbm4b:s2+s5], $0x80, s3, s5, $0xb8;
	[tilespmem:$0x8100] =	vst v63  }
0x43: {  	_ =	swait.ge [sflag:s7], $0x4000  }
0x44: {  	s23 =	sor.u32 $0x40000, s31;
	[sflag:s7] =	ssyncset.done $0x0  }
0x45: {  	s21 =	sadd.s32 s30, s23;
	[sflag:s7] =	ssyncadd.s32 $0xFFFFC000  }
0x46: {  	[hbm4b:s21+s3] =	stream.linear.scatter [tilespmem:s6], [sflag:$0x3], $0x4000, $0x38;
	[tilespmem:$0x8100] =	vst v63  }
0x47: {  	s22 =	sadd.s32 $0x4400, s29  }
0x48: {  	[tilespmem:s3], [sflag:$0x5] =	stream.linear.gather [hbm4b:s22+s3], $0x80, $0x38;
	[tilespmem:$0x8100] =	vst v63  }
0x49: {  	_ =	swait.ge [sflag:s17], $0x4000  }
0x4a: {  	[sflag:s17] =	ssyncset.done $0x0  }
0x4b: {  	[sflag:s17] =	ssyncadd.s32 $0xFFFFC000  }
0x4c: {  	_ =	swait.ge [sflag:s9], $0x80  }
0x4d: {  	[sflag:s9] =	ssyncset.done $0x0  }
0x4e: {  	[sflag:s9] =	ssyncadd.s32 $0xFFFFFF80  }
0x4f: {  	[tilespmem:s10], [sflag:$0x2] =	stream.indirect.gather [hbm4b:s2+s5], $0x80, s5, s5, $0xb8;
	[tilespmem:$0x8100] =	vst v63  }
0x50: {  	_ =	swait.ge [sflag:s11], $0x4000  }
0x51: {  	[sflag:s11] =	ssyncset.done $0x0  }
0x52: {  	s23 =	sadd.s32 s23, s0;
	[sflag:s11] =	ssyncadd.s32 $0xFFFFC000  }
0x53: {  	[hbm4b:s23+s3] =	stream.linear.scatter [tilespmem:s10], [sflag:$0x4], $0x4000, $0x38;
	[tilespmem:$0x8100] =	vst v63  }
0x54: {  	s24 =	sadd.s32 $0x4600, s29  }
0x55: {  	[tilespmem:s5], [sflag:$0x6] =	stream.linear.gather [hbm4b:s24+s3], $0x80, $0x38;
	[tilespmem:$0x8100] =	vst v63  }
0x56: {  	_ =	swait.ge [sflag:s14], $0x4000  }
0x57: {  	[sflag:s14] =	ssyncset.done $0x0  }
0x58: {  	[sflag:s14] =	ssyncadd.s32 $0xFFFFC000  }
0x59: {  	_ =	swait.ge [sflag:s15], $0x80  }
0x5a: {  	[sflag:s15] =	ssyncset.done $0x0  }
0x5b: {  	[sflag:s15] =	ssyncadd.s32 $0xFFFFFF80  }
0x5c: {  	[tilespmem:s6], [sflag:$0x1] =	stream.indirect.gather [hbm4b:s2+s5], $0x80, s3, s5, $0xb8;
	[tilespmem:$0x8100] =	vst v63  }
0x5d: {  	_ =	swait.ge [sflag:s7], $0x4000  }
0x5e: {  	s28 =	sor.u32 $0x60000, s31;
	[sflag:s7] =	ssyncset.done $0x0  }
0x5f: {  	s25 =	sadd.s32 s30, s28;
	[sflag:s7] =	ssyncadd.s32 $0xFFFFC000  }
0x60: {  	[hbm4b:s25+s3] =	stream.linear.scatter [tilespmem:s6], [sflag:$0x3], $0x4000, $0x38;
	[tilespmem:$0x8100] =	vst v63  }
0x61: {  	s26 =	sadd.s32 $0x4800, s29  }
0x62: {  	[tilespmem:s3], [sflag:$0x5] =	stream.linear.gather [hbm4b:s26+s3], $0x80, $0x38;
	[tilespmem:$0x8100] =	vst v63  }
0x63: {  	_ =	swait.ge [sflag:s17], $0x4000  }
0x64: {  	[sflag:s17] =	ssyncset.done $0x0  }
0x65: {  	[sflag:s17] =	ssyncadd.s32 $0xFFFFC000  }
0x66: {  	_ =	swait.ge [sflag:s9], $0x80  }
0x67: {  	[sflag:s9] =	ssyncset.done $0x0  }
0x68: {  	[sflag:s9] =	ssyncadd.s32 $0xFFFFFF80  }
0x69: {  	[tilespmem:s10], [sflag:$0x2] =	stream.indirect.gather [hbm4b:s2+s5], $0x80, s5, s5, $0xb8;
	[tilespmem:$0x8100] =	vst v63  }
0x6a: {  	_ =	swait.ge [sflag:s11], $0x4000  }
0x6b: {  	[sflag:s11] =	ssyncset.done $0x0  }
0x6c: {  	s28 =	sadd.s32 s28, s0;
	[sflag:s11] =	ssyncadd.s32 $0xFFFFC000  }
0x6d: {  	[hbm4b:s28+s3] =	stream.linear.scatter [tilespmem:s10], [sflag:$0x4], $0x4000, $0x38;
	[tilespmem:$0x8100] =	vst v63  }
0x6e: {  	s29 =	sadd.s32 $0x4A00, s29  }
0x6f: {  	[tilespmem:s5], [sflag:$0x6] =	stream.linear.gather [hbm4b:s29+s3], $0x80, $0x38;
	[tilespmem:$0x8100] =	vst v63  }
0x70: {  	_ =	swait.ge [sflag:s14], $0x4000  }
0x71: {  	[sflag:s14] =	ssyncset.done $0x0  }
0x72: {  	[sflag:s14] =	ssyncadd.s32 $0xFFFFC000  }
0x73: {  	_ =	swait.ge [sflag:s15], $0x80  }
0x74: {  	[sflag:s15] =	ssyncset.done $0x0  }
0x75: {  	[sflag:s15] =	ssyncadd.s32 $0xFFFFFF80  }
0x76: {  	[tilespmem:s6], [sflag:$0x1] =	stream.indirect.gather [hbm4b:s2+s5], $0x80, s3, s5, $0xb8;
	[tilespmem:$0x8100] =	vst v63  }
0x77: {  	_ =	swait.ge [sflag:s7], $0x4000  }
0x78: {  	s31 =	sor.u32 $0x80000, s31;
	[sflag:s7] =	ssyncset.done $0x0  }
0x79: {  	s30 =	sadd.s32 s30, s31;
	[sflag:s7] =	ssyncadd.s32 $0xFFFFC000  }
0x7a: {  	[hbm4b:s30+s3] =	stream.linear.scatter [tilespmem:s6], [sflag:$0x3], $0x4000, $0x38;
	[tilespmem:$0x8100] =	vst v63  }
0x7b: {  	_ =	swait.ge [sflag:s17], $0x4000  }
0x7c: {  	[sflag:s17] =	ssyncset.done $0x0  }
0x7d: {  	[sflag:s17] =	ssyncadd.s32 $0xFFFFC000  }
0x7e: {  	_ =	swait.ge [sflag:s9], $0x80  }
0x7f: {  	s31 =	sadd.s32 s31, s0;
	s0 =	ssub.s32 $0x2, s1;
	[sflag:s9] =	ssyncset.done $0x0  }
0x80: {  	s1 =	sshrl.u32 s0, $0x1;
	[sflag:s9] =	ssyncadd.s32 $0xFFFFFF80  }
0x81: {  	[tilespmem:s10], [sflag:$0x2] =	stream.indirect.gather [hbm4b:s2+s5], $0x80, s5, s5, $0xb8;
	[tilespmem:$0x8100] =	vst v63  }
0x82: {  	s0 =	ssub.s32 s0, s1;
	_ =	swait.ge [sflag:s11], $0x4000  }
0x83: {  	s0 =	smax.u32 s0, $0x1;
	[sflag:s11] =	ssyncset.done $0x0  }
0x84: {  	p0 =	sne.s32 s0, $0x1;
	[sflag:s11] =	ssyncadd.s32 $0xFFFFC000  }
0x85: {  	[hbm4b:s31+s3] =	stream.linear.scatter [tilespmem:s10], [sflag:$0x4], $0x4000, $0x38;
	[tilespmem:$0x8100] =	vst v63  }
.Ltmp0:
0x86: {  	_ =	swait.ge [sflag:s14], $0x4000;
	(pc) =	sbr.rel @!p0 .LBB2_2-.Ltmp0, $4  }
0x87: {  	[sflag:s14] =	ssyncset.done $0x0  }
0x88: {  	[sflag:s14] =	ssyncadd.s32 $0xFFFFC000  }
0x89: {  	_ =	swait.ge [sflag:s17], $0x4000  }
0x8a: {  	s1 =	sadd.s32 $0xFFFFFFFF, s0;
	[sflag:s17] =	ssyncset.done $0x0  }
.LBB2_1:
0x8b: {  	s0 =	rddreg [dreg:$0x3];
	[sflag:s17] =	ssyncadd.s32 $0xFFFFC000  }
0x8c: {  	[tilespmem:s3], [sflag:$0x7] =	stream.linear.gather [hbm4b:s0+s3], $0x80, $0x38;
	[tilespmem:$0x8100] =	vst v63  }
0x8d: {  	_ =	swait.ge [sflag:s4], $0x80  }
0x8e: {  	[sflag:s4] =	ssyncset.done $0x0  }
0x8f: {  	[sflag:s4] =	ssyncadd.s32 $0xFFFFFF80  }
0x90: {  	[tilespmem:s6], [sflag:$0x1] =	stream.indirect.gather [hbm4b:s2+s5], $0x80, s3, s5, $0xb8;
	[tilespmem:$0x8100] =	vst v63  }
0x91: {  	s0 =	rddreg [dreg:$0x4]  }
0x92: {  	[tilespmem:s5], [sflag:$0x6] =	stream.linear.gather [hbm4b:s0+s3], $0x80, $0x38;
	[tilespmem:$0x8100] =	vst v63  }
0x93: {  	_ =	swait.ge [sflag:s7], $0x4000  }
0x94: {  	[sflag:s7] =	ssyncset.done $0x0  }
0x95: {  	s0 =	rddreg [dreg:$0x5];
	[sflag:s7] =	ssyncadd.s32 $0xFFFFC000  }
0x96: {  	[hbm4b:s0+s3] =	stream.linear.scatter [tilespmem:s6], [sflag:$0x3], $0x4000, $0x38;
	[tilespmem:$0x8100] =	vst v63  }
0x97: {  	_ = 	snop  }
0x98: {  	[tilespmem:s3], [sflag:$0x5] =	stream.linear.gather [hbm4b:s8+s3], $0x80, $0x38;
	[tilespmem:$0x8100] =	vst v63  }
0x99: {  	_ =	swait.ge [sflag:s9], $0x80  }
0x9a: {  	[sflag:s9] =	ssyncset.done $0x0  }
0x9b: {  	[sflag:s9] =	ssyncadd.s32 $0xFFFFFF80  }
0x9c: {  	[tilespmem:s10], [sflag:$0x2] =	stream.indirect.gather [hbm4b:s2+s5], $0x80, s5, s5, $0xb8;
	[tilespmem:$0x8100] =	vst v63  }
0x9d: {  	_ =	swait.ge [sflag:s11], $0x4000  }
0x9e: {  	[sflag:s11] =	ssyncset.done $0x0  }
0x9f: {  	[sflag:s11] =	ssyncadd.s32 $0xFFFFC000  }
0xa0: {  	[hbm4b:s12+s3] =	stream.linear.scatter [tilespmem:s10], [sflag:$0x4], $0x4000, $0x38;
	[tilespmem:$0x8100] =	vst v63  }
0xa1: {  	_ = 	snop  }
0xa2: {  	[tilespmem:s5], [sflag:$0x6] =	stream.linear.gather [hbm4b:s13+s3], $0x80, $0x38;
	[tilespmem:$0x8100] =	vst v63  }
0xa3: {  	_ =	swait.ge [sflag:s14], $0x4000  }
0xa4: {  	[sflag:s14] =	ssyncset.done $0x0  }
0xa5: {  	[sflag:s14] =	ssyncadd.s32 $0xFFFFC000  }
0xa6: {  	_ =	swait.ge [sflag:s15], $0x80  }
0xa7: {  	[sflag:s15] =	ssyncset.done $0x0  }
0xa8: {  	[sflag:s15] =	ssyncadd.s32 $0xFFFFFF80  }
0xa9: {  	[tilespmem:s6], [sflag:$0x1] =	stream.indirect.gather [hbm4b:s2+s5], $0x80, s3, s5, $0xb8;
	[tilespmem:$0x8100] =	vst v63  }
0xaa: {  	_ =	swait.ge [sflag:s7], $0x4000  }
0xab: {  	[sflag:s7] =	ssyncset.done $0x0  }
0xac: {  	[sflag:s7] =	ssyncadd.s32 $0xFFFFC000  }
0xad: {  	[hbm4b:s16+s3] =	stream.linear.scatter [tilespmem:s6], [sflag:$0x3], $0x4000, $0x38;
	[tilespmem:$0x8100] =	vst v63  }
0xae: {  	_ = 	snop  }
0xaf: {  	[tilespmem:s3], [sflag:$0x5] =	stream.linear.gather [hbm4b:s18+s3], $0x80, $0x38;
	[tilespmem:$0x8100] =	vst v63  }
0xb0: {  	_ =	swait.ge [sflag:s17], $0x4000  }
0xb1: {  	[sflag:s17] =	ssyncset.done $0x0  }
0xb2: {  	[sflag:s17] =	ssyncadd.s32 $0xFFFFC000  }
0xb3: {  	_ =	swait.ge [sflag:s9], $0x80  }
0xb4: {  	[sflag:s9] =	ssyncset.done $0x0  }
0xb5: {  	[sflag:s9] =	ssyncadd.s32 $0xFFFFFF80  }
0xb6: {  	[tilespmem:s10], [sflag:$0x2] =	stream.indirect.gather [hbm4b:s2+s5], $0x80, s5, s5, $0xb8;
	[tilespmem:$0x8100] =	vst v63  }
0xb7: {  	_ =	swait.ge [sflag:s11], $0x4000  }
0xb8: {  	[sflag:s11] =	ssyncset.done $0x0  }
0xb9: {  	[sflag:s11] =	ssyncadd.s32 $0xFFFFC000  }
0xba: {  	[hbm4b:s19+s3] =	stream.linear.scatter [tilespmem:s10], [sflag:$0x4], $0x4000, $0x38;
	[tilespmem:$0x8100] =	vst v63  }
0xbb: {  	_ = 	snop  }
0xbc: {  	[tilespmem:s5], [sflag:$0x6] =	stream.linear.gather [hbm4b:s20+s3], $0x80, $0x38;
	[tilespmem:$0x8100] =	vst v63  }
0xbd: {  	_ =	swait.ge [sflag:s14], $0x4000  }
0xbe: {  	[sflag:s14] =	ssyncset.done $0x0  }
0xbf: {  	[sflag:s14] =	ssyncadd.s32 $0xFFFFC000  }
0xc0: {  	_ =	swait.ge [sflag:s15], $0x80  }
0xc1: {  	[sflag:s15] =	ssyncset.done $0x0  }
0xc2: {  	[sflag:s15] =	ssyncadd.s32 $0xFFFFFF80  }
0xc3: {  	[tilespmem:s6], [sflag:$0x1] =	stream.indirect.gather [hbm4b:s2+s5], $0x80, s3, s5, $0xb8;
	[tilespmem:$0x8100] =	vst v63  }
0xc4: {  	_ =	swait.ge [sflag:s7], $0x4000  }
0xc5: {  	[sflag:s7] =	ssyncset.done $0x0  }
0xc6: {  	[sflag:s7] =	ssyncadd.s32 $0xFFFFC000  }
0xc7: {  	[hbm4b:s21+s3] =	stream.linear.scatter [tilespmem:s6], [sflag:$0x3], $0x4000, $0x38;
	[tilespmem:$0x8100] =	vst v63  }
0xc8: {  	_ = 	snop  }
0xc9: {  	[tilespmem:s3], [sflag:$0x5] =	stream.linear.gather [hbm4b:s22+s3], $0x80, $0x38;
	[tilespmem:$0x8100] =	vst v63  }
0xca: {  	_ =	swait.ge [sflag:s17], $0x4000  }
0xcb: {  	[sflag:s17] =	ssyncset.done $0x0  }
0xcc: {  	[sflag:s17] =	ssyncadd.s32 $0xFFFFC000  }
0xcd: {  	_ =	swait.ge [sflag:s9], $0x80  }
0xce: {  	[sflag:s9] =	ssyncset.done $0x0  }
0xcf: {  	[sflag:s9] =	ssyncadd.s32 $0xFFFFFF80  }
0xd0: {  	[tilespmem:s10], [sflag:$0x2] =	stream.indirect.gather [hbm4b:s2+s5], $0x80, s5, s5, $0xb8;
	[tilespmem:$0x8100] =	vst v63  }
0xd1: {  	_ =	swait.ge [sflag:s11], $0x4000  }
0xd2: {  	[sflag:s11] =	ssyncset.done $0x0  }
0xd3: {  	[sflag:s11] =	ssyncadd.s32 $0xFFFFC000  }
0xd4: {  	[hbm4b:s23+s3] =	stream.linear.scatter [tilespmem:s10], [sflag:$0x4], $0x4000, $0x38;
	[tilespmem:$0x8100] =	vst v63  }
0xd5: {  	_ = 	snop  }
0xd6: {  	[tilespmem:s5], [sflag:$0x6] =	stream.linear.gather [hbm4b:s24+s3], $0x80, $0x38;
	[tilespmem:$0x8100] =	vst v63  }
0xd7: {  	_ =	swait.ge [sflag:s14], $0x4000  }
0xd8: {  	[sflag:s14] =	ssyncset.done $0x0  }
0xd9: {  	[sflag:s14] =	ssyncadd.s32 $0xFFFFC000  }
0xda: {  	_ =	swait.ge [sflag:s15], $0x80  }
0xdb: {  	[sflag:s15] =	ssyncset.done $0x0  }
0xdc: {  	[sflag:s15] =	ssyncadd.s32 $0xFFFFFF80  }
0xdd: {  	[tilespmem:s6], [sflag:$0x1] =	stream.indirect.gather [hbm4b:s2+s5], $0x80, s3, s5, $0xb8;
	[tilespmem:$0x8100] =	vst v63  }
0xde: {  	_ =	swait.ge [sflag:s7], $0x4000  }
0xdf: {  	[sflag:s7] =	ssyncset.done $0x0  }
0xe0: {  	[sflag:s7] =	ssyncadd.s32 $0xFFFFC000  }
0xe1: {  	[hbm4b:s25+s3] =	stream.linear.scatter [tilespmem:s6], [sflag:$0x3], $0x4000, $0x38;
	[tilespmem:$0x8100] =	vst v63  }
0xe2: {  	_ = 	snop  }
0xe3: {  	[tilespmem:s3], [sflag:$0x5] =	stream.linear.gather [hbm4b:s26+s3], $0x80, $0x38;
	[tilespmem:$0x8100] =	vst v63  }
0xe4: {  	_ =	swait.ge [sflag:s17], $0x4000  }
0xe5: {  	[sflag:s17] =	ssyncset.done $0x0  }
0xe6: {  	[sflag:s17] =	ssyncadd.s32 $0xFFFFC000  }
0xe7: {  	_ =	swait.ge [sflag:s9], $0x80  }
0xe8: {  	[sflag:s9] =	ssyncset.done $0x0  }
0xe9: {  	[sflag:s9] =	ssyncadd.s32 $0xFFFFFF80  }
0xea: {  	[tilespmem:s10], [sflag:$0x2] =	stream.indirect.gather [hbm4b:s2+s5], $0x80, s5, s5, $0xb8;
	[tilespmem:$0x8100] =	vst v63  }
0xeb: {  	_ =	swait.ge [sflag:s11], $0x4000  }
0xec: {  	[sflag:s11] =	ssyncset.done $0x0  }
0xed: {  	[sflag:s11] =	ssyncadd.s32 $0xFFFFC000  }
0xee: {  	[hbm4b:s28+s3] =	stream.linear.scatter [tilespmem:s10], [sflag:$0x4], $0x4000, $0x38;
	[tilespmem:$0x8100] =	vst v63  }
0xef: {  	_ = 	snop  }
0xf0: {  	[tilespmem:s5], [sflag:$0x6] =	stream.linear.gather [hbm4b:s29+s3], $0x80, $0x38;
	[tilespmem:$0x8100] =	vst v63  }
0xf1: {  	_ =	swait.ge [sflag:s14], $0x4000  }
0xf2: {  	[sflag:s14] =	ssyncset.done $0x0  }
0xf3: {  	[sflag:s14] =	ssyncadd.s32 $0xFFFFC000  }
0xf4: {  	_ =	swait.ge [sflag:s15], $0x80  }
0xf5: {  	[sflag:s15] =	ssyncset.done $0x0  }
0xf6: {  	[sflag:s15] =	ssyncadd.s32 $0xFFFFFF80  }
0xf7: {  	[tilespmem:s6], [sflag:$0x1] =	stream.indirect.gather [hbm4b:s2+s5], $0x80, s3, s5, $0xb8;
	[tilespmem:$0x8100] =	vst v63  }
0xf8: {  	_ =	swait.ge [sflag:s7], $0x4000  }
0xf9: {  	[sflag:s7] =	ssyncset.done $0x0  }
0xfa: {  	[sflag:s7] =	ssyncadd.s32 $0xFFFFC000  }
0xfb: {  	[hbm4b:s30+s3] =	stream.linear.scatter [tilespmem:s6], [sflag:$0x3], $0x4000, $0x38;
	[tilespmem:$0x8100] =	vst v63  }
0xfc: {  	_ =	swait.ge [sflag:s17], $0x4000  }
0xfd: {  	[sflag:s17] =	ssyncset.done $0x0  }
0xfe: {  	[sflag:s17] =	ssyncadd.s32 $0xFFFFC000  }
0xff: {  	_ =	swait.ge [sflag:s9], $0x80  }
0x100: {  	[sflag:s9] =	ssyncset.done $0x0  }
0x101: {  	[sflag:s9] =	ssyncadd.s32 $0xFFFFFF80  }
0x102: {  	[tilespmem:s10], [sflag:$0x2] =	stream.indirect.gather [hbm4b:s2+s5], $0x80, s5, s5, $0xb8;
	[tilespmem:$0x8100] =	vst v63  }
0x103: {  	_ =	swait.ge [sflag:s11], $0x4000  }
0x104: {  	[sflag:s11] =	ssyncset.done $0x0  }
0x105: {  	p0 =	sne.s32 s1, $0x1;
	[sflag:s11] =	ssyncadd.s32 $0xFFFFC000  }
0x106: {  	[hbm4b:s31+s3] =	stream.linear.scatter [tilespmem:s10], [sflag:$0x4], $0x4000, $0x38;
	[tilespmem:$0x8100] =	vst v63  }
.Ltmp1:
0x107: {  	_ =	swait.ge [sflag:s14], $0x4000;
	(pc) =	sbr.rel @p0 .LBB2_1-.Ltmp1, $4  }
0x108: {  	[sflag:s14] =	ssyncset.done $0x0  }
0x109: {  	[sflag:s14] =	ssyncadd.s32 $0xFFFFC000  }
0x10a: {  	_ =	swait.ge [sflag:s17], $0x4000  }
0x10b: {  	s1 =	sadd.s32 $0xFFFFFFFF, s1;
	[sflag:s17] =	ssyncset.done $0x0  }
.LBB2_2:
0x10c: {  	[sflag:s17] =	ssyncadd.s32 $0xFFFFC000  }
0x10d: {  	_ =	sfence.sel $0x180000  }
0x10e: {  	[bflag:$0x0] =	sbarrier.arrive $0xFFFF  }
0x10f: {  	_ =	strace $0x9000004A  }
0x110: {  	s0 =	stileid.u32;
	[bflag:$0x2] =	sbarrier.arrive $0xFFFF  }
0x111: {  	p0 =	sne.s32 s0, $0x0;
	s0 =	rddreg [dreg:$0x2]  }
0x112: {  	s0 =	sadd.s32 @!p0 $0x100000, s0  }
0x113: {  	[sflag:s0] =	ssyncadd.tile.s32 @!p0 $0x1;
	_ =	shalt  }
.Lfunc_end2:
_tile_overlayer_lowered:
.L_overlay_start_2:
0x114: {  	(tag) =	ssettag $0x2  }
0x115: {  	s0 =	rddreg [dreg:$0x0];
	s2 =	stileid.u32  }
0x116: {  	s1 =	rddreg [dreg:$0x1];
	p0 =	sne.s32 s2, $0x0  }
0x117: {  	s3 =	rddreg [dreg:$0x2];
	[bflag:$0x3] =	sbarrier.arrive $0xFFFF;
	s2 =	simm.s32 @!p0 $0x1C07  }
0x118: {  	[timem:s3], [sflag:s2] =	dma.local @!p0 [hbm:s0], s1  }
0x119: {  	s0 =	simm.s32 @!p0 $0x7  }
0x11a: {  	_ =	swait.ge @!p0 [sflag:s0], s1  }
0x11b: {  	s1 =	ssub.s32 @!p0 $0x0, s1;
	[sflag:s0] =	ssyncset.done @!p0 $0x0  }
0x11c: {  	[sflag:s0] =	ssyncadd.s32 @!p0 s1  }
0x11d: {  	[bflag:$0x3] =	sbarrier.arrive $0xFFFF  }
0x11e: {  	_ =	shalt  }

// kernel: kernel.18.cloned.1.call-start
scs
__scs_entry_jumppad:
0x0: {  	(pc) =	sbr.rel $0x88, $3  }
0x1: {  	(tag) =	ssettag $0x0;
	lr =	simm.s32 $0x1  }
0x2: {  	[smem:$0x3F9C] =	sst lr;
	_ =	strace $0xD0000000  }
0x3: {  	_ = 	snop  }
0x4: {  	_ = 	snop  }
0x5: {  	_ = 	snop  }
0x6: {  	_ = 	snop  }
0x7: {  	_ = 	snop  }
__scs_overlays_trampoline_lowered:
0x8: {  	[smem:$0x3FAB] =	sst s0  }
0x9: {  	[smem:$0x3FAC] =	sst s1  }
0xa: {  	[smem:$0x3FAD] =	sst s2  }
0xb: {  	[smem:$0x3FAE] =	sst s3  }
0xc: {  	[smem:$0x3FAF] =	sst s4  }
0xd: {  	[smem:$0x3FB0] =	sst s5  }
0xe: {  	[smem:$0x3FB1] =	sst s6  }
0xf: {  	[smem:$0x3FB2] =	sst s7  }
0x10: {  	[smem:$0x3FB3] =	sst s8  }
0x11: {  	[smem:$0x3FB4] =	sst s9;
	s0 =	simm.s32 @!p0 $0x0  }
0x12: {  	s1 =	sld [smem:$0x3F9A];
	s0 =	simm.s32 @p0 $0x1  }
0x13: {  	[smem:$0x3FB5] =	sst s0;
	s0 =	simm.s32 @!p1 $0x0  }
0x14: {  	s2 =	sld [smem:$0x3F99];
	s0 =	simm.s32 @p1 $0x1  }
0x15: {  	[smem:$0x3FB6] =	sst s0;
	s0 =	simm.s32 @!p2 $0x0  }
0x16: {  	s3 =	sld [smem:$0x3FDB];
	s0 =	simm.s32 @p2 $0x1  }
0x17: {  	s4 =	simm.s32 $0x1BF5;
	[smem:$0x3FB8] =	sst s0  }
0x18: {  	s0 =	sld [smem:$0x3F9B];
	_ =	swait.ge [sflag:s4], $0x0  }
0x19: {  	s7 =	sld [smem:$0x3F9C]  }
0x1a: {  	s8 =	sadd.s32 $0xFFFFE003, lr  }
0x1b: {  	s9 =	sadd.s32 $0xFFFFFEF7, lr;
	s5 =	simm.s32 $0xFFFFFFFF;
	p2 =	slt.u32 s8, $0xFFFFF086  }
0x1c: {  	p1 =	slt.u32 s9, $0xF7A;
	s5 =	simm.s32 @!p2 $0x0  }
0x1d: {  	s5 =	simm.s32 @p1 $0x1;
	p0 =	seq.s32 s7, s2  }
0x1e: {  	s7 =	smul.u32 @!p0 $0xF7A, s2;
	p2 =	seq.s32 @!p0 s5, $0x0  }
0x1f: {  	s9 =	smul.u32 $0xF7A, s1;
	s8 =	simm.s32 @!p0 $0x1BF5;
	p2 =	por !p2, p0  }
0x20: {  	[sflag:s8] =	ssyncset.s32 @!p0 $0xFFFFF086;
	s6 =	sadd.s32 @!p0 s3, s7;
	s7 =	simm.s32 @!p0 $0x108  }
0x21: {  	s3 =	sadd.s32 s3, s9;
	s6 =	sadd.s32 @!p0 $0x88, s6;
	s7 =	simm.s32 @p2 $0x1082  }
0x22: {  	[simem:s7], [sflag:s8] =	dma.local @!p0 [hbm:s6], $0xF7A  }
0x23: {  	s9 =	sor.u32 $0xD0000000, s2;
	s6 =	simm.s32 $0x108;
	_ =	swait.ge @!p0 [sflag:s8], $0x0  }
0x24: {  	s3 =	sadd.s32 $0x88, s3;
	s6 =	simm.s32 @!p1 $0x1082;
	[sflag:s4] =	ssyncset.s32 $0xFFFFF086  }
0x25: {  	[simem:s6], [sflag:s4] =	dma.local [hbm:s3], $0xF7A  }
0x26: {  	[smem:$0x3F9C] =	sst s1;
	(tag) =	ssettag s2;
	_ =	strace s9  }
0x27: {  	s1 =	sld [smem:$0x3FAC]  }
0x28: {  	s2 =	sld [smem:$0x3FAD]  }
0x29: {  	s4 =	sld [smem:$0x3FAF]  }
0x2a: {  	p0 =	seq.s32 s5, $0x0;
	s5 =	sld [smem:$0x3FB0]  }
0x2b: {  	s6 =	sld [smem:$0x3FB1]  }
0x2c: {  	s7 =	sld [smem:$0x3FB2]  }
0x2d: {  	s3 =	simm.s32 $0x108;
	s8 =	sld [smem:$0x3FB3]  }
0x2e: {  	s3 =	simm.s32 @!p0 $0x1082;
	s9 =	sld [smem:$0x3FB4]  }
0x2f: {  	lr =	sadd.s32 s0, s3;
	s0 =	sld [smem:$0x3FAB]  }
0x30: {  	s3 =	sld [smem:$0x3FAE]  }
0x31: {  	[smem:$0x3FB7] =	sst s10  }
0x32: {  	s10 =	sld [smem:$0x3FB5];
	_ =	sdelay $0x3  }
0x33: {  	p0 =	seq.s32 s10, $0x1;
	s10 =	sld [smem:$0x3FB7];
	_ =	sdelay $0x3  }
0x34: {  	[smem:$0x3FB7] =	sst s10  }
0x35: {  	s10 =	sld [smem:$0x3FB6];
	_ =	sdelay $0x3  }
0x36: {  	p1 =	seq.s32 s10, $0x1;
	s10 =	sld [smem:$0x3FB7];
	_ =	sdelay $0x3  }
0x37: {  	[smem:$0x3FB7] =	sst s10  }
0x38: {  	s10 =	sld [smem:$0x3FB8]  }
0x39: {  	_ = 	snop;
	(pc) =	sbr.ind lr, $3  }
0x3a: {  	_ = 	snop  }
0x3b: {  	_ = 	snop  }
0x3c: {  	p2 =	seq.s32 s10, $0x1;
	s10 =	sld [smem:$0x3FB7]  }
0x3d: {  	_ =	shalt  }
0x3e: {  	_ =	shalt  }
0x3f: {  	_ =	shalt  }
0x40: {  	_ =	shalt  }
0x41: {  	_ =	shalt  }
0x42: {  	_ =	shalt  }
0x43: {  	_ =	shalt  }
0x44: {  	_ =	shalt  }
0x45: {  	_ =	shalt  }
0x46: {  	_ =	shalt  }
0x47: {  	_ =	shalt  }
0x48: {  	_ =	shalt  }
0x49: {  	_ =	shalt  }
0x4a: {  	_ =	shalt  }
0x4b: {  	_ =	shalt  }
0x4c: {  	_ =	shalt  }
0x4d: {  	_ =	shalt  }
0x4e: {  	_ =	shalt  }
0x4f: {  	_ =	shalt  }
0x50: {  	_ =	shalt  }
0x51: {  	_ =	shalt  }
0x52: {  	_ =	shalt  }
0x53: {  	_ =	shalt  }
0x54: {  	_ =	shalt  }
0x55: {  	_ =	shalt  }
0x56: {  	_ =	shalt  }
0x57: {  	_ =	shalt  }
0x58: {  	_ =	shalt  }
0x59: {  	_ =	shalt  }
0x5a: {  	_ =	shalt  }
0x5b: {  	_ =	shalt  }
0x5c: {  	_ =	shalt  }
0x5d: {  	_ =	shalt  }
0x5e: {  	_ =	shalt  }
0x5f: {  	_ =	shalt  }
0x60: {  	_ =	shalt  }
0x61: {  	_ =	shalt  }
0x62: {  	_ =	shalt  }
0x63: {  	_ =	shalt  }
0x64: {  	_ =	shalt  }
0x65: {  	_ =	shalt  }
0x66: {  	_ =	shalt  }
0x67: {  	_ =	shalt  }
0x68: {  	_ =	shalt  }
0x69: {  	_ =	shalt  }
0x6a: {  	_ =	shalt  }
0x6b: {  	_ =	shalt  }
0x6c: {  	_ =	shalt  }
0x6d: {  	_ =	shalt  }
0x6e: {  	_ =	shalt  }
0x6f: {  	_ =	shalt  }
0x70: {  	_ =	shalt  }
0x71: {  	_ =	shalt  }
0x72: {  	_ =	shalt  }
0x73: {  	_ =	shalt  }
0x74: {  	_ =	shalt  }
0x75: {  	_ =	shalt  }
0x76: {  	_ =	shalt  }
0x77: {  	_ =	shalt  }
0x78: {  	_ =	shalt  }
0x79: {  	_ =	shalt  }
0x7a: {  	_ =	shalt  }
0x7b: {  	_ =	shalt  }
0x7c: {  	_ =	shalt  }
0x7d: {  	_ =	shalt  }
0x7e: {  	_ =	shalt  }
0x7f: {  	_ =	shalt  }
0x80: {  	_ =	shalt  }
0x81: {  	_ =	shalt  }
0x82: {  	_ =	shalt  }
0x83: {  	_ =	shalt  }
0x84: {  	_ =	shalt  }
0x85: {  	_ =	shalt  }
0x86: {  	_ =	shalt  }
0x87: {  	_ =	shalt  }
.Lfunc_end0:
.L_simem_size_0:
called_computation.2_lowered:
.L_overlay_start_0:
0x88: {  	s2 =	sld [smem:$0x3FD9]  }
0x89: {  	s3 =	sld [smem:$0x3FFE];
	_ =	sdelay $0x1  }
0x8a: {  	s1 =	srdreg.scid  }
0x8b: {  	s0 =	sand.u32 $0x1, s1  }
0x8c: {  	s17 =	sshll.u32 s0, $0xA;
	s2 =	sadd.s32 s3, s2  }
0x8d: {  	s2 =	sadd.s32 s2, s17  }
0x8e: {  	[smem:$0x3FC3] =	sst s2  }
0x8f: {  	_ = 	snop  }
0x90: {  	s18 =	sld [smem:$0x3FC8];
	(tm) =	ssettm $0x1  }
0x91: {  	s19 =	sld [smem:$0x3FFB];
	_ =	sdelay $0x3  }
0x92: {  	_ =	strace s19  }
0x93: {  	s2 =	sld [smem:$0x3FFC];
	_ =	sdelay $0x3  }
0x94: {  	_ =	strace s2  }
0x95: {  	s2 =	sld [smem:$0x3FFD];
	_ =	sdelay $0x3  }
0x96: {  	_ =	strace s2  }
0x97: {  	_ =	strace $0x8FFFFFFF  }
0x98: {  	s20 =	sld [smem:$0x3FDB];
	_ =	sdelay $0x1  }
0x99: {  	s4 =	simm.s32 $_scs_section_size  }
0x9a: {  	s5 =	simm.s32 $_size__tile_overlayer_lowered;
	s6 =	simm.s32 $_tile_overlayer_lowered  }
0x9b: {  	s7 =	simm.s32 $0x1BFF;
	s21 =	sshll.u32 s6, $0x1;
	s4 =	sadd.s32 s4, s20  }
0x9c: {  	s22 =	simm.s32 $0x0;
	s5 =	sshll.u32 s5, $0x1;
	s6 =	sadd.s32 s21, s4  }
0x9d: {  	[timem:s22], [sflag:s7] =	dma.local [hbm:s6], s5  }
0x9e: {  	_ =	swait.ge [sflag:s7], s5  }
0x9f: {  	s5 =	ssub.s32 $0x0, s5;
	[sflag:s7] =	ssyncset.done $0x0  }
0xa0: {  	[sflag:s7] =	ssyncadd.s32 s5;
	_ =	sdelay $0x1  }
0xa1: {  	s23 =	simm.s32 $0x1B8B  }
0xa2: {  	_ =	swait.ge [sflag:s23], $0x1  }
0xa3: {  	[sflag:s23] =	ssyncset.done $0x0  }
0xa4: {  	[sflag:s23] =	ssyncadd.s32 $0xFFFFFFFF  }
0xa5: {  	s5 =	sld [smem:$0x0]  }
0xa6: {  	s6 =	sand.u32 $0xFFFFFFFE, s1  }
0xa7: {  	p0 =	sne.s32 s1, s6  }
0xa8: {  	s6 =	sshll.u32 @p0 s6, $0xE  }
0xa9: {  	s6 =	sadd.s32 @p0 $0x11B8D, s6;
	s7 =	sshll.u32 @p0 s5, $0x11  }
0xaa: {  	s6 =	sor.u32 @p0 s7, s6  }
0xab: {  	[sflag:s6] =	ssyncadd.remote.s32 @p0 $0x1;
	_ =	sdelay $0x1  }
0xac: {  	s6 =	simm.s32 @p0 $0x1B8D  }
0xad: {  	_ =	swait.eq @p0 [sflag:s6], $0x1  }
0xae: {  	[sflag:s6] =	ssyncadd.s32 @p0 $0xFFFFFFFF  }
0xaf: {  	s7 =	sshll.u32 @!p0 s1, $0xE  }
0xb0: {  	s7 =	sor.u32 @!p0 $0x4000, s7;
	s6 =	simm.s32 @!p0 $0x1B8D  }
0xb1: {  	s5 =	sshll.u32 @!p0 s5, $0x11;
	s7 =	sadd.s32 @!p0 $0x11B8D, s7;
	_ =	swait.eq @!p0 [sflag:s6], $0x1  }
0xb2: {  	s5 =	sor.u32 @!p0 s5, s7;
	[sflag:s6] =	ssyncadd.s32 @!p0 $0xFFFFFFFF  }
0xb3: {  	s25 =	simm.s32 $0x1B8E;
	s24 =	sld [smem:$0x3FFE];
	[sflag:s5] =	ssyncadd.remote.s32 @!p0 $0x1  }
0xb4: {  	s26 =	simm.s32 $execute0_lowered;
	[smem:$0x3FD2] =	sst s25  }
0xb5: {  	s6 =	sshll.u32 s26, $0x1;
	_ =	strace $0x8000004C;
	[dreg:$0x1] =	wrdreg $0xFFFFFFFF  }
0xb6: {  	s28 =	simm.s32 $_size_execute0_lowered;
	s4 =	sadd.s32 s4, s6;
	[dreg:$0x0] =	wrdreg $0x0  }
0xb7: {  	s6 =	sshll.u32 s28, $0x1;
	[dreg:$0x2] =	wrdreg s4  }
0xb8: {  	[dreg:$0x3] =	wrdreg s6  }
0xb9: {  	[dreg:$0x4] =	wrdreg $0xC0  }
0xba: {  	_ =	task [dreg:s22], $0x5FFFF  }
0xbb: {  	[dreg:$0x1] =	wrdreg $0xFFFFFFFF  }
0xbc: {  	[dreg:$0x0] =	wrdreg $0x60  }
0xbd: {  	[dreg:$0x2] =	wrdreg s24  }
0xbe: {  	[dreg:$0x3] =	wrdreg s18  }
0xbf: {  	[dreg:$0x4] =	wrdreg $0xB  }
0xc0: {  	_ =	task.clear_ibuf [dreg:s22], $0x5FFFF;
	_ =	strace $0x9000004C  }
0xc1: {  	s29 =	simm.s32 $0xB;
	_ =	strace $0x8000004E  }
0xc2: {  	_ =	swait.ge [sflag:s29], $0x1  }
0xc3: {  	[sflag:s29] =	ssyncadd.s32 $0xFFFFFFFF  }
0xc4: {  	_ =	strace $0x9000004E  }
0xc5: {  	_ =	sfence  }
0xc6: {  	s30 =	sld [smem:$0x0];
	_ =	sdelay $0x2  }
0xc7: {  	s31 =	sshll.u32 s1, $0xD;
	s1 =	sshrl.u32 s1, $0x2  }
0xc8: {  	s4 =	sand.u32 $0x4000, s31;
	s1 =	sadd.s32 s1, s30  }
0xc9: {  	s0 =	sor.u32 s4, s0;
	s1 =	sshll.u32 s1, $0x11  }
0xca: {  	s0 =	sor.u32 s1, s0  }
0xcb: {  	s0 =	sadd.s32 $0x8F2B, s0  }
0xcc: {  	[sflag:s0] =	ssyncadd.remote.s32 $0x1  }
0xcd: {  	_ =	sfence.sel $0xFFFF  }
0xce: {  	[dreg:$0x0] =	wrdreg $0xFFFFFFFF;
	(pc) =	sbr.abs _section_cstart, $3  }
0xcf: {  	[dreg:$0x1] =	wrdreg $0xFFFFFFFF  }
0xd0: {  	_ =	task.clear_ibuf [dreg:s22], $0x2FFFF;
	_ =	strace $0x9FFFFFFF  }
0xd1: {  	(tm) =	ssettm $0x7FFFFFFF  }
tec
execute0_lowered:
.L_overlay_start_1:
0x0: {  	(tag) =	ssettag $0x1  }
0x1: {  	s0 =	srdreg.scid  }
0x2: {  	s2 =	stileid.u32;
	s1 =	sand.u32 $0x1, s0  }
0x3: {  	s24 =	rddreg [dreg:$0x0];
	s3 =	sshll.u32 s2, $0x8;
	s4 =	sshll.u32 s1, $0x7  }
0x4: {  	s2 =	rddreg [dreg:$0x1];
	s30 =	sadd.s32 $0xA8800, s24;
	s4 =	sor.u32 s4, s3  }
0x5: {  	s3 =	simm.s32 $0x0;
	s5 =	sshrl.u32 s4, $0x3;
	s31 =	sshll.u32 s4, $0x4  }
0x6: {  	[smem:$0x7FF] =	sst s3;
	s29 =	sadd.s32 s5, s24;
	s4 =	sadd.s32 s30, s31  }
0x7: {  	_ =	strace $0x8000004D;
	s5 =	sadd.s32 $0x4C00, s29;
	[dreg:$0x5] =	wrdreg s4  }
0x8: {  	s25 =	sadd.s32 $0x4E00, s29;
	[dreg:$0x3] =	wrdreg s5  }
0x9: {  	[dreg:$0x4] =	wrdreg s25  }
0xa: {  	s4 =	simm.s32 $0x7;
	s6 =	rddreg [dreg:$0x3]  }
0xb: {  	[tilespmem:s3], [sflag:$0x7] =	stream.linear.gather [hbm4b:s6+s3], $0x80, $0x38;
	[tilespmem:$0x8100] =	vst v63  }
0xc: {  	_ =	swait.ge [sflag:s4], $0x80  }
0xd: {  	[sflag:s4] =	ssyncset.done $0x0  }
0xe: {  	s5 =	simm.s32 $0x80;
	s6 =	simm.s32 $0x100;
	[sflag:s4] =	ssyncadd.s32 $0xFFFFFF80  }
0xf: {  	[tilespmem:s6], [sflag:$0x1] =	stream.indirect.gather [hbm4b:s2+s5], $0x80, s3, s5, $0xb8;
	[tilespmem:$0x8100] =	vst v63  }
0x10: {  	s7 =	simm.s32 $0x1;
	s8 =	rddreg [dreg:$0x4]  }
0x11: {  	[tilespmem:s5], [sflag:$0x6] =	stream.linear.gather [hbm4b:s8+s3], $0x80, $0x38;
	[tilespmem:$0x8100] =	vst v63  }
0x12: {  	_ =	swait.ge [sflag:s7], $0x4000  }
0x13: {  	[sflag:s7] =	ssyncset.done $0x0  }
0x14: {  	s26 =	rddreg [dreg:$0x5];
	[sflag:s7] =	ssyncadd.s32 $0xFFFFC000  }
0x15: {  	[hbm4b:s26+s3] =	stream.linear.scatter [tilespmem:s6], [sflag:$0x3], $0x4000, $0x38;
	[tilespmem:$0x8100] =	vst v63  }
0x16: {  	s9 =	simm.s32 $0x6;
	s8 =	sadd.s32 $0x5000, s29  }
0x17: {  	[tilespmem:s3], [sflag:$0x5] =	stream.linear.gather [hbm4b:s8+s3], $0x80, $0x38;
	[tilespmem:$0x8100] =	vst v63  }
0x18: {  	_ =	swait.ge [sflag:s9], $0x80  }
0x19: {  	[sflag:s9] =	ssyncset.done $0x0  }
0x1a: {  	s10 =	simm.s32 $0x4100;
	s11 =	simm.s32 $0x2;
	[sflag:s9] =	ssyncadd.s32 $0xFFFFFF80  }
0x1b: {  	[tilespmem:s10], [sflag:$0x2] =	stream.indirect.gather [hbm4b:s2+s5], $0x80, s5, s5, $0xb8;
	[tilespmem:$0x8100] =	vst v63  }
0x1c: {  	_ =	swait.ge [sflag:s11], $0x4000  }
0x1d: {  	s0 =	sadd.s32 $0xB8800, s24;
	[sflag:s11] =	ssyncset.done $0x0  }
0x1e: {  	s12 =	sadd.s32 s31, s0;
	[sflag:s11] =	ssyncadd.s32 $0xFFFFC000  }
0x1f: {  	[hbm4b:s12+s3] =	stream.linear.scatter [tilespmem:s10], [sflag:$0x4], $0x4000, $0x38;
	[tilespmem:$0x8100] =	vst v63  }
0x20: {  	s14 =	simm.s32 $0x3;
	s13 =	sadd.s32 $0x5200, s29  }
0x21: {  	[tilespmem:s5], [sflag:$0x6] =	stream.linear.gather [hbm4b:s13+s3], $0x80, $0x38;
	[tilespmem:$0x8100] =	vst v63  }
0x22: {  	_ =	swait.ge [sflag:s14], $0x4000  }
0x23: {  	[sflag:s14] =	ssyncset.done $0x0  }
0x24: {  	s15 =	simm.s32 $0x5;
	[sflag:s14] =	ssyncadd.s32 $0xFFFFC000  }
0x25: {  	_ =	swait.ge [sflag:s15], $0x80  }
0x26: {  	[sflag:s15] =	ssyncset.done $0x0  }
0x27: {  	[sflag:s15] =	ssyncadd.s32 $0xFFFFFF80  }
0x28: {  	[tilespmem:s6], [sflag:$0x1] =	stream.indirect.gather [hbm4b:s2+s5], $0x80, s3, s5, $0xb8;
	[tilespmem:$0x8100] =	vst v63  }
0x29: {  	_ =	swait.ge [sflag:s7], $0x4000  }
0x2a: {  	s19 =	sor.u32 $0x20000, s31;
	[sflag:s7] =	ssyncset.done $0x0  }
0x2b: {  	s16 =	sadd.s32 s30, s19;
	[sflag:s7] =	ssyncadd.s32 $0xFFFFC000  }
0x2c: {  	[hbm4b:s16+s3] =	stream.linear.scatter [tilespmem:s6], [sflag:$0x3], $0x4000, $0x38;
	[tilespmem:$0x8100] =	vst v63  }
0x2d: {  	s17 =	simm.s32 $0x4;
	s18 =	sadd.s32 $0x5400, s29  }
0x2e: {  	[tilespmem:s3], [sflag:$0x5] =	stream.linear.gather [hbm4b:s18+s3], $0x80, $0x38;
	[tilespmem:$0x8100] =	vst v63  }
0x2f: {  	_ =	swait.ge [sflag:s17], $0x4000  }
0x30: {  	[sflag:s17] =	ssyncset.done $0x0  }
0x31: {  	[sflag:s17] =	ssyncadd.s32 $0xFFFFC000  }
0x32: {  	_ =	swait.ge [sflag:s9], $0x80  }
0x33: {  	[sflag:s9] =	ssyncset.done $0x0  }
0x34: {  	[sflag:s9] =	ssyncadd.s32 $0xFFFFFF80  }
0x35: {  	[tilespmem:s10], [sflag:$0x2] =	stream.indirect.gather [hbm4b:s2+s5], $0x80, s5, s5, $0xb8;
	[tilespmem:$0x8100] =	vst v63  }
0x36: {  	_ =	swait.ge [sflag:s11], $0x4000  }
0x37: {  	[sflag:s11] =	ssyncset.done $0x0  }
0x38: {  	s19 =	sadd.s32 s19, s0;
	[sflag:s11] =	ssyncadd.s32 $0xFFFFC000  }
0x39: {  	[hbm4b:s19+s3] =	stream.linear.scatter [tilespmem:s10], [sflag:$0x4], $0x4000, $0x38;
	[tilespmem:$0x8100] =	vst v63  }
0x3a: {  	s20 =	sadd.s32 $0x5600, s29  }
0x3b: {  	[tilespmem:s5], [sflag:$0x6] =	stream.linear.gather [hbm4b:s20+s3], $0x80, $0x38;
	[tilespmem:$0x8100] =	vst v63  }
0x3c: {  	_ =	swait.ge [sflag:s14], $0x4000  }
0x3d: {  	[sflag:s14] =	ssyncset.done $0x0  }
0x3e: {  	[sflag:s14] =	ssyncadd.s32 $0xFFFFC000  }
0x3f: {  	_ =	swait.ge [sflag:s15], $0x80  }
0x40: {  	[sflag:s15] =	ssyncset.done $0x0  }
0x41: {  	[sflag:s15] =	ssyncadd.s32 $0xFFFFFF80  }
0x42: {  	[tilespmem:s6], [sflag:$0x1] =	stream.indirect.gather [hbm4b:s2+s5], $0x80, s3, s5, $0xb8;
	[tilespmem:$0x8100] =	vst v63  }
0x43: {  	_ =	swait.ge [sflag:s7], $0x4000  }
0x44: {  	s23 =	sor.u32 $0x40000, s31;
	[sflag:s7] =	ssyncset.done $0x0  }
0x45: {  	s21 =	sadd.s32 s30, s23;
	[sflag:s7] =	ssyncadd.s32 $0xFFFFC000  }
0x46: {  	[hbm4b:s21+s3] =	stream.linear.scatter [tilespmem:s6], [sflag:$0x3], $0x4000, $0x38;
	[tilespmem:$0x8100] =	vst v63  }
0x47: {  	s22 =	sadd.s32 $0x5800, s29  }
0x48: {  	[tilespmem:s3], [sflag:$0x5] =	stream.linear.gather [hbm4b:s22+s3], $0x80, $0x38;
	[tilespmem:$0x8100] =	vst v63  }
0x49: {  	_ =	swait.ge [sflag:s17], $0x4000  }
0x4a: {  	[sflag:s17] =	ssyncset.done $0x0  }
0x4b: {  	[sflag:s17] =	ssyncadd.s32 $0xFFFFC000  }
0x4c: {  	_ =	swait.ge [sflag:s9], $0x80  }
0x4d: {  	[sflag:s9] =	ssyncset.done $0x0  }
0x4e: {  	[sflag:s9] =	ssyncadd.s32 $0xFFFFFF80  }
0x4f: {  	[tilespmem:s10], [sflag:$0x2] =	stream.indirect.gather [hbm4b:s2+s5], $0x80, s5, s5, $0xb8;
	[tilespmem:$0x8100] =	vst v63  }
0x50: {  	_ =	swait.ge [sflag:s11], $0x4000  }
0x51: {  	[sflag:s11] =	ssyncset.done $0x0  }
0x52: {  	s23 =	sadd.s32 s23, s0;
	[sflag:s11] =	ssyncadd.s32 $0xFFFFC000  }
0x53: {  	[hbm4b:s23+s3] =	stream.linear.scatter [tilespmem:s10], [sflag:$0x4], $0x4000, $0x38;
	[tilespmem:$0x8100] =	vst v63  }
0x54: {  	s24 =	sadd.s32 $0x5A00, s29  }
0x55: {  	[tilespmem:s5], [sflag:$0x6] =	stream.linear.gather [hbm4b:s24+s3], $0x80, $0x38;
	[tilespmem:$0x8100] =	vst v63  }
0x56: {  	_ =	swait.ge [sflag:s14], $0x4000  }
0x57: {  	[sflag:s14] =	ssyncset.done $0x0  }
0x58: {  	[sflag:s14] =	ssyncadd.s32 $0xFFFFC000  }
0x59: {  	_ =	swait.ge [sflag:s15], $0x80  }
0x5a: {  	[sflag:s15] =	ssyncset.done $0x0  }
0x5b: {  	[sflag:s15] =	ssyncadd.s32 $0xFFFFFF80  }
0x5c: {  	[tilespmem:s6], [sflag:$0x1] =	stream.indirect.gather [hbm4b:s2+s5], $0x80, s3, s5, $0xb8;
	[tilespmem:$0x8100] =	vst v63  }
0x5d: {  	_ =	swait.ge [sflag:s7], $0x4000  }
0x5e: {  	s28 =	sor.u32 $0x60000, s31;
	[sflag:s7] =	ssyncset.done $0x0  }
0x5f: {  	s25 =	sadd.s32 s30, s28;
	[sflag:s7] =	ssyncadd.s32 $0xFFFFC000  }
0x60: {  	[hbm4b:s25+s3] =	stream.linear.scatter [tilespmem:s6], [sflag:$0x3], $0x4000, $0x38;
	[tilespmem:$0x8100] =	vst v63  }
0x61: {  	s26 =	sadd.s32 $0x5C00, s29  }
0x62: {  	[tilespmem:s3], [sflag:$0x5] =	stream.linear.gather [hbm4b:s26+s3], $0x80, $0x38;
	[tilespmem:$0x8100] =	vst v63  }
0x63: {  	_ =	swait.ge [sflag:s17], $0x4000  }
0x64: {  	[sflag:s17] =	ssyncset.done $0x0  }
0x65: {  	[sflag:s17] =	ssyncadd.s32 $0xFFFFC000  }
0x66: {  	_ =	swait.ge [sflag:s9], $0x80  }
0x67: {  	[sflag:s9] =	ssyncset.done $0x0  }
0x68: {  	[sflag:s9] =	ssyncadd.s32 $0xFFFFFF80  }
0x69: {  	[tilespmem:s10], [sflag:$0x2] =	stream.indirect.gather [hbm4b:s2+s5], $0x80, s5, s5, $0xb8;
	[tilespmem:$0x8100] =	vst v63  }
0x6a: {  	_ =	swait.ge [sflag:s11], $0x4000  }
0x6b: {  	[sflag:s11] =	ssyncset.done $0x0  }
0x6c: {  	s28 =	sadd.s32 s28, s0;
	[sflag:s11] =	ssyncadd.s32 $0xFFFFC000  }
0x6d: {  	[hbm4b:s28+s3] =	stream.linear.scatter [tilespmem:s10], [sflag:$0x4], $0x4000, $0x38;
	[tilespmem:$0x8100] =	vst v63  }
0x6e: {  	s29 =	sadd.s32 $0x5E00, s29  }
0x6f: {  	[tilespmem:s5], [sflag:$0x6] =	stream.linear.gather [hbm4b:s29+s3], $0x80, $0x38;
	[tilespmem:$0x8100] =	vst v63  }
0x70: {  	_ =	swait.ge [sflag:s14], $0x4000  }
0x71: {  	[sflag:s14] =	ssyncset.done $0x0  }
0x72: {  	[sflag:s14] =	ssyncadd.s32 $0xFFFFC000  }
0x73: {  	_ =	swait.ge [sflag:s15], $0x80  }
0x74: {  	[sflag:s15] =	ssyncset.done $0x0  }
0x75: {  	[sflag:s15] =	ssyncadd.s32 $0xFFFFFF80  }
0x76: {  	[tilespmem:s6], [sflag:$0x1] =	stream.indirect.gather [hbm4b:s2+s5], $0x80, s3, s5, $0xb8;
	[tilespmem:$0x8100] =	vst v63  }
0x77: {  	_ =	swait.ge [sflag:s7], $0x4000  }
0x78: {  	s31 =	sor.u32 $0x80000, s31;
	[sflag:s7] =	ssyncset.done $0x0  }
0x79: {  	s30 =	sadd.s32 s30, s31;
	[sflag:s7] =	ssyncadd.s32 $0xFFFFC000  }
0x7a: {  	[hbm4b:s30+s3] =	stream.linear.scatter [tilespmem:s6], [sflag:$0x3], $0x4000, $0x38;
	[tilespmem:$0x8100] =	vst v63  }
0x7b: {  	_ =	swait.ge [sflag:s17], $0x4000  }
0x7c: {  	[sflag:s17] =	ssyncset.done $0x0  }
0x7d: {  	[sflag:s17] =	ssyncadd.s32 $0xFFFFC000  }
0x7e: {  	_ =	swait.ge [sflag:s9], $0x80  }
0x7f: {  	s31 =	sadd.s32 s31, s0;
	s0 =	ssub.s32 $0x2, s1;
	[sflag:s9] =	ssyncset.done $0x0  }
0x80: {  	s1 =	sshrl.u32 s0, $0x1;
	[sflag:s9] =	ssyncadd.s32 $0xFFFFFF80  }
0x81: {  	[tilespmem:s10], [sflag:$0x2] =	stream.indirect.gather [hbm4b:s2+s5], $0x80, s5, s5, $0xb8;
	[tilespmem:$0x8100] =	vst v63  }
0x82: {  	s0 =	ssub.s32 s0, s1;
	_ =	swait.ge [sflag:s11], $0x4000  }
0x83: {  	s0 =	smax.u32 s0, $0x1;
	[sflag:s11] =	ssyncset.done $0x0  }
0x84: {  	p0 =	sne.s32 s0, $0x1;
	[sflag:s11] =	ssyncadd.s32 $0xFFFFC000  }
0x85: {  	[hbm4b:s31+s3] =	stream.linear.scatter [tilespmem:s10], [sflag:$0x4], $0x4000, $0x38;
	[tilespmem:$0x8100] =	vst v63  }
.Ltmp0:
0x86: {  	_ =	swait.ge [sflag:s14], $0x4000;
	(pc) =	sbr.rel @!p0 .LBB2_2-.Ltmp0, $4  }
0x87: {  	[sflag:s14] =	ssyncset.done $0x0  }
0x88: {  	[sflag:s14] =	ssyncadd.s32 $0xFFFFC000  }
0x89: {  	_ =	swait.ge [sflag:s17], $0x4000  }
0x8a: {  	s1 =	sadd.s32 $0xFFFFFFFF, s0;
	[sflag:s17] =	ssyncset.done $0x0  }
.LBB2_1:
0x8b: {  	s0 =	rddreg [dreg:$0x3];
	[sflag:s17] =	ssyncadd.s32 $0xFFFFC000  }
0x8c: {  	[tilespmem:s3], [sflag:$0x7] =	stream.linear.gather [hbm4b:s0+s3], $0x80, $0x38;
	[tilespmem:$0x8100] =	vst v63  }
0x8d: {  	_ =	swait.ge [sflag:s4], $0x80  }
0x8e: {  	[sflag:s4] =	ssyncset.done $0x0  }
0x8f: {  	[sflag:s4] =	ssyncadd.s32 $0xFFFFFF80  }
0x90: {  	[tilespmem:s6], [sflag:$0x1] =	stream.indirect.gather [hbm4b:s2+s5], $0x80, s3, s5, $0xb8;
	[tilespmem:$0x8100] =	vst v63  }
0x91: {  	s0 =	rddreg [dreg:$0x4]  }
0x92: {  	[tilespmem:s5], [sflag:$0x6] =	stream.linear.gather [hbm4b:s0+s3], $0x80, $0x38;
	[tilespmem:$0x8100] =	vst v63  }
0x93: {  	_ =	swait.ge [sflag:s7], $0x4000  }
0x94: {  	[sflag:s7] =	ssyncset.done $0x0  }
0x95: {  	s0 =	rddreg [dreg:$0x5];
	[sflag:s7] =	ssyncadd.s32 $0xFFFFC000  }
0x96: {  	[hbm4b:s0+s3] =	stream.linear.scatter [tilespmem:s6], [sflag:$0x3], $0x4000, $0x38;
	[tilespmem:$0x8100] =	vst v63  }
0x97: {  	_ = 	snop  }
0x98: {  	[tilespmem:s3], [sflag:$0x5] =	stream.linear.gather [hbm4b:s8+s3], $0x80, $0x38;
	[tilespmem:$0x8100] =	vst v63  }
0x99: {  	_ =	swait.ge [sflag:s9], $0x80  }
0x9a: {  	[sflag:s9] =	ssyncset.done $0x0  }
0x9b: {  	[sflag:s9] =	ssyncadd.s32 $0xFFFFFF80  }
0x9c: {  	[tilespmem:s10], [sflag:$0x2] =	stream.indirect.gather [hbm4b:s2+s5], $0x80, s5, s5, $0xb8;
	[tilespmem:$0x8100] =	vst v63  }
0x9d: {  	_ =	swait.ge [sflag:s11], $0x4000  }
0x9e: {  	[sflag:s11] =	ssyncset.done $0x0  }
0x9f: {  	[sflag:s11] =	ssyncadd.s32 $0xFFFFC000  }
0xa0: {  	[hbm4b:s12+s3] =	stream.linear.scatter [tilespmem:s10], [sflag:$0x4], $0x4000, $0x38;
	[tilespmem:$0x8100] =	vst v63  }
0xa1: {  	_ = 	snop  }
0xa2: {  	[tilespmem:s5], [sflag:$0x6] =	stream.linear.gather [hbm4b:s13+s3], $0x80, $0x38;
	[tilespmem:$0x8100] =	vst v63  }
0xa3: {  	_ =	swait.ge [sflag:s14], $0x4000  }
0xa4: {  	[sflag:s14] =	ssyncset.done $0x0  }
0xa5: {  	[sflag:s14] =	ssyncadd.s32 $0xFFFFC000  }
0xa6: {  	_ =	swait.ge [sflag:s15], $0x80  }
0xa7: {  	[sflag:s15] =	ssyncset.done $0x0  }
0xa8: {  	[sflag:s15] =	ssyncadd.s32 $0xFFFFFF80  }
0xa9: {  	[tilespmem:s6], [sflag:$0x1] =	stream.indirect.gather [hbm4b:s2+s5], $0x80, s3, s5, $0xb8;
	[tilespmem:$0x8100] =	vst v63  }
0xaa: {  	_ =	swait.ge [sflag:s7], $0x4000  }
0xab: {  	[sflag:s7] =	ssyncset.done $0x0  }
0xac: {  	[sflag:s7] =	ssyncadd.s32 $0xFFFFC000  }
0xad: {  	[hbm4b:s16+s3] =	stream.linear.scatter [tilespmem:s6], [sflag:$0x3], $0x4000, $0x38;
	[tilespmem:$0x8100] =	vst v63  }
0xae: {  	_ = 	snop  }
0xaf: {  	[tilespmem:s3], [sflag:$0x5] =	stream.linear.gather [hbm4b:s18+s3], $0x80, $0x38;
	[tilespmem:$0x8100] =	vst v63  }
0xb0: {  	_ =	swait.ge [sflag:s17], $0x4000  }
0xb1: {  	[sflag:s17] =	ssyncset.done $0x0  }
0xb2: {  	[sflag:s17] =	ssyncadd.s32 $0xFFFFC000  }
0xb3: {  	_ =	swait.ge [sflag:s9], $0x80  }
0xb4: {  	[sflag:s9] =	ssyncset.done $0x0  }
0xb5: {  	[sflag:s9] =	ssyncadd.s32 $0xFFFFFF80  }
0xb6: {  	[tilespmem:s10], [sflag:$0x2] =	stream.indirect.gather [hbm4b:s2+s5], $0x80, s5, s5, $0xb8;
	[tilespmem:$0x8100] =	vst v63  }
0xb7: {  	_ =	swait.ge [sflag:s11], $0x4000  }
0xb8: {  	[sflag:s11] =	ssyncset.done $0x0  }
0xb9: {  	[sflag:s11] =	ssyncadd.s32 $0xFFFFC000  }
0xba: {  	[hbm4b:s19+s3] =	stream.linear.scatter [tilespmem:s10], [sflag:$0x4], $0x4000, $0x38;
	[tilespmem:$0x8100] =	vst v63  }
0xbb: {  	_ = 	snop  }
0xbc: {  	[tilespmem:s5], [sflag:$0x6] =	stream.linear.gather [hbm4b:s20+s3], $0x80, $0x38;
	[tilespmem:$0x8100] =	vst v63  }
0xbd: {  	_ =	swait.ge [sflag:s14], $0x4000  }
0xbe: {  	[sflag:s14] =	ssyncset.done $0x0  }
0xbf: {  	[sflag:s14] =	ssyncadd.s32 $0xFFFFC000  }
0xc0: {  	_ =	swait.ge [sflag:s15], $0x80  }
0xc1: {  	[sflag:s15] =	ssyncset.done $0x0  }
0xc2: {  	[sflag:s15] =	ssyncadd.s32 $0xFFFFFF80  }
0xc3: {  	[tilespmem:s6], [sflag:$0x1] =	stream.indirect.gather [hbm4b:s2+s5], $0x80, s3, s5, $0xb8;
	[tilespmem:$0x8100] =	vst v63  }
0xc4: {  	_ =	swait.ge [sflag:s7], $0x4000  }
0xc5: {  	[sflag:s7] =	ssyncset.done $0x0  }
0xc6: {  	[sflag:s7] =	ssyncadd.s32 $0xFFFFC000  }
0xc7: {  	[hbm4b:s21+s3] =	stream.linear.scatter [tilespmem:s6], [sflag:$0x3], $0x4000, $0x38;
	[tilespmem:$0x8100] =	vst v63  }
0xc8: {  	_ = 	snop  }
0xc9: {  	[tilespmem:s3], [sflag:$0x5] =	stream.linear.gather [hbm4b:s22+s3], $0x80, $0x38;
	[tilespmem:$0x8100] =	vst v63  }
0xca: {  	_ =	swait.ge [sflag:s17], $0x4000  }
0xcb: {  	[sflag:s17] =	ssyncset.done $0x0  }
0xcc: {  	[sflag:s17] =	ssyncadd.s32 $0xFFFFC000  }
0xcd: {  	_ =	swait.ge [sflag:s9], $0x80  }
0xce: {  	[sflag:s9] =	ssyncset.done $0x0  }
0xcf: {  	[sflag:s9] =	ssyncadd.s32 $0xFFFFFF80  }
0xd0: {  	[tilespmem:s10], [sflag:$0x2] =	stream.indirect.gather [hbm4b:s2+s5], $0x80, s5, s5, $0xb8;
	[tilespmem:$0x8100] =	vst v63  }
0xd1: {  	_ =	swait.ge [sflag:s11], $0x4000  }
0xd2: {  	[sflag:s11] =	ssyncset.done $0x0  }
0xd3: {  	[sflag:s11] =	ssyncadd.s32 $0xFFFFC000  }
0xd4: {  	[hbm4b:s23+s3] =	stream.linear.scatter [tilespmem:s10], [sflag:$0x4], $0x4000, $0x38;
	[tilespmem:$0x8100] =	vst v63  }
0xd5: {  	_ = 	snop  }
0xd6: {  	[tilespmem:s5], [sflag:$0x6] =	stream.linear.gather [hbm4b:s24+s3], $0x80, $0x38;
	[tilespmem:$0x8100] =	vst v63  }
0xd7: {  	_ =	swait.ge [sflag:s14], $0x4000  }
0xd8: {  	[sflag:s14] =	ssyncset.done $0x0  }
0xd9: {  	[sflag:s14] =	ssyncadd.s32 $0xFFFFC000  }
0xda: {  	_ =	swait.ge [sflag:s15], $0x80  }
0xdb: {  	[sflag:s15] =	ssyncset.done $0x0  }
0xdc: {  	[sflag:s15] =	ssyncadd.s32 $0xFFFFFF80  }
0xdd: {  	[tilespmem:s6], [sflag:$0x1] =	stream.indirect.gather [hbm4b:s2+s5], $0x80, s3, s5, $0xb8;
	[tilespmem:$0x8100] =	vst v63  }
0xde: {  	_ =	swait.ge [sflag:s7], $0x4000  }
0xdf: {  	[sflag:s7] =	ssyncset.done $0x0  }
0xe0: {  	[sflag:s7] =	ssyncadd.s32 $0xFFFFC000  }
0xe1: {  	[hbm4b:s25+s3] =	stream.linear.scatter [tilespmem:s6], [sflag:$0x3], $0x4000, $0x38;
	[tilespmem:$0x8100] =	vst v63  }
0xe2: {  	_ = 	snop  }
0xe3: {  	[tilespmem:s3], [sflag:$0x5] =	stream.linear.gather [hbm4b:s26+s3], $0x80, $0x38;
	[tilespmem:$0x8100] =	vst v63  }
0xe4: {  	_ =	swait.ge [sflag:s17], $0x4000  }
0xe5: {  	[sflag:s17] =	ssyncset.done $0x0  }
0xe6: {  	[sflag:s17] =	ssyncadd.s32 $0xFFFFC000  }
0xe7: {  	_ =	swait.ge [sflag:s9], $0x80  }
0xe8: {  	[sflag:s9] =	ssyncset.done $0x0  }
0xe9: {  	[sflag:s9] =	ssyncadd.s32 $0xFFFFFF80  }
0xea: {  	[tilespmem:s10], [sflag:$0x2] =	stream.indirect.gather [hbm4b:s2+s5], $0x80, s5, s5, $0xb8;
	[tilespmem:$0x8100] =	vst v63  }
0xeb: {  	_ =	swait.ge [sflag:s11], $0x4000  }
0xec: {  	[sflag:s11] =	ssyncset.done $0x0  }
0xed: {  	[sflag:s11] =	ssyncadd.s32 $0xFFFFC000  }
0xee: {  	[hbm4b:s28+s3] =	stream.linear.scatter [tilespmem:s10], [sflag:$0x4], $0x4000, $0x38;
	[tilespmem:$0x8100] =	vst v63  }
0xef: {  	_ = 	snop  }
0xf0: {  	[tilespmem:s5], [sflag:$0x6] =	stream.linear.gather [hbm4b:s29+s3], $0x80, $0x38;
	[tilespmem:$0x8100] =	vst v63  }
0xf1: {  	_ =	swait.ge [sflag:s14], $0x4000  }
0xf2: {  	[sflag:s14] =	ssyncset.done $0x0  }
0xf3: {  	[sflag:s14] =	ssyncadd.s32 $0xFFFFC000  }
0xf4: {  	_ =	swait.ge [sflag:s15], $0x80  }
0xf5: {  	[sflag:s15] =	ssyncset.done $0x0  }
0xf6: {  	[sflag:s15] =	ssyncadd.s32 $0xFFFFFF80  }
0xf7: {  	[tilespmem:s6], [sflag:$0x1] =	stream.indirect.gather [hbm4b:s2+s5], $0x80, s3, s5, $0xb8;
	[tilespmem:$0x8100] =	vst v63  }
0xf8: {  	_ =	swait.ge [sflag:s7], $0x4000  }
0xf9: {  	[sflag:s7] =	ssyncset.done $0x0  }
0xfa: {  	[sflag:s7] =	ssyncadd.s32 $0xFFFFC000  }
0xfb: {  	[hbm4b:s30+s3] =	stream.linear.scatter [tilespmem:s6], [sflag:$0x3], $0x4000, $0x38;
	[tilespmem:$0x8100] =	vst v63  }
0xfc: {  	_ =	swait.ge [sflag:s17], $0x4000  }
0xfd: {  	[sflag:s17] =	ssyncset.done $0x0  }
0xfe: {  	[sflag:s17] =	ssyncadd.s32 $0xFFFFC000  }
0xff: {  	_ =	swait.ge [sflag:s9], $0x80  }
0x100: {  	[sflag:s9] =	ssyncset.done $0x0  }
0x101: {  	[sflag:s9] =	ssyncadd.s32 $0xFFFFFF80  }
0x102: {  	[tilespmem:s10], [sflag:$0x2] =	stream.indirect.gather [hbm4b:s2+s5], $0x80, s5, s5, $0xb8;
	[tilespmem:$0x8100] =	vst v63  }
0x103: {  	_ =	swait.ge [sflag:s11], $0x4000  }
0x104: {  	[sflag:s11] =	ssyncset.done $0x0  }
0x105: {  	p0 =	sne.s32 s1, $0x1;
	[sflag:s11] =	ssyncadd.s32 $0xFFFFC000  }
0x106: {  	[hbm4b:s31+s3] =	stream.linear.scatter [tilespmem:s10], [sflag:$0x4], $0x4000, $0x38;
	[tilespmem:$0x8100] =	vst v63  }
.Ltmp1:
0x107: {  	_ =	swait.ge [sflag:s14], $0x4000;
	(pc) =	sbr.rel @p0 .LBB2_1-.Ltmp1, $4  }
0x108: {  	[sflag:s14] =	ssyncset.done $0x0  }
0x109: {  	[sflag:s14] =	ssyncadd.s32 $0xFFFFC000  }
0x10a: {  	_ =	swait.ge [sflag:s17], $0x4000  }
0x10b: {  	s1 =	sadd.s32 $0xFFFFFFFF, s1;
	[sflag:s17] =	ssyncset.done $0x0  }
.LBB2_2:
0x10c: {  	[sflag:s17] =	ssyncadd.s32 $0xFFFFC000  }
0x10d: {  	_ =	sfence.sel $0x180000  }
0x10e: {  	[bflag:$0x0] =	sbarrier.arrive $0xFFFF  }
0x10f: {  	_ =	strace $0x9000004D  }
0x110: {  	s0 =	stileid.u32;
	[bflag:$0x2] =	sbarrier.arrive $0xFFFF  }
0x111: {  	p0 =	sne.s32 s0, $0x0;
	s0 =	rddreg [dreg:$0x2]  }
0x112: {  	s0 =	sadd.s32 @!p0 $0x100000, s0  }
0x113: {  	[sflag:s0] =	ssyncadd.tile.s32 @!p0 $0x1;
	_ =	shalt  }
.Lfunc_end2:
_tile_overlayer_lowered:
.L_overlay_start_2:
0x114: {  	(tag) =	ssettag $0x2  }
0x115: {  	s0 =	rddreg [dreg:$0x0];
	s2 =	stileid.u32  }
0x116: {  	s1 =	rddreg [dreg:$0x1];
	p0 =	sne.s32 s2, $0x0  }
0x117: {  	s3 =	rddreg [dreg:$0x2];
	[bflag:$0x3] =	sbarrier.arrive $0xFFFF;
	s2 =	simm.s32 @!p0 $0x1C07  }
0x118: {  	[timem:s3], [sflag:s2] =	dma.local @!p0 [hbm:s0], s1  }
0x119: {  	s0 =	simm.s32 @!p0 $0x7  }
0x11a: {  	_ =	swait.ge @!p0 [sflag:s0], s1  }
0x11b: {  	s1 =	ssub.s32 @!p0 $0x0, s1;
	[sflag:s0] =	ssyncset.done @!p0 $0x0  }
0x11c: {  	[sflag:s0] =	ssyncadd.s32 @!p0 s1  }
0x11d: {  	[bflag:$0x3] =	sbarrier.arrive $0xFFFF  }
0x11e: {  	_ =	shalt  }

// kernel: kernel.21.cloned.1.call-start
scs
__scs_entry_jumppad:
0x0: {  	(pc) =	sbr.rel $0x88, $3  }
0x1: {  	(tag) =	ssettag $0x0;
	lr =	simm.s32 $0x1  }
0x2: {  	[smem:$0x3F9C] =	sst lr;
	_ =	strace $0xD0000000  }
0x3: {  	_ = 	snop  }
0x4: {  	_ = 	snop  }
0x5: {  	_ = 	snop  }
0x6: {  	_ = 	snop  }
0x7: {  	_ = 	snop  }
__scs_overlays_trampoline_lowered:
0x8: {  	[smem:$0x3FAB] =	sst s0  }
0x9: {  	[smem:$0x3FAC] =	sst s1  }
0xa: {  	[smem:$0x3FAD] =	sst s2  }
0xb: {  	[smem:$0x3FAE] =	sst s3  }
0xc: {  	[smem:$0x3FAF] =	sst s4  }
0xd: {  	[smem:$0x3FB0] =	sst s5  }
0xe: {  	[smem:$0x3FB1] =	sst s6  }
0xf: {  	[smem:$0x3FB2] =	sst s7  }
0x10: {  	[smem:$0x3FB3] =	sst s8  }
0x11: {  	[smem:$0x3FB4] =	sst s9;
	s0 =	simm.s32 @!p0 $0x0  }
0x12: {  	s1 =	sld [smem:$0x3F9A];
	s0 =	simm.s32 @p0 $0x1  }
0x13: {  	[smem:$0x3FB5] =	sst s0;
	s0 =	simm.s32 @!p1 $0x0  }
0x14: {  	s2 =	sld [smem:$0x3F99];
	s0 =	simm.s32 @p1 $0x1  }
0x15: {  	[smem:$0x3FB6] =	sst s0;
	s0 =	simm.s32 @!p2 $0x0  }
0x16: {  	s3 =	sld [smem:$0x3FDB];
	s0 =	simm.s32 @p2 $0x1  }
0x17: {  	s4 =	simm.s32 $0x1BF5;
	[smem:$0x3FB8] =	sst s0  }
0x18: {  	s0 =	sld [smem:$0x3F9B];
	_ =	swait.ge [sflag:s4], $0x0  }
0x19: {  	s7 =	sld [smem:$0x3F9C]  }
0x1a: {  	s8 =	sadd.s32 $0xFFFFE003, lr  }
0x1b: {  	s9 =	sadd.s32 $0xFFFFFEF7, lr;
	s5 =	simm.s32 $0xFFFFFFFF;
	p2 =	slt.u32 s8, $0xFFFFF086  }
0x1c: {  	p1 =	slt.u32 s9, $0xF7A;
	s5 =	simm.s32 @!p2 $0x0  }
0x1d: {  	s5 =	simm.s32 @p1 $0x1;
	p0 =	seq.s32 s7, s2  }
0x1e: {  	s7 =	smul.u32 @!p0 $0xF7A, s2;
	p2 =	seq.s32 @!p0 s5, $0x0  }
0x1f: {  	s9 =	smul.u32 $0xF7A, s1;
	s8 =	simm.s32 @!p0 $0x1BF5;
	p2 =	por !p2, p0  }
0x20: {  	[sflag:s8] =	ssyncset.s32 @!p0 $0xFFFFF086;
	s6 =	sadd.s32 @!p0 s3, s7;
	s7 =	simm.s32 @!p0 $0x108  }
0x21: {  	s3 =	sadd.s32 s3, s9;
	s6 =	sadd.s32 @!p0 $0x88, s6;
	s7 =	simm.s32 @p2 $0x1082  }
0x22: {  	[simem:s7], [sflag:s8] =	dma.local @!p0 [hbm:s6], $0xF7A  }
0x23: {  	s9 =	sor.u32 $0xD0000000, s2;
	s6 =	simm.s32 $0x108;
	_ =	swait.ge @!p0 [sflag:s8], $0x0  }
0x24: {  	s3 =	sadd.s32 $0x88, s3;
	s6 =	simm.s32 @!p1 $0x1082;
	[sflag:s4] =	ssyncset.s32 $0xFFFFF086  }
0x25: {  	[simem:s6], [sflag:s4] =	dma.local [hbm:s3], $0xF7A  }
0x26: {  	[smem:$0x3F9C] =	sst s1;
	(tag) =	ssettag s2;
	_ =	strace s9  }
0x27: {  	s1 =	sld [smem:$0x3FAC]  }
0x28: {  	s2 =	sld [smem:$0x3FAD]  }
0x29: {  	s4 =	sld [smem:$0x3FAF]  }
0x2a: {  	p0 =	seq.s32 s5, $0x0;
	s5 =	sld [smem:$0x3FB0]  }
0x2b: {  	s6 =	sld [smem:$0x3FB1]  }
0x2c: {  	s7 =	sld [smem:$0x3FB2]  }
0x2d: {  	s3 =	simm.s32 $0x108;
	s8 =	sld [smem:$0x3FB3]  }
0x2e: {  	s3 =	simm.s32 @!p0 $0x1082;
	s9 =	sld [smem:$0x3FB4]  }
0x2f: {  	lr =	sadd.s32 s0, s3;
	s0 =	sld [smem:$0x3FAB]  }
0x30: {  	s3 =	sld [smem:$0x3FAE]  }
0x31: {  	[smem:$0x3FB7] =	sst s10  }
0x32: {  	s10 =	sld [smem:$0x3FB5];
	_ =	sdelay $0x3  }
0x33: {  	p0 =	seq.s32 s10, $0x1;
	s10 =	sld [smem:$0x3FB7];
	_ =	sdelay $0x3  }
0x34: {  	[smem:$0x3FB7] =	sst s10  }
0x35: {  	s10 =	sld [smem:$0x3FB6];
	_ =	sdelay $0x3  }
0x36: {  	p1 =	seq.s32 s10, $0x1;
	s10 =	sld [smem:$0x3FB7];
	_ =	sdelay $0x3  }
0x37: {  	[smem:$0x3FB7] =	sst s10  }
0x38: {  	s10 =	sld [smem:$0x3FB8]  }
0x39: {  	_ = 	snop;
	(pc) =	sbr.ind lr, $3  }
0x3a: {  	_ = 	snop  }
0x3b: {  	_ = 	snop  }
0x3c: {  	p2 =	seq.s32 s10, $0x1;
	s10 =	sld [smem:$0x3FB7]  }
0x3d: {  	_ =	shalt  }
0x3e: {  	_ =	shalt  }
0x3f: {  	_ =	shalt  }
0x40: {  	_ =	shalt  }
0x41: {  	_ =	shalt  }
0x42: {  	_ =	shalt  }
0x43: {  	_ =	shalt  }
0x44: {  	_ =	shalt  }
0x45: {  	_ =	shalt  }
0x46: {  	_ =	shalt  }
0x47: {  	_ =	shalt  }
0x48: {  	_ =	shalt  }
0x49: {  	_ =	shalt  }
0x4a: {  	_ =	shalt  }
0x4b: {  	_ =	shalt  }
0x4c: {  	_ =	shalt  }
0x4d: {  	_ =	shalt  }
0x4e: {  	_ =	shalt  }
0x4f: {  	_ =	shalt  }
0x50: {  	_ =	shalt  }
0x51: {  	_ =	shalt  }
0x52: {  	_ =	shalt  }
0x53: {  	_ =	shalt  }
0x54: {  	_ =	shalt  }
0x55: {  	_ =	shalt  }
0x56: {  	_ =	shalt  }
0x57: {  	_ =	shalt  }
0x58: {  	_ =	shalt  }
0x59: {  	_ =	shalt  }
0x5a: {  	_ =	shalt  }
0x5b: {  	_ =	shalt  }
0x5c: {  	_ =	shalt  }
0x5d: {  	_ =	shalt  }
0x5e: {  	_ =	shalt  }
0x5f: {  	_ =	shalt  }
0x60: {  	_ =	shalt  }
0x61: {  	_ =	shalt  }
0x62: {  	_ =	shalt  }
0x63: {  	_ =	shalt  }
0x64: {  	_ =	shalt  }
0x65: {  	_ =	shalt  }
0x66: {  	_ =	shalt  }
0x67: {  	_ =	shalt  }
0x68: {  	_ =	shalt  }
0x69: {  	_ =	shalt  }
0x6a: {  	_ =	shalt  }
0x6b: {  	_ =	shalt  }
0x6c: {  	_ =	shalt  }
0x6d: {  	_ =	shalt  }
0x6e: {  	_ =	shalt  }
0x6f: {  	_ =	shalt  }
0x70: {  	_ =	shalt  }
0x71: {  	_ =	shalt  }
0x72: {  	_ =	shalt  }
0x73: {  	_ =	shalt  }
0x74: {  	_ =	shalt  }
0x75: {  	_ =	shalt  }
0x76: {  	_ =	shalt  }
0x77: {  	_ =	shalt  }
0x78: {  	_ =	shalt  }
0x79: {  	_ =	shalt  }
0x7a: {  	_ =	shalt  }
0x7b: {  	_ =	shalt  }
0x7c: {  	_ =	shalt  }
0x7d: {  	_ =	shalt  }
0x7e: {  	_ =	shalt  }
0x7f: {  	_ =	shalt  }
0x80: {  	_ =	shalt  }
0x81: {  	_ =	shalt  }
0x82: {  	_ =	shalt  }
0x83: {  	_ =	shalt  }
0x84: {  	_ =	shalt  }
0x85: {  	_ =	shalt  }
0x86: {  	_ =	shalt  }
0x87: {  	_ =	shalt  }
.Lfunc_end0:
.L_simem_size_0:
called_computation.3_lowered:
.L_overlay_start_0:
0x88: {  	s2 =	sld [smem:$0x3FD9]  }
0x89: {  	s3 =	sld [smem:$0x3FFE];
	_ =	sdelay $0x1  }
0x8a: {  	s1 =	srdreg.scid  }
0x8b: {  	s0 =	sand.u32 $0x1, s1  }
0x8c: {  	s17 =	sshll.u32 s0, $0xA;
	s2 =	sadd.s32 s3, s2  }
0x8d: {  	s2 =	sadd.s32 s2, s17  }
0x8e: {  	[smem:$0x3FC3] =	sst s2  }
0x8f: {  	_ = 	snop  }
0x90: {  	s18 =	sld [smem:$0x3FC8];
	(tm) =	ssettm $0x1  }
0x91: {  	s19 =	sld [smem:$0x3FFB];
	_ =	sdelay $0x3  }
0x92: {  	_ =	strace s19  }
0x93: {  	s2 =	sld [smem:$0x3FFC];
	_ =	sdelay $0x3  }
0x94: {  	_ =	strace s2  }
0x95: {  	s2 =	sld [smem:$0x3FFD];
	_ =	sdelay $0x3  }
0x96: {  	_ =	strace s2  }
0x97: {  	_ =	strace $0x8FFFFFFF  }
0x98: {  	s20 =	sld [smem:$0x3FDB];
	_ =	sdelay $0x1  }
0x99: {  	s4 =	simm.s32 $_scs_section_size  }
0x9a: {  	s5 =	simm.s32 $_size__tile_overlayer_lowered;
	s6 =	simm.s32 $_tile_overlayer_lowered  }
0x9b: {  	s7 =	simm.s32 $0x1BFF;
	s21 =	sshll.u32 s6, $0x1;
	s4 =	sadd.s32 s4, s20  }
0x9c: {  	s22 =	simm.s32 $0x0;
	s5 =	sshll.u32 s5, $0x1;
	s6 =	sadd.s32 s21, s4  }
0x9d: {  	[timem:s22], [sflag:s7] =	dma.local [hbm:s6], s5  }
0x9e: {  	_ =	swait.ge [sflag:s7], s5  }
0x9f: {  	s5 =	ssub.s32 $0x0, s5;
	[sflag:s7] =	ssyncset.done $0x0  }
0xa0: {  	[sflag:s7] =	ssyncadd.s32 s5;
	_ =	sdelay $0x1  }
0xa1: {  	s23 =	simm.s32 $0x1B8B  }
0xa2: {  	_ =	swait.ge [sflag:s23], $0x1  }
0xa3: {  	[sflag:s23] =	ssyncset.done $0x0  }
0xa4: {  	[sflag:s23] =	ssyncadd.s32 $0xFFFFFFFF  }
0xa5: {  	s5 =	sld [smem:$0x0]  }
0xa6: {  	s6 =	sand.u32 $0xFFFFFFFE, s1  }
0xa7: {  	p0 =	sne.s32 s1, s6  }
0xa8: {  	s6 =	sshll.u32 @p0 s6, $0xE  }
0xa9: {  	s6 =	sadd.s32 @p0 $0x11B8D, s6;
	s7 =	sshll.u32 @p0 s5, $0x11  }
0xaa: {  	s6 =	sor.u32 @p0 s7, s6  }
0xab: {  	[sflag:s6] =	ssyncadd.remote.s32 @p0 $0x1;
	_ =	sdelay $0x1  }
0xac: {  	s6 =	simm.s32 @p0 $0x1B8D  }
0xad: {  	_ =	swait.eq @p0 [sflag:s6], $0x1  }
0xae: {  	[sflag:s6] =	ssyncadd.s32 @p0 $0xFFFFFFFF  }
0xaf: {  	s7 =	sshll.u32 @!p0 s1, $0xE  }
0xb0: {  	s7 =	sor.u32 @!p0 $0x4000, s7;
	s6 =	simm.s32 @!p0 $0x1B8D  }
0xb1: {  	s5 =	sshll.u32 @!p0 s5, $0x11;
	s7 =	sadd.s32 @!p0 $0x11B8D, s7;
	_ =	swait.eq @!p0 [sflag:s6], $0x1  }
0xb2: {  	s5 =	sor.u32 @!p0 s5, s7;
	[sflag:s6] =	ssyncadd.s32 @!p0 $0xFFFFFFFF  }
0xb3: {  	s25 =	simm.s32 $0x1B8E;
	s24 =	sld [smem:$0x3FFE];
	[sflag:s5] =	ssyncadd.remote.s32 @!p0 $0x1  }
0xb4: {  	s26 =	simm.s32 $execute0_lowered;
	[smem:$0x3FD2] =	sst s25  }
0xb5: {  	s6 =	sshll.u32 s26, $0x1;
	_ =	strace $0x8000004F;
	[dreg:$0x1] =	wrdreg $0xFFFFFFFF  }
0xb6: {  	s28 =	simm.s32 $_size_execute0_lowered;
	s4 =	sadd.s32 s4, s6;
	[dreg:$0x0] =	wrdreg $0x0  }
0xb7: {  	s6 =	sshll.u32 s28, $0x1;
	[dreg:$0x2] =	wrdreg s4  }
0xb8: {  	[dreg:$0x3] =	wrdreg s6  }
0xb9: {  	[dreg:$0x4] =	wrdreg $0xC0  }
0xba: {  	_ =	task [dreg:s22], $0x5FFFF  }
0xbb: {  	[dreg:$0x1] =	wrdreg $0xFFFFFFFF  }
0xbc: {  	[dreg:$0x0] =	wrdreg $0x60  }
0xbd: {  	[dreg:$0x2] =	wrdreg s24  }
0xbe: {  	[dreg:$0x3] =	wrdreg s18  }
0xbf: {  	[dreg:$0x4] =	wrdreg $0xC  }
0xc0: {  	_ =	task.clear_ibuf [dreg:s22], $0x5FFFF;
	_ =	strace $0x9000004F  }
0xc1: {  	s29 =	simm.s32 $0xC;
	_ =	strace $0x80000051  }
0xc2: {  	_ =	swait.ge [sflag:s29], $0x1  }
0xc3: {  	[sflag:s29] =	ssyncadd.s32 $0xFFFFFFFF  }
0xc4: {  	_ =	strace $0x90000051  }
0xc5: {  	_ =	sfence  }
0xc6: {  	s30 =	sld [smem:$0x0];
	_ =	sdelay $0x2  }
0xc7: {  	s31 =	sshll.u32 s1, $0xD;
	s1 =	sshrl.u32 s1, $0x2  }
0xc8: {  	s4 =	sand.u32 $0x4000, s31;
	s1 =	sadd.s32 s1, s30  }
0xc9: {  	s0 =	sor.u32 s4, s0;
	s1 =	sshll.u32 s1, $0x11  }
0xca: {  	s0 =	sor.u32 s1, s0  }
0xcb: {  	s0 =	sadd.s32 $0x8F2B, s0  }
0xcc: {  	[sflag:s0] =	ssyncadd.remote.s32 $0x1  }
0xcd: {  	_ =	sfence.sel $0xFFFF  }
0xce: {  	[dreg:$0x0] =	wrdreg $0xFFFFFFFF;
	(pc) =	sbr.abs _section_cstart, $3  }
0xcf: {  	[dreg:$0x1] =	wrdreg $0xFFFFFFFF  }
0xd0: {  	_ =	task.clear_ibuf [dreg:s22], $0x2FFFF;
	_ =	strace $0x9FFFFFFF  }
0xd1: {  	(tm) =	ssettm $0x7FFFFFFF  }
tec
execute0_lowered:
.L_overlay_start_1:
0x0: {  	(tag) =	ssettag $0x1  }
0x1: {  	s0 =	srdreg.scid  }
0x2: {  	s1 =	stileid.u32;
	s12 =	rddreg [dreg:$0x0];
	s2 =	sand.u32 $0x1, s0  }
0x3: {  	s20 =	sshll.u32 s1, $0x8;
	[dreg:$0x6] =	wrdreg s2;
	s3 =	sshll.u32 s2, $0x7  }
0x4: {  	s30 =	sadd.s32 $0x148800, s12;
	s2 =	rddreg [dreg:$0x1];
	s0 =	sor.u32 s3, s20  }
0x5: {  	s3 =	simm.s32 $0x0;
	s25 =	sshrl.u32 s0, $0x3;
	s31 =	sshll.u32 s0, $0x4  }
0x6: {  	[smem:$0x7FF] =	sst s3;
	s4 =	sadd.s32 s25, s12;
	s22 =	sadd.s32 s30, s31  }
0x7: {  	_ =	strace $0x80000050;
	s5 =	sadd.s32 $0x6000, s4;
	[dreg:$0x5] =	wrdreg s22  }
0x8: {  	s4 =	sadd.s32 $0x6200, s4;
	[dreg:$0x3] =	wrdreg s5  }
0x9: {  	[dreg:$0x4] =	wrdreg s4  }
0xa: {  	s4 =	simm.s32 $0x7;
	s21 =	rddreg [dreg:$0x3]  }
0xb: {  	[tilespmem:s3], [sflag:$0x7] =	stream.linear.gather [hbm4b:s21+s3], $0x80, $0x38;
	[tilespmem:$0x8100] =	vst v63  }
0xc: {  	_ =	swait.ge [sflag:s4], $0x80  }
0xd: {  	[sflag:s4] =	ssyncset.done $0x0  }
0xe: {  	s6 =	simm.s32 $0x100;
	s5 =	simm.s32 $0x80;
	[sflag:s4] =	ssyncadd.s32 $0xFFFFFF80  }
0xf: {  	[tilespmem:s6], [sflag:$0x1] =	stream.indirect.gather [hbm4b:s2+s5], $0x80, s3, s5, $0xb8;
	[tilespmem:$0x8100] =	vst v63  }
0x10: {  	s7 =	simm.s32 $0x1;
	s23 =	rddreg [dreg:$0x4]  }
0x11: {  	[tilespmem:s5], [sflag:$0x6] =	stream.linear.gather [hbm4b:s23+s3], $0x80, $0x38;
	[tilespmem:$0x8100] =	vst v63  }
0x12: {  	_ =	swait.ge [sflag:s7], $0x4000  }
0x13: {  	[sflag:s7] =	ssyncset.done $0x0  }
0x14: {  	s26 =	sadd.s32 $0x6400, s12;
	s24 =	rddreg [dreg:$0x5];
	[sflag:s7] =	ssyncadd.s32 $0xFFFFC000  }
0x15: {  	[hbm4b:s24+s3] =	stream.linear.scatter [tilespmem:s6], [sflag:$0x3], $0x4000, $0x38;
	[tilespmem:$0x8100] =	vst v63  }
0x16: {  	s9 =	simm.s32 $0x6;
	s8 =	sadd.s32 s25, s26  }
0x17: {  	[tilespmem:s3], [sflag:$0x5] =	stream.linear.gather [hbm4b:s8+s3], $0x80, $0x38;
	[tilespmem:$0x8100] =	vst v63  }
0x18: {  	_ =	swait.ge [sflag:s9], $0x80  }
0x19: {  	[sflag:s9] =	ssyncset.done $0x0  }
0x1a: {  	s10 =	simm.s32 $0x4100;
	s11 =	simm.s32 $0x2;
	[sflag:s9] =	ssyncadd.s32 $0xFFFFFF80  }
0x1b: {  	[tilespmem:s10], [sflag:$0x2] =	stream.indirect.gather [hbm4b:s2+s5], $0x80, s5, s5, $0xb8;
	[tilespmem:$0x8100] =	vst v63  }
0x1c: {  	_ =	swait.ge [sflag:s11], $0x4000  }
0x1d: {  	s1 =	sadd.s32 $0x158800, s12;
	[sflag:s11] =	ssyncset.done $0x0  }
0x1e: {  	s29 =	sadd.s32 $0x6600, s12;
	s12 =	sadd.s32 s31, s1;
	[sflag:s11] =	ssyncadd.s32 $0xFFFFC000  }
0x1f: {  	[hbm4b:s12+s3] =	stream.linear.scatter [tilespmem:s10], [sflag:$0x4], $0x4000, $0x38;
	[tilespmem:$0x8100] =	vst v63  }
0x20: {  	s14 =	simm.s32 $0x3;
	s13 =	sadd.s32 s25, s29  }
0x21: {  	[tilespmem:s5], [sflag:$0x6] =	stream.linear.gather [hbm4b:s13+s3], $0x80, $0x38;
	[tilespmem:$0x8100] =	vst v63  }
0x22: {  	_ =	swait.ge [sflag:s14], $0x4000  }
0x23: {  	[sflag:s14] =	ssyncset.done $0x0  }
0x24: {  	s15 =	simm.s32 $0x5;
	[sflag:s14] =	ssyncadd.s32 $0xFFFFC000  }
0x25: {  	_ =	swait.ge [sflag:s15], $0x80  }
0x26: {  	[sflag:s15] =	ssyncset.done $0x0  }
0x27: {  	[sflag:s15] =	ssyncadd.s32 $0xFFFFFF80  }
0x28: {  	[tilespmem:s6], [sflag:$0x1] =	stream.indirect.gather [hbm4b:s2+s5], $0x80, s3, s5, $0xb8;
	[tilespmem:$0x8100] =	vst v63  }
0x29: {  	_ =	swait.ge [sflag:s7], $0x4000  }
0x2a: {  	s19 =	sor.u32 $0x20000, s31;
	[sflag:s7] =	ssyncset.done $0x0  }
0x2b: {  	s20 =	sor.u32 $0x400, s25;
	s16 =	sadd.s32 s30, s19;
	[sflag:s7] =	ssyncadd.s32 $0xFFFFC000  }
0x2c: {  	[hbm4b:s16+s3] =	stream.linear.scatter [tilespmem:s6], [sflag:$0x3], $0x4000, $0x38;
	[tilespmem:$0x8100] =	vst v63  }
0x2d: {  	s18 =	simm.s32 $0x4;
	s17 =	sadd.s32 s20, s26  }
0x2e: {  	[tilespmem:s3], [sflag:$0x5] =	stream.linear.gather [hbm4b:s17+s3], $0x80, $0x38;
	[tilespmem:$0x8100] =	vst v63  }
0x2f: {  	_ =	swait.ge [sflag:s18], $0x4000  }
0x30: {  	[sflag:s18] =	ssyncset.done $0x0  }
0x31: {  	[sflag:s18] =	ssyncadd.s32 $0xFFFFC000  }
0x32: {  	_ =	swait.ge [sflag:s9], $0x80  }
0x33: {  	[sflag:s9] =	ssyncset.done $0x0  }
0x34: {  	[sflag:s9] =	ssyncadd.s32 $0xFFFFFF80  }
0x35: {  	[tilespmem:s10], [sflag:$0x2] =	stream.indirect.gather [hbm4b:s2+s5], $0x80, s5, s5, $0xb8;
	[tilespmem:$0x8100] =	vst v63  }
0x36: {  	_ =	swait.ge [sflag:s11], $0x4000  }
0x37: {  	[sflag:s11] =	ssyncset.done $0x0  }
0x38: {  	s19 =	sadd.s32 s19, s1;
	[sflag:s11] =	ssyncadd.s32 $0xFFFFC000  }
0x39: {  	[hbm4b:s19+s3] =	stream.linear.scatter [tilespmem:s10], [sflag:$0x4], $0x4000, $0x38;
	[tilespmem:$0x8100] =	vst v63  }
0x3a: {  	s20 =	sadd.s32 s20, s29  }
0x3b: {  	[tilespmem:s5], [sflag:$0x6] =	stream.linear.gather [hbm4b:s20+s3], $0x80, $0x38;
	[tilespmem:$0x8100] =	vst v63  }
0x3c: {  	_ =	swait.ge [sflag:s14], $0x4000  }
0x3d: {  	[sflag:s14] =	ssyncset.done $0x0  }
0x3e: {  	[sflag:s14] =	ssyncadd.s32 $0xFFFFC000  }
0x3f: {  	_ =	swait.ge [sflag:s15], $0x80  }
0x40: {  	[sflag:s15] =	ssyncset.done $0x0  }
0x41: {  	[sflag:s15] =	ssyncadd.s32 $0xFFFFFF80  }
0x42: {  	[tilespmem:s6], [sflag:$0x1] =	stream.indirect.gather [hbm4b:s2+s5], $0x80, s3, s5, $0xb8;
	[tilespmem:$0x8100] =	vst v63  }
0x43: {  	_ =	swait.ge [sflag:s7], $0x4000  }
0x44: {  	s23 =	sor.u32 $0x40000, s31;
	[sflag:s7] =	ssyncset.done $0x0  }
0x45: {  	s21 =	sadd.s32 s30, s23;
	s24 =	sor.u32 $0x800, s25;
	[sflag:s7] =	ssyncadd.s32 $0xFFFFC000  }
0x46: {  	[hbm4b:s21+s3] =	stream.linear.scatter [tilespmem:s6], [sflag:$0x3], $0x4000, $0x38;
	[tilespmem:$0x8100] =	vst v63  }
0x47: {  	s22 =	sadd.s32 s24, s26  }
0x48: {  	[tilespmem:s3], [sflag:$0x5] =	stream.linear.gather [hbm4b:s22+s3], $0x80, $0x38;
	[tilespmem:$0x8100] =	vst v63  }
0x49: {  	_ =	swait.ge [sflag:s18], $0x4000  }
0x4a: {  	[sflag:s18] =	ssyncset.done $0x0  }
0x4b: {  	[sflag:s18] =	ssyncadd.s32 $0xFFFFC000  }
0x4c: {  	_ =	swait.ge [sflag:s9], $0x80  }
0x4d: {  	[sflag:s9] =	ssyncset.done $0x0  }
0x4e: {  	[sflag:s9] =	ssyncadd.s32 $0xFFFFFF80  }
0x4f: {  	[tilespmem:s10], [sflag:$0x2] =	stream.indirect.gather [hbm4b:s2+s5], $0x80, s5, s5, $0xb8;
	[tilespmem:$0x8100] =	vst v63  }
0x50: {  	_ =	swait.ge [sflag:s11], $0x4000  }
0x51: {  	[sflag:s11] =	ssyncset.done $0x0  }
0x52: {  	s23 =	sadd.s32 s23, s1;
	[sflag:s11] =	ssyncadd.s32 $0xFFFFC000  }
0x53: {  	[hbm4b:s23+s3] =	stream.linear.scatter [tilespmem:s10], [sflag:$0x4], $0x4000, $0x38;
	[tilespmem:$0x8100] =	vst v63  }
0x54: {  	s24 =	sadd.s32 s24, s29  }
0x55: {  	[tilespmem:s5], [sflag:$0x6] =	stream.linear.gather [hbm4b:s24+s3], $0x80, $0x38;
	[tilespmem:$0x8100] =	vst v63  }
0x56: {  	_ =	swait.ge [sflag:s14], $0x4000  }
0x57: {  	[sflag:s14] =	ssyncset.done $0x0  }
0x58: {  	[sflag:s14] =	ssyncadd.s32 $0xFFFFC000  }
0x59: {  	_ =	swait.ge [sflag:s15], $0x80  }
0x5a: {  	[sflag:s15] =	ssyncset.done $0x0  }
0x5b: {  	[sflag:s15] =	ssyncadd.s32 $0xFFFFFF80  }
0x5c: {  	[tilespmem:s6], [sflag:$0x1] =	stream.indirect.gather [hbm4b:s2+s5], $0x80, s3, s5, $0xb8;
	[tilespmem:$0x8100] =	vst v63  }
0x5d: {  	_ =	swait.ge [sflag:s7], $0x4000  }
0x5e: {  	s28 =	sor.u32 $0x60000, s31;
	[sflag:s7] =	ssyncset.done $0x0  }
0x5f: {  	s0 =	sor.u32 $0xC00, s25;
	s25 =	sadd.s32 s30, s28;
	[sflag:s7] =	ssyncadd.s32 $0xFFFFC000  }
0x60: {  	[hbm4b:s25+s3] =	stream.linear.scatter [tilespmem:s6], [sflag:$0x3], $0x4000, $0x38;
	[tilespmem:$0x8100] =	vst v63  }
0x61: {  	s26 =	sadd.s32 s0, s26  }
0x62: {  	[tilespmem:s3], [sflag:$0x5] =	stream.linear.gather [hbm4b:s26+s3], $0x80, $0x38;
	[tilespmem:$0x8100] =	vst v63  }
0x63: {  	_ =	swait.ge [sflag:s18], $0x4000  }
0x64: {  	[sflag:s18] =	ssyncset.done $0x0  }
0x65: {  	[sflag:s18] =	ssyncadd.s32 $0xFFFFC000  }
0x66: {  	_ =	swait.ge [sflag:s9], $0x80  }
0x67: {  	[sflag:s9] =	ssyncset.done $0x0  }
0x68: {  	[sflag:s9] =	ssyncadd.s32 $0xFFFFFF80  }
0x69: {  	[tilespmem:s10], [sflag:$0x2] =	stream.indirect.gather [hbm4b:s2+s5], $0x80, s5, s5, $0xb8;
	[tilespmem:$0x8100] =	vst v63  }
0x6a: {  	_ =	swait.ge [sflag:s11], $0x4000  }
0x6b: {  	[sflag:s11] =	ssyncset.done $0x0  }
0x6c: {  	s28 =	sadd.s32 s28, s1;
	[sflag:s11] =	ssyncadd.s32 $0xFFFFC000  }
0x6d: {  	[hbm4b:s28+s3] =	stream.linear.scatter [tilespmem:s10], [sflag:$0x4], $0x4000, $0x38;
	[tilespmem:$0x8100] =	vst v63  }
0x6e: {  	s29 =	sadd.s32 s0, s29  }
0x6f: {  	[tilespmem:s5], [sflag:$0x6] =	stream.linear.gather [hbm4b:s29+s3], $0x80, $0x38;
	[tilespmem:$0x8100] =	vst v63  }
0x70: {  	_ =	swait.ge [sflag:s14], $0x4000  }
0x71: {  	[sflag:s14] =	ssyncset.done $0x0  }
0x72: {  	[sflag:s14] =	ssyncadd.s32 $0xFFFFC000  }
0x73: {  	_ =	swait.ge [sflag:s15], $0x80  }
0x74: {  	[sflag:s15] =	ssyncset.done $0x0  }
0x75: {  	[sflag:s15] =	ssyncadd.s32 $0xFFFFFF80  }
0x76: {  	[tilespmem:s6], [sflag:$0x1] =	stream.indirect.gather [hbm4b:s2+s5], $0x80, s3, s5, $0xb8;
	[tilespmem:$0x8100] =	vst v63  }
0x77: {  	_ =	swait.ge [sflag:s7], $0x4000  }
0x78: {  	s0 =	sor.u32 $0x80000, s31;
	[sflag:s7] =	ssyncset.done $0x0  }
0x79: {  	s30 =	sadd.s32 s30, s0;
	[sflag:s7] =	ssyncadd.s32 $0xFFFFC000  }
0x7a: {  	[hbm4b:s30+s3] =	stream.linear.scatter [tilespmem:s6], [sflag:$0x3], $0x4000, $0x38;
	[tilespmem:$0x8100] =	vst v63  }
0x7b: {  	_ =	swait.ge [sflag:s18], $0x4000  }
0x7c: {  	[sflag:s18] =	ssyncset.done $0x0  }
0x7d: {  	[sflag:s18] =	ssyncadd.s32 $0xFFFFC000  }
0x7e: {  	_ =	swait.ge [sflag:s9], $0x80  }
0x7f: {  	[sflag:s9] =	ssyncset.done $0x0  }
0x80: {  	[sflag:s9] =	ssyncadd.s32 $0xFFFFFF80  }
0x81: {  	[tilespmem:s10], [sflag:$0x2] =	stream.indirect.gather [hbm4b:s2+s5], $0x80, s5, s5, $0xb8;
	[tilespmem:$0x8100] =	vst v63  }
0x82: {  	_ =	swait.ge [sflag:s11], $0x4000  }
0x83: {  	s31 =	sadd.s32 s0, s1;
	[sflag:s11] =	ssyncset.done $0x0;
	s1 =	rddreg [dreg:$0x6]  }
0x84: {  	s0 =	ssub.s32 $0x2, s1;
	[sflag:s11] =	ssyncadd.s32 $0xFFFFC000  }
0x85: {  	[hbm4b:s31+s3] =	stream.linear.scatter [tilespmem:s10], [sflag:$0x4], $0x4000, $0x38;
	[tilespmem:$0x8100] =	vst v63  }
0x86: {  	s1 =	sshrl.u32 s0, $0x1  }
0x87: {  	s0 =	ssub.s32 s0, s1  }
0x88: {  	s0 =	smax.u32 s0, $0x1  }
0x89: {  	p0 =	sne.s32 s0, $0x1  }
.Ltmp0:
0x8a: {  	_ =	swait.ge [sflag:s14], $0x4000;
	(pc) =	sbr.rel @!p0 .LBB2_2-.Ltmp0, $4  }
0x8b: {  	[sflag:s14] =	ssyncset.done $0x0  }
0x8c: {  	[sflag:s14] =	ssyncadd.s32 $0xFFFFC000  }
0x8d: {  	_ =	swait.ge [sflag:s18], $0x4000  }
0x8e: {  	s1 =	sadd.s32 $0xFFFFFFFF, s0;
	[sflag:s18] =	ssyncset.done $0x0  }
.LBB2_1:
0x8f: {  	s0 =	rddreg [dreg:$0x3];
	[sflag:s18] =	ssyncadd.s32 $0xFFFFC000  }
0x90: {  	[tilespmem:s3], [sflag:$0x7] =	stream.linear.gather [hbm4b:s0+s3], $0x80, $0x38;
	[tilespmem:$0x8100] =	vst v63  }
0x91: {  	_ =	swait.ge [sflag:s4], $0x80  }
0x92: {  	[sflag:s4] =	ssyncset.done $0x0  }
0x93: {  	[sflag:s4] =	ssyncadd.s32 $0xFFFFFF80  }
0x94: {  	[tilespmem:s6], [sflag:$0x1] =	stream.indirect.gather [hbm4b:s2+s5], $0x80, s3, s5, $0xb8;
	[tilespmem:$0x8100] =	vst v63  }
0x95: {  	s0 =	rddreg [dreg:$0x4]  }
0x96: {  	[tilespmem:s5], [sflag:$0x6] =	stream.linear.gather [hbm4b:s0+s3], $0x80, $0x38;
	[tilespmem:$0x8100] =	vst v63  }
0x97: {  	_ =	swait.ge [sflag:s7], $0x4000  }
0x98: {  	[sflag:s7] =	ssyncset.done $0x0  }
0x99: {  	s0 =	rddreg [dreg:$0x5];
	[sflag:s7] =	ssyncadd.s32 $0xFFFFC000  }
0x9a: {  	[hbm4b:s0+s3] =	stream.linear.scatter [tilespmem:s6], [sflag:$0x3], $0x4000, $0x38;
	[tilespmem:$0x8100] =	vst v63  }
0x9b: {  	_ = 	snop  }
0x9c: {  	[tilespmem:s3], [sflag:$0x5] =	stream.linear.gather [hbm4b:s8+s3], $0x80, $0x38;
	[tilespmem:$0x8100] =	vst v63  }
0x9d: {  	_ =	swait.ge [sflag:s9], $0x80  }
0x9e: {  	[sflag:s9] =	ssyncset.done $0x0  }
0x9f: {  	[sflag:s9] =	ssyncadd.s32 $0xFFFFFF80  }
0xa0: {  	[tilespmem:s10], [sflag:$0x2] =	stream.indirect.gather [hbm4b:s2+s5], $0x80, s5, s5, $0xb8;
	[tilespmem:$0x8100] =	vst v63  }
0xa1: {  	_ =	swait.ge [sflag:s11], $0x4000  }
0xa2: {  	[sflag:s11] =	ssyncset.done $0x0  }
0xa3: {  	[sflag:s11] =	ssyncadd.s32 $0xFFFFC000  }
0xa4: {  	[hbm4b:s12+s3] =	stream.linear.scatter [tilespmem:s10], [sflag:$0x4], $0x4000, $0x38;
	[tilespmem:$0x8100] =	vst v63  }
0xa5: {  	_ = 	snop  }
0xa6: {  	[tilespmem:s5], [sflag:$0x6] =	stream.linear.gather [hbm4b:s13+s3], $0x80, $0x38;
	[tilespmem:$0x8100] =	vst v63  }
0xa7: {  	_ =	swait.ge [sflag:s14], $0x4000  }
0xa8: {  	[sflag:s14] =	ssyncset.done $0x0  }
0xa9: {  	[sflag:s14] =	ssyncadd.s32 $0xFFFFC000  }
0xaa: {  	_ =	swait.ge [sflag:s15], $0x80  }
0xab: {  	[sflag:s15] =	ssyncset.done $0x0  }
0xac: {  	[sflag:s15] =	ssyncadd.s32 $0xFFFFFF80  }
0xad: {  	[tilespmem:s6], [sflag:$0x1] =	stream.indirect.gather [hbm4b:s2+s5], $0x80, s3, s5, $0xb8;
	[tilespmem:$0x8100] =	vst v63  }
0xae: {  	_ =	swait.ge [sflag:s7], $0x4000  }
0xaf: {  	[sflag:s7] =	ssyncset.done $0x0  }
0xb0: {  	[sflag:s7] =	ssyncadd.s32 $0xFFFFC000  }
0xb1: {  	[hbm4b:s16+s3] =	stream.linear.scatter [tilespmem:s6], [sflag:$0x3], $0x4000, $0x38;
	[tilespmem:$0x8100] =	vst v63  }
0xb2: {  	_ = 	snop  }
0xb3: {  	[tilespmem:s3], [sflag:$0x5] =	stream.linear.gather [hbm4b:s17+s3], $0x80, $0x38;
	[tilespmem:$0x8100] =	vst v63  }
0xb4: {  	_ =	swait.ge [sflag:s18], $0x4000  }
0xb5: {  	[sflag:s18] =	ssyncset.done $0x0  }
0xb6: {  	[sflag:s18] =	ssyncadd.s32 $0xFFFFC000  }
0xb7: {  	_ =	swait.ge [sflag:s9], $0x80  }
0xb8: {  	[sflag:s9] =	ssyncset.done $0x0  }
0xb9: {  	[sflag:s9] =	ssyncadd.s32 $0xFFFFFF80  }
0xba: {  	[tilespmem:s10], [sflag:$0x2] =	stream.indirect.gather [hbm4b:s2+s5], $0x80, s5, s5, $0xb8;
	[tilespmem:$0x8100] =	vst v63  }
0xbb: {  	_ =	swait.ge [sflag:s11], $0x4000  }
0xbc: {  	[sflag:s11] =	ssyncset.done $0x0  }
0xbd: {  	[sflag:s11] =	ssyncadd.s32 $0xFFFFC000  }
0xbe: {  	[hbm4b:s19+s3] =	stream.linear.scatter [tilespmem:s10], [sflag:$0x4], $0x4000, $0x38;
	[tilespmem:$0x8100] =	vst v63  }
0xbf: {  	_ = 	snop  }
0xc0: {  	[tilespmem:s5], [sflag:$0x6] =	stream.linear.gather [hbm4b:s20+s3], $0x80, $0x38;
	[tilespmem:$0x8100] =	vst v63  }
0xc1: {  	_ =	swait.ge [sflag:s14], $0x4000  }
0xc2: {  	[sflag:s14] =	ssyncset.done $0x0  }
0xc3: {  	[sflag:s14] =	ssyncadd.s32 $0xFFFFC000  }
0xc4: {  	_ =	swait.ge [sflag:s15], $0x80  }
0xc5: {  	[sflag:s15] =	ssyncset.done $0x0  }
0xc6: {  	[sflag:s15] =	ssyncadd.s32 $0xFFFFFF80  }
0xc7: {  	[tilespmem:s6], [sflag:$0x1] =	stream.indirect.gather [hbm4b:s2+s5], $0x80, s3, s5, $0xb8;
	[tilespmem:$0x8100] =	vst v63  }
0xc8: {  	_ =	swait.ge [sflag:s7], $0x4000  }
0xc9: {  	[sflag:s7] =	ssyncset.done $0x0  }
0xca: {  	[sflag:s7] =	ssyncadd.s32 $0xFFFFC000  }
0xcb: {  	[hbm4b:s21+s3] =	stream.linear.scatter [tilespmem:s6], [sflag:$0x3], $0x4000, $0x38;
	[tilespmem:$0x8100] =	vst v63  }
0xcc: {  	_ = 	snop  }
0xcd: {  	[tilespmem:s3], [sflag:$0x5] =	stream.linear.gather [hbm4b:s22+s3], $0x80, $0x38;
	[tilespmem:$0x8100] =	vst v63  }
0xce: {  	_ =	swait.ge [sflag:s18], $0x4000  }
0xcf: {  	[sflag:s18] =	ssyncset.done $0x0  }
0xd0: {  	[sflag:s18] =	ssyncadd.s32 $0xFFFFC000  }
0xd1: {  	_ =	swait.ge [sflag:s9], $0x80  }
0xd2: {  	[sflag:s9] =	ssyncset.done $0x0  }
0xd3: {  	[sflag:s9] =	ssyncadd.s32 $0xFFFFFF80  }
0xd4: {  	[tilespmem:s10], [sflag:$0x2] =	stream.indirect.gather [hbm4b:s2+s5], $0x80, s5, s5, $0xb8;
	[tilespmem:$0x8100] =	vst v63  }
0xd5: {  	_ =	swait.ge [sflag:s11], $0x4000  }
0xd6: {  	[sflag:s11] =	ssyncset.done $0x0  }
0xd7: {  	[sflag:s11] =	ssyncadd.s32 $0xFFFFC000  }
0xd8: {  	[hbm4b:s23+s3] =	stream.linear.scatter [tilespmem:s10], [sflag:$0x4], $0x4000, $0x38;
	[tilespmem:$0x8100] =	vst v63  }
0xd9: {  	_ = 	snop  }
0xda: {  	[tilespmem:s5], [sflag:$0x6] =	stream.linear.gather [hbm4b:s24+s3], $0x80, $0x38;
	[tilespmem:$0x8100] =	vst v63  }
0xdb: {  	_ =	swait.ge [sflag:s14], $0x4000  }
0xdc: {  	[sflag:s14] =	ssyncset.done $0x0  }
0xdd: {  	[sflag:s14] =	ssyncadd.s32 $0xFFFFC000  }
0xde: {  	_ =	swait.ge [sflag:s15], $0x80  }
0xdf: {  	[sflag:s15] =	ssyncset.done $0x0  }
0xe0: {  	[sflag:s15] =	ssyncadd.s32 $0xFFFFFF80  }
0xe1: {  	[tilespmem:s6], [sflag:$0x1] =	stream.indirect.gather [hbm4b:s2+s5], $0x80, s3, s5, $0xb8;
	[tilespmem:$0x8100] =	vst v63  }
0xe2: {  	_ =	swait.ge [sflag:s7], $0x4000  }
0xe3: {  	[sflag:s7] =	ssyncset.done $0x0  }
0xe4: {  	[sflag:s7] =	ssyncadd.s32 $0xFFFFC000  }
0xe5: {  	[hbm4b:s25+s3] =	stream.linear.scatter [tilespmem:s6], [sflag:$0x3], $0x4000, $0x38;
	[tilespmem:$0x8100] =	vst v63  }
0xe6: {  	_ = 	snop  }
0xe7: {  	[tilespmem:s3], [sflag:$0x5] =	stream.linear.gather [hbm4b:s26+s3], $0x80, $0x38;
	[tilespmem:$0x8100] =	vst v63  }
0xe8: {  	_ =	swait.ge [sflag:s18], $0x4000  }
0xe9: {  	[sflag:s18] =	ssyncset.done $0x0  }
0xea: {  	[sflag:s18] =	ssyncadd.s32 $0xFFFFC000  }
0xeb: {  	_ =	swait.ge [sflag:s9], $0x80  }
0xec: {  	[sflag:s9] =	ssyncset.done $0x0  }
0xed: {  	[sflag:s9] =	ssyncadd.s32 $0xFFFFFF80  }
0xee: {  	[tilespmem:s10], [sflag:$0x2] =	stream.indirect.gather [hbm4b:s2+s5], $0x80, s5, s5, $0xb8;
	[tilespmem:$0x8100] =	vst v63  }
0xef: {  	_ =	swait.ge [sflag:s11], $0x4000  }
0xf0: {  	[sflag:s11] =	ssyncset.done $0x0  }
0xf1: {  	[sflag:s11] =	ssyncadd.s32 $0xFFFFC000  }
0xf2: {  	[hbm4b:s28+s3] =	stream.linear.scatter [tilespmem:s10], [sflag:$0x4], $0x4000, $0x38;
	[tilespmem:$0x8100] =	vst v63  }
0xf3: {  	_ = 	snop  }
0xf4: {  	[tilespmem:s5], [sflag:$0x6] =	stream.linear.gather [hbm4b:s29+s3], $0x80, $0x38;
	[tilespmem:$0x8100] =	vst v63  }
0xf5: {  	_ =	swait.ge [sflag:s14], $0x4000  }
0xf6: {  	[sflag:s14] =	ssyncset.done $0x0  }
0xf7: {  	[sflag:s14] =	ssyncadd.s32 $0xFFFFC000  }
0xf8: {  	_ =	swait.ge [sflag:s15], $0x80  }
0xf9: {  	[sflag:s15] =	ssyncset.done $0x0  }
0xfa: {  	[sflag:s15] =	ssyncadd.s32 $0xFFFFFF80  }
0xfb: {  	[tilespmem:s6], [sflag:$0x1] =	stream.indirect.gather [hbm4b:s2+s5], $0x80, s3, s5, $0xb8;
	[tilespmem:$0x8100] =	vst v63  }
0xfc: {  	_ =	swait.ge [sflag:s7], $0x4000  }
0xfd: {  	[sflag:s7] =	ssyncset.done $0x0  }
0xfe: {  	[sflag:s7] =	ssyncadd.s32 $0xFFFFC000  }
0xff: {  	[hbm4b:s30+s3] =	stream.linear.scatter [tilespmem:s6], [sflag:$0x3], $0x4000, $0x38;
	[tilespmem:$0x8100] =	vst v63  }
0x100: {  	_ =	swait.ge [sflag:s18], $0x4000  }
0x101: {  	[sflag:s18] =	ssyncset.done $0x0  }
0x102: {  	[sflag:s18] =	ssyncadd.s32 $0xFFFFC000  }
0x103: {  	_ =	swait.ge [sflag:s9], $0x80  }
0x104: {  	[sflag:s9] =	ssyncset.done $0x0  }
0x105: {  	[sflag:s9] =	ssyncadd.s32 $0xFFFFFF80  }
0x106: {  	[tilespmem:s10], [sflag:$0x2] =	stream.indirect.gather [hbm4b:s2+s5], $0x80, s5, s5, $0xb8;
	[tilespmem:$0x8100] =	vst v63  }
0x107: {  	_ =	swait.ge [sflag:s11], $0x4000  }
0x108: {  	[sflag:s11] =	ssyncset.done $0x0  }
0x109: {  	p0 =	sne.s32 s1, $0x1;
	[sflag:s11] =	ssyncadd.s32 $0xFFFFC000  }
0x10a: {  	[hbm4b:s31+s3] =	stream.linear.scatter [tilespmem:s10], [sflag:$0x4], $0x4000, $0x38;
	[tilespmem:$0x8100] =	vst v63  }
.Ltmp1:
0x10b: {  	_ =	swait.ge [sflag:s14], $0x4000;
	(pc) =	sbr.rel @p0 .LBB2_1-.Ltmp1, $4  }
0x10c: {  	[sflag:s14] =	ssyncset.done $0x0  }
0x10d: {  	[sflag:s14] =	ssyncadd.s32 $0xFFFFC000  }
0x10e: {  	_ =	swait.ge [sflag:s18], $0x4000  }
0x10f: {  	s1 =	sadd.s32 $0xFFFFFFFF, s1;
	[sflag:s18] =	ssyncset.done $0x0  }
.LBB2_2:
0x110: {  	[sflag:s18] =	ssyncadd.s32 $0xFFFFC000  }
0x111: {  	_ =	sfence.sel $0x180000  }
0x112: {  	[bflag:$0x0] =	sbarrier.arrive $0xFFFF  }
0x113: {  	_ =	strace $0x90000050  }
0x114: {  	s0 =	stileid.u32;
	[bflag:$0x2] =	sbarrier.arrive $0xFFFF  }
0x115: {  	p0 =	sne.s32 s0, $0x0;
	s0 =	rddreg [dreg:$0x2]  }
0x116: {  	s0 =	sadd.s32 @!p0 $0x100000, s0  }
0x117: {  	[sflag:s0] =	ssyncadd.tile.s32 @!p0 $0x1;
	_ =	shalt  }
.Lfunc_end2:
_tile_overlayer_lowered:
.L_overlay_start_2:
0x118: {  	(tag) =	ssettag $0x2  }
0x119: {  	s0 =	rddreg [dreg:$0x0];
	s2 =	stileid.u32  }
0x11a: {  	s1 =	rddreg [dreg:$0x1];
	p0 =	sne.s32 s2, $0x0  }
0x11b: {  	s3 =	rddreg [dreg:$0x2];
	[bflag:$0x3] =	sbarrier.arrive $0xFFFF;
	s2 =	simm.s32 @!p0 $0x1C07  }
0x11c: {  	[timem:s3], [sflag:s2] =	dma.local @!p0 [hbm:s0], s1  }
0x11d: {  	s0 =	simm.s32 @!p0 $0x7  }
0x11e: {  	_ =	swait.ge @!p0 [sflag:s0], s1  }
0x11f: {  	s1 =	ssub.s32 @!p0 $0x0, s1;
	[sflag:s0] =	ssyncset.done @!p0 $0x0  }
0x120: {  	[sflag:s0] =	ssyncadd.s32 @!p0 s1  }
0x121: {  	[bflag:$0x3] =	sbarrier.arrive $0xFFFF  }
0x122: {  	_ =	shalt  }

// kernel: kernel.24.cloned.1.call-start
scs
__scs_entry_jumppad:
0x0: {  	(pc) =	sbr.rel $0x88, $3  }
0x1: {  	(tag) =	ssettag $0x0;
	lr =	simm.s32 $0x1  }
0x2: {  	[smem:$0x3F9C] =	sst lr;
	_ =	strace $0xD0000000  }
0x3: {  	_ = 	snop  }
0x4: {  	_ = 	snop  }
0x5: {  	_ = 	snop  }
0x6: {  	_ = 	snop  }
0x7: {  	_ = 	snop  }
__scs_overlays_trampoline_lowered:
0x8: {  	[smem:$0x3FAB] =	sst s0  }
0x9: {  	[smem:$0x3FAC] =	sst s1  }
0xa: {  	[smem:$0x3FAD] =	sst s2  }
0xb: {  	[smem:$0x3FAE] =	sst s3  }
0xc: {  	[smem:$0x3FAF] =	sst s4  }
0xd: {  	[smem:$0x3FB0] =	sst s5  }
0xe: {  	[smem:$0x3FB1] =	sst s6  }
0xf: {  	[smem:$0x3FB2] =	sst s7  }
0x10: {  	[smem:$0x3FB3] =	sst s8  }
0x11: {  	[smem:$0x3FB4] =	sst s9;
	s0 =	simm.s32 @!p0 $0x0  }
0x12: {  	s1 =	sld [smem:$0x3F9A];
	s0 =	simm.s32 @p0 $0x1  }
0x13: {  	[smem:$0x3FB5] =	sst s0;
	s0 =	simm.s32 @!p1 $0x0  }
0x14: {  	s2 =	sld [smem:$0x3F99];
	s0 =	simm.s32 @p1 $0x1  }
0x15: {  	[smem:$0x3FB6] =	sst s0;
	s0 =	simm.s32 @!p2 $0x0  }
0x16: {  	s3 =	sld [smem:$0x3FDB];
	s0 =	simm.s32 @p2 $0x1  }
0x17: {  	s4 =	simm.s32 $0x1BF5;
	[smem:$0x3FB8] =	sst s0  }
0x18: {  	s0 =	sld [smem:$0x3F9B];
	_ =	swait.ge [sflag:s4], $0x0  }
0x19: {  	s7 =	sld [smem:$0x3F9C]  }
0x1a: {  	s8 =	sadd.s32 $0xFFFFE003, lr  }
0x1b: {  	s9 =	sadd.s32 $0xFFFFFEF7, lr;
	s5 =	simm.s32 $0xFFFFFFFF;
	p2 =	slt.u32 s8, $0xFFFFF086  }
0x1c: {  	p1 =	slt.u32 s9, $0xF7A;
	s5 =	simm.s32 @!p2 $0x0  }
0x1d: {  	s5 =	simm.s32 @p1 $0x1;
	p0 =	seq.s32 s7, s2  }
0x1e: {  	s7 =	smul.u32 @!p0 $0xF7A, s2;
	p2 =	seq.s32 @!p0 s5, $0x0  }
0x1f: {  	s9 =	smul.u32 $0xF7A, s1;
	s8 =	simm.s32 @!p0 $0x1BF5;
	p2 =	por !p2, p0  }
0x20: {  	[sflag:s8] =	ssyncset.s32 @!p0 $0xFFFFF086;
	s6 =	sadd.s32 @!p0 s3, s7;
	s7 =	simm.s32 @!p0 $0x108  }
0x21: {  	s3 =	sadd.s32 s3, s9;
	s6 =	sadd.s32 @!p0 $0x88, s6;
	s7 =	simm.s32 @p2 $0x1082  }
0x22: {  	[simem:s7], [sflag:s8] =	dma.local @!p0 [hbm:s6], $0xF7A  }
0x23: {  	s9 =	sor.u32 $0xD0000000, s2;
	s6 =	simm.s32 $0x108;
	_ =	swait.ge @!p0 [sflag:s8], $0x0  }
0x24: {  	s3 =	sadd.s32 $0x88, s3;
	s6 =	simm.s32 @!p1 $0x1082;
	[sflag:s4] =	ssyncset.s32 $0xFFFFF086  }
0x25: {  	[simem:s6], [sflag:s4] =	dma.local [hbm:s3], $0xF7A  }
0x26: {  	[smem:$0x3F9C] =	sst s1;
	(tag) =	ssettag s2;
	_ =	strace s9  }
0x27: {  	s1 =	sld [smem:$0x3FAC]  }
0x28: {  	s2 =	sld [smem:$0x3FAD]  }
0x29: {  	s4 =	sld [smem:$0x3FAF]  }
0x2a: {  	p0 =	seq.s32 s5, $0x0;
	s5 =	sld [smem:$0x3FB0]  }
0x2b: {  	s6 =	sld [smem:$0x3FB1]  }
0x2c: {  	s7 =	sld [smem:$0x3FB2]  }
0x2d: {  	s3 =	simm.s32 $0x108;
	s8 =	sld [smem:$0x3FB3]  }
0x2e: {  	s3 =	simm.s32 @!p0 $0x1082;
	s9 =	sld [smem:$0x3FB4]  }
0x2f: {  	lr =	sadd.s32 s0, s3;
	s0 =	sld [smem:$0x3FAB]  }
0x30: {  	s3 =	sld [smem:$0x3FAE]  }
0x31: {  	[smem:$0x3FB7] =	sst s10  }
0x32: {  	s10 =	sld [smem:$0x3FB5];
	_ =	sdelay $0x3  }
0x33: {  	p0 =	seq.s32 s10, $0x1;
	s10 =	sld [smem:$0x3FB7];
	_ =	sdelay $0x3  }
0x34: {  	[smem:$0x3FB7] =	sst s10  }
0x35: {  	s10 =	sld [smem:$0x3FB6];
	_ =	sdelay $0x3  }
0x36: {  	p1 =	seq.s32 s10, $0x1;
	s10 =	sld [smem:$0x3FB7];
	_ =	sdelay $0x3  }
0x37: {  	[smem:$0x3FB7] =	sst s10  }
0x38: {  	s10 =	sld [smem:$0x3FB8]  }
0x39: {  	_ = 	snop;
	(pc) =	sbr.ind lr, $3  }
0x3a: {  	_ = 	snop  }
0x3b: {  	_ = 	snop  }
0x3c: {  	p2 =	seq.s32 s10, $0x1;
	s10 =	sld [smem:$0x3FB7]  }
0x3d: {  	_ =	shalt  }
0x3e: {  	_ =	shalt  }
0x3f: {  	_ =	shalt  }
0x40: {  	_ =	shalt  }
0x41: {  	_ =	shalt  }
0x42: {  	_ =	shalt  }
0x43: {  	_ =	shalt  }
0x44: {  	_ =	shalt  }
0x45: {  	_ =	shalt  }
0x46: {  	_ =	shalt  }
0x47: {  	_ =	shalt  }
0x48: {  	_ =	shalt  }
0x49: {  	_ =	shalt  }
0x4a: {  	_ =	shalt  }
0x4b: {  	_ =	shalt  }
0x4c: {  	_ =	shalt  }
0x4d: {  	_ =	shalt  }
0x4e: {  	_ =	shalt  }
0x4f: {  	_ =	shalt  }
0x50: {  	_ =	shalt  }
0x51: {  	_ =	shalt  }
0x52: {  	_ =	shalt  }
0x53: {  	_ =	shalt  }
0x54: {  	_ =	shalt  }
0x55: {  	_ =	shalt  }
0x56: {  	_ =	shalt  }
0x57: {  	_ =	shalt  }
0x58: {  	_ =	shalt  }
0x59: {  	_ =	shalt  }
0x5a: {  	_ =	shalt  }
0x5b: {  	_ =	shalt  }
0x5c: {  	_ =	shalt  }
0x5d: {  	_ =	shalt  }
0x5e: {  	_ =	shalt  }
0x5f: {  	_ =	shalt  }
0x60: {  	_ =	shalt  }
0x61: {  	_ =	shalt  }
0x62: {  	_ =	shalt  }
0x63: {  	_ =	shalt  }
0x64: {  	_ =	shalt  }
0x65: {  	_ =	shalt  }
0x66: {  	_ =	shalt  }
0x67: {  	_ =	shalt  }
0x68: {  	_ =	shalt  }
0x69: {  	_ =	shalt  }
0x6a: {  	_ =	shalt  }
0x6b: {  	_ =	shalt  }
0x6c: {  	_ =	shalt  }
0x6d: {  	_ =	shalt  }
0x6e: {  	_ =	shalt  }
0x6f: {  	_ =	shalt  }
0x70: {  	_ =	shalt  }
0x71: {  	_ =	shalt  }
0x72: {  	_ =	shalt  }
0x73: {  	_ =	shalt  }
0x74: {  	_ =	shalt  }
0x75: {  	_ =	shalt  }
0x76: {  	_ =	shalt  }
0x77: {  	_ =	shalt  }
0x78: {  	_ =	shalt  }
0x79: {  	_ =	shalt  }
0x7a: {  	_ =	shalt  }
0x7b: {  	_ =	shalt  }
0x7c: {  	_ =	shalt  }
0x7d: {  	_ =	shalt  }
0x7e: {  	_ =	shalt  }
0x7f: {  	_ =	shalt  }
0x80: {  	_ =	shalt  }
0x81: {  	_ =	shalt  }
0x82: {  	_ =	shalt  }
0x83: {  	_ =	shalt  }
0x84: {  	_ =	shalt  }
0x85: {  	_ =	shalt  }
0x86: {  	_ =	shalt  }
0x87: {  	_ =	shalt  }
.Lfunc_end0:
.L_simem_size_0:
called_computation.4_lowered:
.L_overlay_start_0:
0x88: {  	s2 =	sld [smem:$0x3FD9]  }
0x89: {  	s3 =	sld [smem:$0x3FFE];
	_ =	sdelay $0x1  }
0x8a: {  	s1 =	srdreg.scid  }
0x8b: {  	s0 =	sand.u32 $0x1, s1  }
0x8c: {  	s17 =	sshll.u32 s0, $0xA;
	s2 =	sadd.s32 s3, s2  }
0x8d: {  	s2 =	sadd.s32 s2, s17  }
0x8e: {  	[smem:$0x3FC3] =	sst s2  }
0x8f: {  	_ = 	snop  }
0x90: {  	s18 =	sld [smem:$0x3FC8];
	(tm) =	ssettm $0x1  }
0x91: {  	s19 =	sld [smem:$0x3FFB];
	_ =	sdelay $0x3  }
0x92: {  	_ =	strace s19  }
0x93: {  	s2 =	sld [smem:$0x3FFC];
	_ =	sdelay $0x3  }
0x94: {  	_ =	strace s2  }
0x95: {  	s2 =	sld [smem:$0x3FFD];
	_ =	sdelay $0x3  }
0x96: {  	_ =	strace s2  }
0x97: {  	_ =	strace $0x8FFFFFFF  }
0x98: {  	s20 =	sld [smem:$0x3FDB];
	_ =	sdelay $0x1  }
0x99: {  	s4 =	simm.s32 $_scs_section_size  }
0x9a: {  	s5 =	simm.s32 $_size__tile_overlayer_lowered;
	s6 =	simm.s32 $_tile_overlayer_lowered  }
0x9b: {  	s7 =	simm.s32 $0x1BFF;
	s21 =	sshll.u32 s6, $0x1;
	s4 =	sadd.s32 s4, s20  }
0x9c: {  	s22 =	simm.s32 $0x0;
	s5 =	sshll.u32 s5, $0x1;
	s6 =	sadd.s32 s21, s4  }
0x9d: {  	[timem:s22], [sflag:s7] =	dma.local [hbm:s6], s5  }
0x9e: {  	_ =	swait.ge [sflag:s7], s5  }
0x9f: {  	s5 =	ssub.s32 $0x0, s5;
	[sflag:s7] =	ssyncset.done $0x0  }
0xa0: {  	[sflag:s7] =	ssyncadd.s32 s5;
	_ =	sdelay $0x1  }
0xa1: {  	s23 =	simm.s32 $0x1B8B  }
0xa2: {  	_ =	swait.ge [sflag:s23], $0x1  }
0xa3: {  	[sflag:s23] =	ssyncset.done $0x0  }
0xa4: {  	[sflag:s23] =	ssyncadd.s32 $0xFFFFFFFF  }
0xa5: {  	s5 =	sld [smem:$0x0]  }
0xa6: {  	s6 =	sand.u32 $0xFFFFFFFE, s1  }
0xa7: {  	p0 =	sne.s32 s1, s6  }
0xa8: {  	s6 =	sshll.u32 @p0 s6, $0xE  }
0xa9: {  	s6 =	sadd.s32 @p0 $0x11B8D, s6;
	s7 =	sshll.u32 @p0 s5, $0x11  }
0xaa: {  	s6 =	sor.u32 @p0 s7, s6  }
0xab: {  	[sflag:s6] =	ssyncadd.remote.s32 @p0 $0x1;
	_ =	sdelay $0x1  }
0xac: {  	s6 =	simm.s32 @p0 $0x1B8D  }
0xad: {  	_ =	swait.eq @p0 [sflag:s6], $0x1  }
0xae: {  	[sflag:s6] =	ssyncadd.s32 @p0 $0xFFFFFFFF  }
0xaf: {  	s7 =	sshll.u32 @!p0 s1, $0xE  }
0xb0: {  	s7 =	sor.u32 @!p0 $0x4000, s7;
	s6 =	simm.s32 @!p0 $0x1B8D  }
0xb1: {  	s5 =	sshll.u32 @!p0 s5, $0x11;
	s7 =	sadd.s32 @!p0 $0x11B8D, s7;
	_ =	swait.eq @!p0 [sflag:s6], $0x1  }
0xb2: {  	s5 =	sor.u32 @!p0 s5, s7;
	[sflag:s6] =	ssyncadd.s32 @!p0 $0xFFFFFFFF  }
0xb3: {  	s25 =	simm.s32 $0x1B8E;
	s24 =	sld [smem:$0x3FFE];
	[sflag:s5] =	ssyncadd.remote.s32 @!p0 $0x1  }
0xb4: {  	s26 =	simm.s32 $execute0_lowered;
	[smem:$0x3FD2] =	sst s25  }
0xb5: {  	s6 =	sshll.u32 s26, $0x1;
	_ =	strace $0x80000052;
	[dreg:$0x1] =	wrdreg $0xFFFFFFFF  }
0xb6: {  	s28 =	simm.s32 $_size_execute0_lowered;
	s4 =	sadd.s32 s4, s6;
	[dreg:$0x0] =	wrdreg $0x0  }
0xb7: {  	s6 =	sshll.u32 s28, $0x1;
	[dreg:$0x2] =	wrdreg s4  }
0xb8: {  	[dreg:$0x3] =	wrdreg s6  }
0xb9: {  	[dreg:$0x4] =	wrdreg $0xC0  }
0xba: {  	_ =	task [dreg:s22], $0x5FFFF  }
0xbb: {  	[dreg:$0x1] =	wrdreg $0xFFFFFFFF  }
0xbc: {  	[dreg:$0x0] =	wrdreg $0x60  }
0xbd: {  	[dreg:$0x2] =	wrdreg s24  }
0xbe: {  	[dreg:$0x3] =	wrdreg s18  }
0xbf: {  	[dreg:$0x4] =	wrdreg $0xD  }
0xc0: {  	_ =	task.clear_ibuf [dreg:s22], $0x5FFFF;
	_ =	strace $0x90000052  }
0xc1: {  	s29 =	simm.s32 $0xD;
	_ =	strace $0x80000054  }
0xc2: {  	_ =	swait.ge [sflag:s29], $0x1  }
0xc3: {  	[sflag:s29] =	ssyncadd.s32 $0xFFFFFFFF  }
0xc4: {  	_ =	strace $0x90000054  }
0xc5: {  	_ =	sfence  }
0xc6: {  	s30 =	sld [smem:$0x0];
	_ =	sdelay $0x2  }
0xc7: {  	s31 =	sshll.u32 s1, $0xD;
	s1 =	sshrl.u32 s1, $0x2  }
0xc8: {  	s4 =	sand.u32 $0x4000, s31;
	s1 =	sadd.s32 s1, s30  }
0xc9: {  	s0 =	sor.u32 s4, s0;
	s1 =	sshll.u32 s1, $0x11  }
0xca: {  	s0 =	sor.u32 s1, s0  }
0xcb: {  	s0 =	sadd.s32 $0x8F2B, s0  }
0xcc: {  	[sflag:s0] =	ssyncadd.remote.s32 $0x1  }
0xcd: {  	_ =	sfence.sel $0xFFFF  }
0xce: {  	[dreg:$0x0] =	wrdreg $0xFFFFFFFF;
	(pc) =	sbr.abs _section_cstart, $3  }
0xcf: {  	[dreg:$0x1] =	wrdreg $0xFFFFFFFF  }
0xd0: {  	_ =	task.clear_ibuf [dreg:s22], $0x2FFFF;
	_ =	strace $0x9FFFFFFF  }
0xd1: {  	(tm) =	ssettm $0x7FFFFFFF  }
tec
execute0_lowered:
.L_overlay_start_1:
0x0: {  	(tag) =	ssettag $0x1  }
0x1: {  	s0 =	srdreg.scid  }
0x2: {  	s2 =	stileid.u32;
	s1 =	sand.u32 $0x1, s0  }
0x3: {  	s24 =	rddreg [dreg:$0x0];
	s3 =	sshll.u32 s2, $0x8;
	s4 =	sshll.u32 s1, $0x7  }
0x4: {  	s2 =	rddreg [dreg:$0x1];
	s30 =	sadd.s32 $0x1E8800, s24;
	s4 =	sor.u32 s4, s3  }
0x5: {  	s3 =	simm.s32 $0x0;
	s5 =	sshrl.u32 s4, $0x3;
	s31 =	sshll.u32 s4, $0x4  }
0x6: {  	[smem:$0x7FF] =	sst s3;
	s29 =	sadd.s32 s5, s24;
	s4 =	sadd.s32 s30, s31  }
0x7: {  	_ =	strace $0x80000053;
	s5 =	sadd.s32 $0x7400, s29;
	[dreg:$0x5] =	wrdreg s4  }
0x8: {  	s25 =	sadd.s32 $0x7600, s29;
	[dreg:$0x3] =	wrdreg s5  }
0x9: {  	[dreg:$0x4] =	wrdreg s25  }
0xa: {  	s4 =	simm.s32 $0x7;
	s6 =	rddreg [dreg:$0x3]  }
0xb: {  	[tilespmem:s3], [sflag:$0x7] =	stream.linear.gather [hbm4b:s6+s3], $0x80, $0x38;
	[tilespmem:$0x8100] =	vst v63  }
0xc: {  	_ =	swait.ge [sflag:s4], $0x80  }
0xd: {  	[sflag:s4] =	ssyncset.done $0x0  }
0xe: {  	s5 =	simm.s32 $0x80;
	s6 =	simm.s32 $0x100;
	[sflag:s4] =	ssyncadd.s32 $0xFFFFFF80  }
0xf: {  	[tilespmem:s6], [sflag:$0x1] =	stream.indirect.gather [hbm4b:s2+s5], $0x80, s3, s5, $0xb8;
	[tilespmem:$0x8100] =	vst v63  }
0x10: {  	s7 =	simm.s32 $0x1;
	s8 =	rddreg [dreg:$0x4]  }
0x11: {  	[tilespmem:s5], [sflag:$0x6] =	stream.linear.gather [hbm4b:s8+s3], $0x80, $0x38;
	[tilespmem:$0x8100] =	vst v63  }
0x12: {  	_ =	swait.ge [sflag:s7], $0x4000  }
0x13: {  	[sflag:s7] =	ssyncset.done $0x0  }
0x14: {  	s26 =	rddreg [dreg:$0x5];
	[sflag:s7] =	ssyncadd.s32 $0xFFFFC000  }
0x15: {  	[hbm4b:s26+s3] =	stream.linear.scatter [tilespmem:s6], [sflag:$0x3], $0x4000, $0x38;
	[tilespmem:$0x8100] =	vst v63  }
0x16: {  	s9 =	simm.s32 $0x6;
	s8 =	sadd.s32 $0x7800, s29  }
0x17: {  	[tilespmem:s3], [sflag:$0x5] =	stream.linear.gather [hbm4b:s8+s3], $0x80, $0x38;
	[tilespmem:$0x8100] =	vst v63  }
0x18: {  	_ =	swait.ge [sflag:s9], $0x80  }
0x19: {  	[sflag:s9] =	ssyncset.done $0x0  }
0x1a: {  	s10 =	simm.s32 $0x4100;
	s11 =	simm.s32 $0x2;
	[sflag:s9] =	ssyncadd.s32 $0xFFFFFF80  }
0x1b: {  	[tilespmem:s10], [sflag:$0x2] =	stream.indirect.gather [hbm4b:s2+s5], $0x80, s5, s5, $0xb8;
	[tilespmem:$0x8100] =	vst v63  }
0x1c: {  	_ =	swait.ge [sflag:s11], $0x4000  }
0x1d: {  	s0 =	sadd.s32 $0x1F8800, s24;
	[sflag:s11] =	ssyncset.done $0x0  }
0x1e: {  	s12 =	sadd.s32 s31, s0;
	[sflag:s11] =	ssyncadd.s32 $0xFFFFC000  }
0x1f: {  	[hbm4b:s12+s3] =	stream.linear.scatter [tilespmem:s10], [sflag:$0x4], $0x4000, $0x38;
	[tilespmem:$0x8100] =	vst v63  }
0x20: {  	s14 =	simm.s32 $0x3;
	s13 =	sadd.s32 $0x7A00, s29  }
0x21: {  	[tilespmem:s5], [sflag:$0x6] =	stream.linear.gather [hbm4b:s13+s3], $0x80, $0x38;
	[tilespmem:$0x8100] =	vst v63  }
0x22: {  	_ =	swait.ge [sflag:s14], $0x4000  }
0x23: {  	[sflag:s14] =	ssyncset.done $0x0  }
0x24: {  	s15 =	simm.s32 $0x5;
	[sflag:s14] =	ssyncadd.s32 $0xFFFFC000  }
0x25: {  	_ =	swait.ge [sflag:s15], $0x80  }
0x26: {  	[sflag:s15] =	ssyncset.done $0x0  }
0x27: {  	[sflag:s15] =	ssyncadd.s32 $0xFFFFFF80  }
0x28: {  	[tilespmem:s6], [sflag:$0x1] =	stream.indirect.gather [hbm4b:s2+s5], $0x80, s3, s5, $0xb8;
	[tilespmem:$0x8100] =	vst v63  }
0x29: {  	_ =	swait.ge [sflag:s7], $0x4000  }
0x2a: {  	s19 =	sor.u32 $0x20000, s31;
	[sflag:s7] =	ssyncset.done $0x0  }
0x2b: {  	s16 =	sadd.s32 s30, s19;
	[sflag:s7] =	ssyncadd.s32 $0xFFFFC000  }
0x2c: {  	[hbm4b:s16+s3] =	stream.linear.scatter [tilespmem:s6], [sflag:$0x3], $0x4000, $0x38;
	[tilespmem:$0x8100] =	vst v63  }
0x2d: {  	s17 =	simm.s32 $0x4;
	s18 =	sadd.s32 $0x7C00, s29  }
0x2e: {  	[tilespmem:s3], [sflag:$0x5] =	stream.linear.gather [hbm4b:s18+s3], $0x80, $0x38;
	[tilespmem:$0x8100] =	vst v63  }
0x2f: {  	_ =	swait.ge [sflag:s17], $0x4000  }
0x30: {  	[sflag:s17] =	ssyncset.done $0x0  }
0x31: {  	[sflag:s17] =	ssyncadd.s32 $0xFFFFC000  }
0x32: {  	_ =	swait.ge [sflag:s9], $0x80  }
0x33: {  	[sflag:s9] =	ssyncset.done $0x0  }
0x34: {  	[sflag:s9] =	ssyncadd.s32 $0xFFFFFF80  }
0x35: {  	[tilespmem:s10], [sflag:$0x2] =	stream.indirect.gather [hbm4b:s2+s5], $0x80, s5, s5, $0xb8;
	[tilespmem:$0x8100] =	vst v63  }
0x36: {  	_ =	swait.ge [sflag:s11], $0x4000  }
0x37: {  	[sflag:s11] =	ssyncset.done $0x0  }
0x38: {  	s19 =	sadd.s32 s19, s0;
	[sflag:s11] =	ssyncadd.s32 $0xFFFFC000  }
0x39: {  	[hbm4b:s19+s3] =	stream.linear.scatter [tilespmem:s10], [sflag:$0x4], $0x4000, $0x38;
	[tilespmem:$0x8100] =	vst v63  }
0x3a: {  	s20 =	sadd.s32 $0x7E00, s29  }
0x3b: {  	[tilespmem:s5], [sflag:$0x6] =	stream.linear.gather [hbm4b:s20+s3], $0x80, $0x38;
	[tilespmem:$0x8100] =	vst v63  }
0x3c: {  	_ =	swait.ge [sflag:s14], $0x4000  }
0x3d: {  	[sflag:s14] =	ssyncset.done $0x0  }
0x3e: {  	[sflag:s14] =	ssyncadd.s32 $0xFFFFC000  }
0x3f: {  	_ =	swait.ge [sflag:s15], $0x80  }
0x40: {  	[sflag:s15] =	ssyncset.done $0x0  }
0x41: {  	[sflag:s15] =	ssyncadd.s32 $0xFFFFFF80  }
0x42: {  	[tilespmem:s6], [sflag:$0x1] =	stream.indirect.gather [hbm4b:s2+s5], $0x80, s3, s5, $0xb8;
	[tilespmem:$0x8100] =	vst v63  }
0x43: {  	_ =	swait.ge [sflag:s7], $0x4000  }
0x44: {  	s23 =	sor.u32 $0x40000, s31;
	[sflag:s7] =	ssyncset.done $0x0  }
0x45: {  	s21 =	sadd.s32 s30, s23;
	[sflag:s7] =	ssyncadd.s32 $0xFFFFC000  }
0x46: {  	[hbm4b:s21+s3] =	stream.linear.scatter [tilespmem:s6], [sflag:$0x3], $0x4000, $0x38;
	[tilespmem:$0x8100] =	vst v63  }
0x47: {  	s22 =	sadd.s32 $0x8000, s29  }
0x48: {  	[tilespmem:s3], [sflag:$0x5] =	stream.linear.gather [hbm4b:s22+s3], $0x80, $0x38;
	[tilespmem:$0x8100] =	vst v63  }
0x49: {  	_ =	swait.ge [sflag:s17], $0x4000  }
0x4a: {  	[sflag:s17] =	ssyncset.done $0x0  }
0x4b: {  	[sflag:s17] =	ssyncadd.s32 $0xFFFFC000  }
0x4c: {  	_ =	swait.ge [sflag:s9], $0x80  }
0x4d: {  	[sflag:s9] =	ssyncset.done $0x0  }
0x4e: {  	[sflag:s9] =	ssyncadd.s32 $0xFFFFFF80  }
0x4f: {  	[tilespmem:s10], [sflag:$0x2] =	stream.indirect.gather [hbm4b:s2+s5], $0x80, s5, s5, $0xb8;
	[tilespmem:$0x8100] =	vst v63  }
0x50: {  	_ =	swait.ge [sflag:s11], $0x4000  }
0x51: {  	[sflag:s11] =	ssyncset.done $0x0  }
0x52: {  	s23 =	sadd.s32 s23, s0;
	[sflag:s11] =	ssyncadd.s32 $0xFFFFC000  }
0x53: {  	[hbm4b:s23+s3] =	stream.linear.scatter [tilespmem:s10], [sflag:$0x4], $0x4000, $0x38;
	[tilespmem:$0x8100] =	vst v63  }
0x54: {  	s24 =	sadd.s32 $0x8200, s29  }
0x55: {  	[tilespmem:s5], [sflag:$0x6] =	stream.linear.gather [hbm4b:s24+s3], $0x80, $0x38;
	[tilespmem:$0x8100] =	vst v63  }
0x56: {  	_ =	swait.ge [sflag:s14], $0x4000  }
0x57: {  	[sflag:s14] =	ssyncset.done $0x0  }
0x58: {  	[sflag:s14] =	ssyncadd.s32 $0xFFFFC000  }
0x59: {  	_ =	swait.ge [sflag:s15], $0x80  }
0x5a: {  	[sflag:s15] =	ssyncset.done $0x0  }
0x5b: {  	[sflag:s15] =	ssyncadd.s32 $0xFFFFFF80  }
0x5c: {  	[tilespmem:s6], [sflag:$0x1] =	stream.indirect.gather [hbm4b:s2+s5], $0x80, s3, s5, $0xb8;
	[tilespmem:$0x8100] =	vst v63  }
0x5d: {  	_ =	swait.ge [sflag:s7], $0x4000  }
0x5e: {  	s28 =	sor.u32 $0x60000, s31;
	[sflag:s7] =	ssyncset.done $0x0  }
0x5f: {  	s25 =	sadd.s32 s30, s28;
	[sflag:s7] =	ssyncadd.s32 $0xFFFFC000  }
0x60: {  	[hbm4b:s25+s3] =	stream.linear.scatter [tilespmem:s6], [sflag:$0x3], $0x4000, $0x38;
	[tilespmem:$0x8100] =	vst v63  }
0x61: {  	s26 =	sadd.s32 $0x8400, s29  }
0x62: {  	[tilespmem:s3], [sflag:$0x5] =	stream.linear.gather [hbm4b:s26+s3], $0x80, $0x38;
	[tilespmem:$0x8100] =	vst v63  }
0x63: {  	_ =	swait.ge [sflag:s17], $0x4000  }
0x64: {  	[sflag:s17] =	ssyncset.done $0x0  }
0x65: {  	[sflag:s17] =	ssyncadd.s32 $0xFFFFC000  }
0x66: {  	_ =	swait.ge [sflag:s9], $0x80  }
0x67: {  	[sflag:s9] =	ssyncset.done $0x0  }
0x68: {  	[sflag:s9] =	ssyncadd.s32 $0xFFFFFF80  }
0x69: {  	[tilespmem:s10], [sflag:$0x2] =	stream.indirect.gather [hbm4b:s2+s5], $0x80, s5, s5, $0xb8;
	[tilespmem:$0x8100] =	vst v63  }
0x6a: {  	_ =	swait.ge [sflag:s11], $0x4000  }
0x6b: {  	[sflag:s11] =	ssyncset.done $0x0  }
0x6c: {  	s28 =	sadd.s32 s28, s0;
	[sflag:s11] =	ssyncadd.s32 $0xFFFFC000  }
0x6d: {  	[hbm4b:s28+s3] =	stream.linear.scatter [tilespmem:s10], [sflag:$0x4], $0x4000, $0x38;
	[tilespmem:$0x8100] =	vst v63  }
0x6e: {  	s29 =	sadd.s32 $0x8600, s29  }
0x6f: {  	[tilespmem:s5], [sflag:$0x6] =	stream.linear.gather [hbm4b:s29+s3], $0x80, $0x38;
	[tilespmem:$0x8100] =	vst v63  }
0x70: {  	_ =	swait.ge [sflag:s14], $0x4000  }
0x71: {  	[sflag:s14] =	ssyncset.done $0x0  }
0x72: {  	[sflag:s14] =	ssyncadd.s32 $0xFFFFC000  }
0x73: {  	_ =	swait.ge [sflag:s15], $0x80  }
0x74: {  	[sflag:s15] =	ssyncset.done $0x0  }
0x75: {  	[sflag:s15] =	ssyncadd.s32 $0xFFFFFF80  }
0x76: {  	[tilespmem:s6], [sflag:$0x1] =	stream.indirect.gather [hbm4b:s2+s5], $0x80, s3, s5, $0xb8;
	[tilespmem:$0x8100] =	vst v63  }
0x77: {  	_ =	swait.ge [sflag:s7], $0x4000  }
0x78: {  	s31 =	sor.u32 $0x80000, s31;
	[sflag:s7] =	ssyncset.done $0x0  }
0x79: {  	s30 =	sadd.s32 s30, s31;
	[sflag:s7] =	ssyncadd.s32 $0xFFFFC000  }
0x7a: {  	[hbm4b:s30+s3] =	stream.linear.scatter [tilespmem:s6], [sflag:$0x3], $0x4000, $0x38;
	[tilespmem:$0x8100] =	vst v63  }
0x7b: {  	_ =	swait.ge [sflag:s17], $0x4000  }
0x7c: {  	[sflag:s17] =	ssyncset.done $0x0  }
0x7d: {  	[sflag:s17] =	ssyncadd.s32 $0xFFFFC000  }
0x7e: {  	_ =	swait.ge [sflag:s9], $0x80  }
0x7f: {  	s31 =	sadd.s32 s31, s0;
	s0 =	ssub.s32 $0x2, s1;
	[sflag:s9] =	ssyncset.done $0x0  }
0x80: {  	s1 =	sshrl.u32 s0, $0x1;
	[sflag:s9] =	ssyncadd.s32 $0xFFFFFF80  }
0x81: {  	[tilespmem:s10], [sflag:$0x2] =	stream.indirect.gather [hbm4b:s2+s5], $0x80, s5, s5, $0xb8;
	[tilespmem:$0x8100] =	vst v63  }
0x82: {  	s0 =	ssub.s32 s0, s1;
	_ =	swait.ge [sflag:s11], $0x4000  }
0x83: {  	s0 =	smax.u32 s0, $0x1;
	[sflag:s11] =	ssyncset.done $0x0  }
0x84: {  	p0 =	sne.s32 s0, $0x1;
	[sflag:s11] =	ssyncadd.s32 $0xFFFFC000  }
0x85: {  	[hbm4b:s31+s3] =	stream.linear.scatter [tilespmem:s10], [sflag:$0x4], $0x4000, $0x38;
	[tilespmem:$0x8100] =	vst v63  }
.Ltmp0:
0x86: {  	_ =	swait.ge [sflag:s14], $0x4000;
	(pc) =	sbr.rel @!p0 .LBB2_2-.Ltmp0, $4  }
0x87: {  	[sflag:s14] =	ssyncset.done $0x0  }
0x88: {  	[sflag:s14] =	ssyncadd.s32 $0xFFFFC000  }
0x89: {  	_ =	swait.ge [sflag:s17], $0x4000  }
0x8a: {  	s1 =	sadd.s32 $0xFFFFFFFF, s0;
	[sflag:s17] =	ssyncset.done $0x0  }
.LBB2_1:
0x8b: {  	s0 =	rddreg [dreg:$0x3];
	[sflag:s17] =	ssyncadd.s32 $0xFFFFC000  }
0x8c: {  	[tilespmem:s3], [sflag:$0x7] =	stream.linear.gather [hbm4b:s0+s3], $0x80, $0x38;
	[tilespmem:$0x8100] =	vst v63  }
0x8d: {  	_ =	swait.ge [sflag:s4], $0x80  }
0x8e: {  	[sflag:s4] =	ssyncset.done $0x0  }
0x8f: {  	[sflag:s4] =	ssyncadd.s32 $0xFFFFFF80  }
0x90: {  	[tilespmem:s6], [sflag:$0x1] =	stream.indirect.gather [hbm4b:s2+s5], $0x80, s3, s5, $0xb8;
	[tilespmem:$0x8100] =	vst v63  }
0x91: {  	s0 =	rddreg [dreg:$0x4]  }
0x92: {  	[tilespmem:s5], [sflag:$0x6] =	stream.linear.gather [hbm4b:s0+s3], $0x80, $0x38;
	[tilespmem:$0x8100] =	vst v63  }
0x93: {  	_ =	swait.ge [sflag:s7], $0x4000  }
0x94: {  	[sflag:s7] =	ssyncset.done $0x0  }
0x95: {  	s0 =	rddreg [dreg:$0x5];
	[sflag:s7] =	ssyncadd.s32 $0xFFFFC000  }
0x96: {  	[hbm4b:s0+s3] =	stream.linear.scatter [tilespmem:s6], [sflag:$0x3], $0x4000, $0x38;
	[tilespmem:$0x8100] =	vst v63  }
0x97: {  	_ = 	snop  }
0x98: {  	[tilespmem:s3], [sflag:$0x5] =	stream.linear.gather [hbm4b:s8+s3], $0x80, $0x38;
	[tilespmem:$0x8100] =	vst v63  }
0x99: {  	_ =	swait.ge [sflag:s9], $0x80  }
0x9a: {  	[sflag:s9] =	ssyncset.done $0x0  }
0x9b: {  	[sflag:s9] =	ssyncadd.s32 $0xFFFFFF80  }
0x9c: {  	[tilespmem:s10], [sflag:$0x2] =	stream.indirect.gather [hbm4b:s2+s5], $0x80, s5, s5, $0xb8;
	[tilespmem:$0x8100] =	vst v63  }
0x9d: {  	_ =	swait.ge [sflag:s11], $0x4000  }
0x9e: {  	[sflag:s11] =	ssyncset.done $0x0  }
0x9f: {  	[sflag:s11] =	ssyncadd.s32 $0xFFFFC000  }
0xa0: {  	[hbm4b:s12+s3] =	stream.linear.scatter [tilespmem:s10], [sflag:$0x4], $0x4000, $0x38;
	[tilespmem:$0x8100] =	vst v63  }
0xa1: {  	_ = 	snop  }
0xa2: {  	[tilespmem:s5], [sflag:$0x6] =	stream.linear.gather [hbm4b:s13+s3], $0x80, $0x38;
	[tilespmem:$0x8100] =	vst v63  }
0xa3: {  	_ =	swait.ge [sflag:s14], $0x4000  }
0xa4: {  	[sflag:s14] =	ssyncset.done $0x0  }
0xa5: {  	[sflag:s14] =	ssyncadd.s32 $0xFFFFC000  }
0xa6: {  	_ =	swait.ge [sflag:s15], $0x80  }
0xa7: {  	[sflag:s15] =	ssyncset.done $0x0  }
0xa8: {  	[sflag:s15] =	ssyncadd.s32 $0xFFFFFF80  }
0xa9: {  	[tilespmem:s6], [sflag:$0x1] =	stream.indirect.gather [hbm4b:s2+s5], $0x80, s3, s5, $0xb8;
	[tilespmem:$0x8100] =	vst v63  }
0xaa: {  	_ =	swait.ge [sflag:s7], $0x4000  }
0xab: {  	[sflag:s7] =	ssyncset.done $0x0  }
0xac: {  	[sflag:s7] =	ssyncadd.s32 $0xFFFFC000  }
0xad: {  	[hbm4b:s16+s3] =	stream.linear.scatter [tilespmem:s6], [sflag:$0x3], $0x4000, $0x38;
	[tilespmem:$0x8100] =	vst v63  }
0xae: {  	_ = 	snop  }
0xaf: {  	[tilespmem:s3], [sflag:$0x5] =	stream.linear.gather [hbm4b:s18+s3], $0x80, $0x38;
	[tilespmem:$0x8100] =	vst v63  }
0xb0: {  	_ =	swait.ge [sflag:s17], $0x4000  }
0xb1: {  	[sflag:s17] =	ssyncset.done $0x0  }
0xb2: {  	[sflag:s17] =	ssyncadd.s32 $0xFFFFC000  }
0xb3: {  	_ =	swait.ge [sflag:s9], $0x80  }
0xb4: {  	[sflag:s9] =	ssyncset.done $0x0  }
0xb5: {  	[sflag:s9] =	ssyncadd.s32 $0xFFFFFF80  }
0xb6: {  	[tilespmem:s10], [sflag:$0x2] =	stream.indirect.gather [hbm4b:s2+s5], $0x80, s5, s5, $0xb8;
	[tilespmem:$0x8100] =	vst v63  }
0xb7: {  	_ =	swait.ge [sflag:s11], $0x4000  }
0xb8: {  	[sflag:s11] =	ssyncset.done $0x0  }
0xb9: {  	[sflag:s11] =	ssyncadd.s32 $0xFFFFC000  }
0xba: {  	[hbm4b:s19+s3] =	stream.linear.scatter [tilespmem:s10], [sflag:$0x4], $0x4000, $0x38;
	[tilespmem:$0x8100] =	vst v63  }
0xbb: {  	_ = 	snop  }
0xbc: {  	[tilespmem:s5], [sflag:$0x6] =	stream.linear.gather [hbm4b:s20+s3], $0x80, $0x38;
	[tilespmem:$0x8100] =	vst v63  }
0xbd: {  	_ =	swait.ge [sflag:s14], $0x4000  }
0xbe: {  	[sflag:s14] =	ssyncset.done $0x0  }
0xbf: {  	[sflag:s14] =	ssyncadd.s32 $0xFFFFC000  }
0xc0: {  	_ =	swait.ge [sflag:s15], $0x80  }
0xc1: {  	[sflag:s15] =	ssyncset.done $0x0  }
0xc2: {  	[sflag:s15] =	ssyncadd.s32 $0xFFFFFF80  }
0xc3: {  	[tilespmem:s6], [sflag:$0x1] =	stream.indirect.gather [hbm4b:s2+s5], $0x80, s3, s5, $0xb8;
	[tilespmem:$0x8100] =	vst v63  }
0xc4: {  	_ =	swait.ge [sflag:s7], $0x4000  }
0xc5: {  	[sflag:s7] =	ssyncset.done $0x0  }
0xc6: {  	[sflag:s7] =	ssyncadd.s32 $0xFFFFC000  }
0xc7: {  	[hbm4b:s21+s3] =	stream.linear.scatter [tilespmem:s6], [sflag:$0x3], $0x4000, $0x38;
	[tilespmem:$0x8100] =	vst v63  }
0xc8: {  	_ = 	snop  }
0xc9: {  	[tilespmem:s3], [sflag:$0x5] =	stream.linear.gather [hbm4b:s22+s3], $0x80, $0x38;
	[tilespmem:$0x8100] =	vst v63  }
0xca: {  	_ =	swait.ge [sflag:s17], $0x4000  }
0xcb: {  	[sflag:s17] =	ssyncset.done $0x0  }
0xcc: {  	[sflag:s17] =	ssyncadd.s32 $0xFFFFC000  }
0xcd: {  	_ =	swait.ge [sflag:s9], $0x80  }
0xce: {  	[sflag:s9] =	ssyncset.done $0x0  }
0xcf: {  	[sflag:s9] =	ssyncadd.s32 $0xFFFFFF80  }
0xd0: {  	[tilespmem:s10], [sflag:$0x2] =	stream.indirect.gather [hbm4b:s2+s5], $0x80, s5, s5, $0xb8;
	[tilespmem:$0x8100] =	vst v63  }
0xd1: {  	_ =	swait.ge [sflag:s11], $0x4000  }
0xd2: {  	[sflag:s11] =	ssyncset.done $0x0  }
0xd3: {  	[sflag:s11] =	ssyncadd.s32 $0xFFFFC000  }
0xd4: {  	[hbm4b:s23+s3] =	stream.linear.scatter [tilespmem:s10], [sflag:$0x4], $0x4000, $0x38;
	[tilespmem:$0x8100] =	vst v63  }
0xd5: {  	_ = 	snop  }
0xd6: {  	[tilespmem:s5], [sflag:$0x6] =	stream.linear.gather [hbm4b:s24+s3], $0x80, $0x38;
	[tilespmem:$0x8100] =	vst v63  }
0xd7: {  	_ =	swait.ge [sflag:s14], $0x4000  }
0xd8: {  	[sflag:s14] =	ssyncset.done $0x0  }
0xd9: {  	[sflag:s14] =	ssyncadd.s32 $0xFFFFC000  }
0xda: {  	_ =	swait.ge [sflag:s15], $0x80  }
0xdb: {  	[sflag:s15] =	ssyncset.done $0x0  }
0xdc: {  	[sflag:s15] =	ssyncadd.s32 $0xFFFFFF80  }
0xdd: {  	[tilespmem:s6], [sflag:$0x1] =	stream.indirect.gather [hbm4b:s2+s5], $0x80, s3, s5, $0xb8;
	[tilespmem:$0x8100] =	vst v63  }
0xde: {  	_ =	swait.ge [sflag:s7], $0x4000  }
0xdf: {  	[sflag:s7] =	ssyncset.done $0x0  }
0xe0: {  	[sflag:s7] =	ssyncadd.s32 $0xFFFFC000  }
0xe1: {  	[hbm4b:s25+s3] =	stream.linear.scatter [tilespmem:s6], [sflag:$0x3], $0x4000, $0x38;
	[tilespmem:$0x8100] =	vst v63  }
0xe2: {  	_ = 	snop  }
0xe3: {  	[tilespmem:s3], [sflag:$0x5] =	stream.linear.gather [hbm4b:s26+s3], $0x80, $0x38;
	[tilespmem:$0x8100] =	vst v63  }
0xe4: {  	_ =	swait.ge [sflag:s17], $0x4000  }
0xe5: {  	[sflag:s17] =	ssyncset.done $0x0  }
0xe6: {  	[sflag:s17] =	ssyncadd.s32 $0xFFFFC000  }
0xe7: {  	_ =	swait.ge [sflag:s9], $0x80  }
0xe8: {  	[sflag:s9] =	ssyncset.done $0x0  }
0xe9: {  	[sflag:s9] =	ssyncadd.s32 $0xFFFFFF80  }
0xea: {  	[tilespmem:s10], [sflag:$0x2] =	stream.indirect.gather [hbm4b:s2+s5], $0x80, s5, s5, $0xb8;
	[tilespmem:$0x8100] =	vst v63  }
0xeb: {  	_ =	swait.ge [sflag:s11], $0x4000  }
0xec: {  	[sflag:s11] =	ssyncset.done $0x0  }
0xed: {  	[sflag:s11] =	ssyncadd.s32 $0xFFFFC000  }
0xee: {  	[hbm4b:s28+s3] =	stream.linear.scatter [tilespmem:s10], [sflag:$0x4], $0x4000, $0x38;
	[tilespmem:$0x8100] =	vst v63  }
0xef: {  	_ = 	snop  }
0xf0: {  	[tilespmem:s5], [sflag:$0x6] =	stream.linear.gather [hbm4b:s29+s3], $0x80, $0x38;
	[tilespmem:$0x8100] =	vst v63  }
0xf1: {  	_ =	swait.ge [sflag:s14], $0x4000  }
0xf2: {  	[sflag:s14] =	ssyncset.done $0x0  }
0xf3: {  	[sflag:s14] =	ssyncadd.s32 $0xFFFFC000  }
0xf4: {  	_ =	swait.ge [sflag:s15], $0x80  }
0xf5: {  	[sflag:s15] =	ssyncset.done $0x0  }
0xf6: {  	[sflag:s15] =	ssyncadd.s32 $0xFFFFFF80  }
0xf7: {  	[tilespmem:s6], [sflag:$0x1] =	stream.indirect.gather [hbm4b:s2+s5], $0x80, s3, s5, $0xb8;
	[tilespmem:$0x8100] =	vst v63  }
0xf8: {  	_ =	swait.ge [sflag:s7], $0x4000  }
0xf9: {  	[sflag:s7] =	ssyncset.done $0x0  }
0xfa: {  	[sflag:s7] =	ssyncadd.s32 $0xFFFFC000  }
0xfb: {  	[hbm4b:s30+s3] =	stream.linear.scatter [tilespmem:s6], [sflag:$0x3], $0x4000, $0x38;
	[tilespmem:$0x8100] =	vst v63  }
0xfc: {  	_ =	swait.ge [sflag:s17], $0x4000  }
0xfd: {  	[sflag:s17] =	ssyncset.done $0x0  }
0xfe: {  	[sflag:s17] =	ssyncadd.s32 $0xFFFFC000  }
0xff: {  	_ =	swait.ge [sflag:s9], $0x80  }
0x100: {  	[sflag:s9] =	ssyncset.done $0x0  }
0x101: {  	[sflag:s9] =	ssyncadd.s32 $0xFFFFFF80  }
0x102: {  	[tilespmem:s10], [sflag:$0x2] =	stream.indirect.gather [hbm4b:s2+s5], $0x80, s5, s5, $0xb8;
	[tilespmem:$0x8100] =	vst v63  }
0x103: {  	_ =	swait.ge [sflag:s11], $0x4000  }
0x104: {  	[sflag:s11] =	ssyncset.done $0x0  }
0x105: {  	p0 =	sne.s32 s1, $0x1;
	[sflag:s11] =	ssyncadd.s32 $0xFFFFC000  }
0x106: {  	[hbm4b:s31+s3] =	stream.linear.scatter [tilespmem:s10], [sflag:$0x4], $0x4000, $0x38;
	[tilespmem:$0x8100] =	vst v63  }
.Ltmp1:
0x107: {  	_ =	swait.ge [sflag:s14], $0x4000;
	(pc) =	sbr.rel @p0 .LBB2_1-.Ltmp1, $4  }
0x108: {  	[sflag:s14] =	ssyncset.done $0x0  }
0x109: {  	[sflag:s14] =	ssyncadd.s32 $0xFFFFC000  }
0x10a: {  	_ =	swait.ge [sflag:s17], $0x4000  }
0x10b: {  	s1 =	sadd.s32 $0xFFFFFFFF, s1;
	[sflag:s17] =	ssyncset.done $0x0  }
.LBB2_2:
0x10c: {  	[sflag:s17] =	ssyncadd.s32 $0xFFFFC000  }
0x10d: {  	_ =	sfence.sel $0x180000  }
0x10e: {  	[bflag:$0x0] =	sbarrier.arrive $0xFFFF  }
0x10f: {  	_ =	strace $0x90000053  }
0x110: {  	s0 =	stileid.u32;
	[bflag:$0x2] =	sbarrier.arrive $0xFFFF  }
0x111: {  	p0 =	sne.s32 s0, $0x0;
	s0 =	rddreg [dreg:$0x2]  }
0x112: {  	s0 =	sadd.s32 @!p0 $0x100000, s0  }
0x113: {  	[sflag:s0] =	ssyncadd.tile.s32 @!p0 $0x1;
	_ =	shalt  }
.Lfunc_end2:
_tile_overlayer_lowered:
.L_overlay_start_2:
0x114: {  	(tag) =	ssettag $0x2  }
0x115: {  	s0 =	rddreg [dreg:$0x0];
	s2 =	stileid.u32  }
0x116: {  	s1 =	rddreg [dreg:$0x1];
	p0 =	sne.s32 s2, $0x0  }
0x117: {  	s3 =	rddreg [dreg:$0x2];
	[bflag:$0x3] =	sbarrier.arrive $0xFFFF;
	s2 =	simm.s32 @!p0 $0x1C07  }
0x118: {  	[timem:s3], [sflag:s2] =	dma.local @!p0 [hbm:s0], s1  }
0x119: {  	s0 =	simm.s32 @!p0 $0x7  }
0x11a: {  	_ =	swait.ge @!p0 [sflag:s0], s1  }
0x11b: {  	s1 =	ssub.s32 @!p0 $0x0, s1;
	[sflag:s0] =	ssyncset.done @!p0 $0x0  }
0x11c: {  	[sflag:s0] =	ssyncadd.s32 @!p0 s1  }
0x11d: {  	[bflag:$0x3] =	sbarrier.arrive $0xFFFF  }
0x11e: {  	_ =	shalt  }

</sc_bundles>
